<compile_context>
chip_gen: v7x
topology: tpu7x:2x2x1
jax: 0.10.2.dev20260603
libtpu: 0.0.44.dev20260713+nightly
codegen_flags: <defaults>
</compile_context>

<pallas_src>
import functools

import jax
import jax.numpy as jnp
from jax import lax
from jax.experimental import pallas as pl
from jax.experimental.pallas import tpu as pltpu
from jax.experimental.pallas import tpu_sc as plsc

N = 10000
E = 320000
D = 128
NT = 3
ET = 5
H = 4
DK = 32
NB = 2
SCALE = float((D / H) ** (-0.5))

NC = 2
NS = 16
NW = NC * NS
CH = 128
CPW = 80
NCHUNK_PAD = CPW * NW
EPAD = NCHUNK_PAD * CH
WW = 144
NP = 10240

BN = 1000
BE = 2048
NBLK_E = EPAD // BE


def _a_body(x_ref, nt_ref, kw_ref, kc_ref, qw_ref, qc_ref, vw_ref, vc_ref,
            aw_att_ref, aw_msg_ref, pri_ref, kv_ref, q_ref):
    x = x_ref[...]
    nt = nt_ref[...]

    def _proj(w_ref, c_ref):
        y0 = jnp.dot(x, w_ref[0], preferred_element_type=jnp.float32)
        y1 = jnp.dot(x, w_ref[1], preferred_element_type=jnp.float32)
        c0 = sum(jnp.where(nt == t, c_ref[t, 0], 0.0) for t in range(NT))
        c1 = sum(jnp.where(nt == t, c_ref[t, 1], 0.0) for t in range(NT))
        return c0 * y0 + c1 * y1

    k = _proj(kw_ref, kc_ref)
    v = _proj(vw_ref, vc_ref)
    q_ref[...] = _proj(qw_ref, qc_ref)

    half = jnp.uint32(0x8000)
    top = jnp.uint32(0xFFFF0000)
    for t in range(ET):
        kcols = []
        vcols = []
        for h in range(H):
            s = pri_ref[t, h] * SCALE
            kcols.append(jnp.dot(k[:, h * DK:(h + 1) * DK], aw_att_ref[t, h],
                                 preferred_element_type=jnp.float32) * s)
            vcols.append(jnp.dot(v[:, h * DK:(h + 1) * DK], aw_msg_ref[t, h],
                                 preferred_element_type=jnp.float32))
        ku = lax.bitcast_convert_type(jnp.concatenate(kcols, axis=1),
                                      jnp.uint32)
        vu = lax.bitcast_convert_type(jnp.concatenate(vcols, axis=1),
                                      jnp.uint32)
        word = ((ku + half) & top) | ((vu + half) >> 16)
        kv_ref[t] = lax.bitcast_convert_type(word, jnp.float32)


def _dense_prep(x, node_type, kw, kc, qw, qc, vw, vc, att_w, msg_w, pri):
    full = lambda shp: pl.BlockSpec(shp, lambda i: tuple(0 for _ in shp))
    return pl.pallas_call(
        _a_body,
        grid=(N // BN,),
        in_specs=[
            pl.BlockSpec((BN, D), lambda i: (i, 0)),
            pl.BlockSpec((BN, 1), lambda i: (i, 0)),
            full((NB, D, D)), full((NT, NB)),
            full((NB, D, D)), full((NT, NB)),
            full((NB, D, D)), full((NT, NB)),
            full((ET, H, DK, DK)), full((ET, H, DK, DK)),
            full((ET, H)),
        ],
        out_specs=[
            pl.BlockSpec((ET, BN, D), lambda i: (0, i, 0)),
            pl.BlockSpec((BN, D), lambda i: (i, 0)),
        ],
        out_shape=[
            jax.ShapeDtypeStruct((ET, N, D), jnp.float32),
            jax.ShapeDtypeStruct((N, D), jnp.float32),
        ],
    )(x, node_type, kw, kc, qw, qc, vw, vc, att_w, msg_w, pri)


def _gather_call(kv, q, gidx, didx):
    mesh = plsc.VectorSubcoreMesh(core_axis_name="c", subcore_axis_name="s")

    @functools.partial(
        pl.kernel, mesh=mesh,
        out_type=[
            jax.ShapeDtypeStruct((EPAD, D), jnp.float32),
            jax.ShapeDtypeStruct((EPAD, D), jnp.float32),
        ],
        scratch_types=[
            pltpu.VMEM((CPW, CH), jnp.int32),
            pltpu.VMEM((CPW, CH), jnp.int32),
            pltpu.VMEM((2, CH, D), jnp.float32),
            pltpu.VMEM((2, CH, D), jnp.float32),
            [pltpu.SemaphoreType.DMA] * 8,
        ],
    )
    def _gather(kv_hbm, q_hbm, gidx_hbm, didx_hbm, okv_hbm, oq_hbm,
                gidx_v, didx_v, kvbuf, qbuf, sems):
        wid = lax.axis_index("c") * NS + lax.axis_index("s")
        sg_kv, sg_q, so_kv, so_q = sems[0:2], sems[2:4], sems[4:6], sems[6:8]
        base = wid * CPW * CH

        pltpu.sync_copy(gidx_hbm.at[wid], gidx_v)
        pltpu.sync_copy(didx_hbm.at[wid], didx_v)

        def start_gather(j, b):
            pltpu.make_async_copy(kv_hbm.at[gidx_v.at[j]], kvbuf.at[b],
                                  sg_kv[b]).start()
            pltpu.make_async_copy(q_hbm.at[didx_v.at[j]], qbuf.at[b],
                                  sg_q[b]).start()

        def wait_gather(j, b):
            pltpu.make_async_copy(kv_hbm.at[gidx_v.at[j]], kvbuf.at[b],
                                  sg_kv[b]).wait()
            pltpu.make_async_copy(q_hbm.at[didx_v.at[j]], qbuf.at[b],
                                  sg_q[b]).wait()

        def start_out(j, b):
            g = base + j * CH
            pltpu.make_async_copy(kvbuf.at[b], okv_hbm.at[pl.ds(g, CH)],
                                  so_kv[b]).start()
            pltpu.make_async_copy(qbuf.at[b], oq_hbm.at[pl.ds(g, CH)],
                                  so_q[b]).start()

        def wait_out(b):
            pltpu.make_async_copy(kvbuf.at[b], okv_hbm.at[pl.ds(0, CH)],
                                  so_kv[b]).wait()
            pltpu.make_async_copy(qbuf.at[b], oq_hbm.at[pl.ds(0, CH)],
                                  so_q[b]).wait()

        start_gather(0, 0)

        @pl.loop(0, CPW // 2)
        def _(jj):
            j0 = jj * 2
            @pl.when(jj > 0)
            def _():
                wait_out(1)
            start_gather(j0 + 1, 1)
            wait_gather(j0, 0)
            start_out(j0, 0)
            wait_out(0)

            @pl.when(jj < CPW // 2 - 1)
            def _():
                start_gather(j0 + 2, 0)
            wait_gather(j0 + 1, 1)
            start_out(j0 + 1, 1)

        wait_out(1)

    return _gather(kv, q, gidx, didx)


def _c_body(kv_ref, q_ref, w_ref):
    wu = lax.bitcast_convert_type(kv_ref[...], jnp.uint32)
    krel = lax.bitcast_convert_type(wu & jnp.uint32(0xFFFF0000), jnp.float32)
    vrel = lax.bitcast_convert_type(wu << 16, jnp.float32)
    prod = krel * q_ref[...]
    chunks = []
    exps = []
    for h in range(H):
        a = jnp.sum(prod[:, h * DK:(h + 1) * DK], axis=1, keepdims=True)
        e = jnp.exp(a)
        exps.append(e)
        chunks.append(vrel[:, h * DK:(h + 1) * DK] * e)
    tail = jnp.concatenate(exps + [jnp.zeros((BE, WW - D - H), jnp.float32)],
                           axis=1)
    w_ref[...] = jnp.concatenate(chunks + [tail], axis=1)


def _edge_math(kvg, qg):
    return pl.pallas_call(
        _c_body,
        grid=(NBLK_E,),
        in_specs=[
            pl.BlockSpec((BE, D), lambda i: (i, 0)),
            pl.BlockSpec((BE, D), lambda i: (i, 0)),
        ],

        out_specs=pl.BlockSpec((BE, WW), lambda i: (i, 0)),
        out_shape=jax.ShapeDtypeStruct((EPAD, WW), jnp.float32),
    )(kvg, qg)


def _scatter_call(w, sdst, zrow):
    mesh = plsc.VectorSubcoreMesh(core_axis_name="c", subcore_axis_name="s")
    rps = NP // NS
    zc = rps // CH

    @functools.partial(
        pl.kernel, mesh=mesh,
        out_type=jax.ShapeDtypeStruct((NC, NP, WW), jnp.float32),
        compiler_params=pltpu.CompilerParams(use_tc_tiling_on_sc=False),
        scratch_types=[
            pltpu.VMEM((2, CH), jnp.int32),
            pltpu.VMEM((2, CH, WW), jnp.float32),
            pltpu.VMEM_SHARED((NP, WW), jnp.float32),
            [pltpu.SemaphoreType.DMA] * 4,
        ],
    )
    def _scatter(w_hbm, sdst_hbm, z_hbm, out_hbm, ibuf, wbuf, acc, sems):
        cid = lax.axis_index("c")
        sid = lax.axis_index("s")
        wid = cid * NS + sid
        base = wid * CPW * CH
        sw, si = sems[0:2], sems[2:4]

        @pl.loop(0, zc)
        def _(z):
            pltpu.sync_copy(z_hbm, acc.at[pl.ds(sid * rps + z * CH, CH)])

        plsc.subcore_barrier()

        def start_ld(j, b):
            pltpu.make_async_copy(w_hbm.at[pl.ds(base + j * CH, CH)],
                                  wbuf.at[b], sw[b]).start()
            pltpu.make_async_copy(sdst_hbm.at[wid, j], ibuf.at[b],
                                  si[b]).start()

        def wait_ld(j, b):
            pltpu.make_async_copy(w_hbm.at[pl.ds(base + j * CH, CH)],
                                  wbuf.at[b], sw[b]).wait()
            pltpu.make_async_copy(sdst_hbm.at[wid, j], ibuf.at[b],
                                  si[b]).wait()

        def scat(j, b):
            pltpu.sync_copy(wbuf.at[b], acc.at[ibuf.at[b]], add=True)

        start_ld(0, 0)

        @pl.loop(0, CPW // 2)
        def _(jj):
            j0 = jj * 2
            start_ld(j0 + 1, 1)
            wait_ld(j0, 0)
            scat(j0, 0)

            @pl.when(jj < CPW // 2 - 1)
            def _():
                start_ld(j0 + 2, 0)
            wait_ld(j0 + 1, 1)
            scat(j0 + 1, 1)

        plsc.subcore_barrier()

        @pl.loop(0, zc)
        def _(z):
            r = sid * rps + z * CH
            pltpu.sync_copy(acc.at[pl.ds(r, CH)], out_hbm.at[cid, pl.ds(r, CH)])

    return _scatter(w, sdst, zrow)


def _e_body(p_ref, x_ref, nt_ref, aw_ref, ac_ref, lw_ref, b_ref, o_ref):
    tot = p_ref[0] + p_ref[1]
    numer = tot[:, :D]
    cols = []
    for h in range(H):
        d = tot[:, D + h:D + h + 1]
        cols.append(numer[:, h * DK:(h + 1) * DK] / (d + 1e-9))
    agg = jnp.concatenate(cols, axis=1)
    y0 = jnp.dot(agg, aw_ref[0], preferred_element_type=jnp.float32)
    y1 = jnp.dot(agg, aw_ref[1], preferred_element_type=jnp.float32)
    nt = nt_ref[...]
    c0 = sum(jnp.where(nt == t, ac_ref[t, 0], 0.0) for t in range(NT))
    c1 = sum(jnp.where(nt == t, ac_ref[t, 1], 0.0) for t in range(NT))
    h_out = c0 * y0 + c1 * y1
    h_out = h_out + jnp.dot(x_ref[...], lw_ref[...],
                            preferred_element_type=jnp.float32)
    h_out = h_out + b_ref[...]
    o_ref[...] = jnp.maximum(h_out, 0.0)


def _finalize(partials, x, node_type, aw, ac, lw, bias):
    full = lambda shp: pl.BlockSpec(shp, lambda i: tuple(0 for _ in shp))
    return pl.pallas_call(
        _e_body,
        grid=(N // BN,),
        in_specs=[
            pl.BlockSpec((NC, BN, WW), lambda i: (0, i, 0)),
            pl.BlockSpec((BN, D), lambda i: (i, 0)),
            pl.BlockSpec((BN, 1), lambda i: (i, 0)),
            full((NB, D, D)), full((NT, NB)), full((D, D)),
            pl.BlockSpec((1, D), lambda i: (0, 0)),
        ],
        out_specs=pl.BlockSpec((BN, D), lambda i: (i, 0)),
        out_shape=jax.ShapeDtypeStruct((N, D), jnp.float32),
    )(partials, x, node_type, aw, ac, lw, bias)


def kernel(x, edge_index, node_type, edge_type, k_w_comp, k_weight,
           q_w_comp, q_weight, v_w_comp, v_weight, a_w_comp, a_weight,
           relation_pri, relation_att, relation_msg, loop_weight, bias):
    src = edge_index[0]
    dst = edge_index[1]
    nt2 = node_type.reshape(N, 1)
    kw = k_weight.reshape(NB, D, D)
    qw = q_weight.reshape(NB, D, D)
    vw = v_weight.reshape(NB, D, D)
    aw = a_weight.reshape(NB, D, D)

    kv, q = _dense_prep(x, nt2, kw, k_w_comp, qw, q_w_comp, vw, v_w_comp,
                        relation_att, relation_msg, relation_pri)
    kv2 = kv.reshape(ET * N, D)

    pad = EPAD - E
    gidx = jnp.concatenate([edge_type * N + src,
                            jnp.zeros((pad,), jnp.int32)]).reshape(NW, CPW, CH)
    didx = jnp.concatenate([dst, jnp.zeros((pad,), jnp.int32)]
                           ).reshape(NW, CPW, CH)
    sdst = jnp.concatenate([dst, jnp.full((pad,), N, jnp.int32)]
                           ).reshape(NW, CPW, CH)

    kvg, qg = _gather_call(kv2, q, gidx, didx)
    w = _edge_math(kvg, qg)
    partials = _scatter_call(w, sdst, jnp.zeros((CH, WW), jnp.float32))
    return _finalize(partials, x, nt2, aw, a_w_comp, loop_weight,
                     bias.reshape(1, D))

# --- scband reference (transcript-rebuilt; emitter-appended) ---
"""Pipeline reference for scband-hetero-graph-trans-layer-1958505087672 (READ-ONLY COPY).

The authoritative reference and input builder live on the scoring server;
editing this copy changes nothing except your own understanding.
"""

import jax, jax.numpy as jnp
import numpy as np

N = 10000
E = 320000
D_IN = 128
D_HID = 128
NT = 3
ET = 5
H = 4
DK = D_HID // H
NB = 2
SCALE = (D_HID / H) ** (-0.5)

def decomp_transform(x, types, w_comp, weight):
    W = jnp.matmul(w_comp, weight)
    w = jnp.take(W, types, axis=0).reshape(-1, D_IN, D_HID)
    return jnp.einsum('ni,nio->no', x, w)

def setup_inputs(seed: int = 0):
    key = jax.random.key(seed)
    ks = jax.random.split(key, 16)
    x = jax.random.normal(ks[0], (N, D_IN), dtype=jnp.float32)
    edge_index = jax.random.randint(ks[1], (2, E), 0, N, dtype=jnp.int32)
    node_type = jax.random.randint(ks[2], (N,), 0, NT, dtype=jnp.int32)
    edge_type = jax.random.randint(ks[3], (E,), 0, ET, dtype=jnp.int32)
    k_w_comp = jax.random.normal(ks[4], (NT, NB), dtype=jnp.float32) * 0.1
    k_weight = jax.random.normal(ks[5], (NB, D_IN * D_HID), dtype=jnp.float32) * 0.05
    q_w_comp = jax.random.normal(ks[6], (NT, NB), dtype=jnp.float32) * 0.1
    q_weight = jax.random.normal(ks[7], (NB, D_IN * D_HID), dtype=jnp.float32) * 0.05
    v_w_comp = jax.random.normal(ks[8], (NT, NB), dtype=jnp.float32) * 0.1
    v_weight = jax.random.normal(ks[9], (NB, D_IN * D_HID), dtype=jnp.float32) * 0.05
    a_w_comp = jax.random.normal(ks[10], (NT, NB), dtype=jnp.float32) * 0.1
    a_weight = jax.random.normal(ks[11], (NB, D_HID * D_HID), dtype=jnp.float32) * 0.05
    relation_pri = jnp.ones((ET, H), dtype=jnp.float32)
    relation_att = jax.random.normal(ks[12], (ET, H, DK, DK), dtype=jnp.float32) * 0.1
    relation_msg = jax.random.normal(ks[13], (ET, H, DK, DK), dtype=jnp.float32) * 0.1
    loop_weight = jax.random.normal(ks[14], (D_IN, D_HID), dtype=jnp.float32) * 0.05
    bias = jnp.zeros((D_HID,), dtype=jnp.float32)
    return {'x': x, 'edge_index': edge_index, 'node_type': node_type, 'edge_type': edge_type, 'k_w_comp': k_w_comp, 'k_weight': k_weight, 'q_w_comp': q_w_comp, 'q_weight': q_weight, 'v_w_comp': v_w_comp, 'v_weight': v_weight, 'a_w_comp': a_w_comp, 'a_weight': a_weight, 'relation_pri': relation_pri, 'relation_att': relation_att, 'relation_msg': relation_msg, 'loop_weight': loop_weight, 'bias': bias}

def reference(x, edge_index, node_type, edge_type, k_w_comp, k_weight, q_w_comp, q_weight, v_w_comp, v_weight, a_w_comp, a_weight, relation_pri, relation_att, relation_msg, loop_weight, bias):
    src = edge_index[0]
    dst = edge_index[1]
    k = decomp_transform(x, node_type, k_w_comp, k_weight).reshape(N, H, DK)
    q = decomp_transform(x, node_type, q_w_comp, q_weight).reshape(N, H, DK)
    v = decomp_transform(x, node_type, v_w_comp, v_weight).reshape(N, H, DK)
    k_src = jnp.take(k, src, axis=0)
    v_src = jnp.take(v, src, axis=0)
    q_dst = jnp.take(q, dst, axis=0)
    att_w = jnp.take(relation_att, edge_type, axis=0)
    msg_w = jnp.take(relation_msg, edge_type, axis=0)
    pri = jnp.take(relation_pri, edge_type, axis=0)
    k_rel = jnp.einsum('ehd,ehdf->ehf', k_src, att_w)
    att = jnp.sum(k_rel * q_dst, axis=-1) * pri * SCALE
    att_max = jax.ops.segment_max(att, dst, num_segments=N)
    att_max = jnp.where(jnp.isfinite(att_max), att_max, 0.0)
    att_exp = jnp.exp(att - jnp.take(att_max, dst, axis=0))
    denom = jax.ops.segment_sum(att_exp, dst, num_segments=N)
    alpha = att_exp / (jnp.take(denom, dst, axis=0) + 1e-9)
    msg = jnp.einsum('ehd,ehdf->ehf', v_src, msg_w)
    agg = jax.ops.segment_sum(alpha[:, :, None] * msg, dst, num_segments=N)
    h = decomp_transform(agg.reshape(N, D_HID), node_type, a_w_comp, a_weight)
    h = h + jnp.matmul(x, loop_weight)
    h = h + bias
    return jax.nn.relu(h)

if __name__ == "__main__":
    import jax
    _d = setup_inputs()
    print(jax.jit(kernel)(*tuple(_d.values())))

</pallas_src>

<mosaic_0001>
#map = affine_map<(d0, d1) -> (0, 0)>
#map1 = affine_map<(d0, d1) -> (0, 0, 0)>
module attributes {stable_mosaic.version = 14 : i64} {
  func.func @_gather(%arg0: i32, %arg1: i32, %arg2: memref<50000x128xf32, #tpu.memory_space<hbm>>, %arg3: memref<10000x128xf32, #tpu.memory_space<hbm>>, %arg4: memref<32x80x128xi32, #tpu.memory_space<hbm>>, %arg5: memref<32x80x128xi32, #tpu.memory_space<hbm>>, %arg6: memref<327680x128xf32, #tpu.memory_space<hbm>>, %arg7: memref<327680x128xf32, #tpu.memory_space<hbm>>, %arg8: memref<80x128xi32, #tpu.memory_space<vmem>>, %arg9: memref<80x128xi32, #tpu.memory_space<vmem>>, %arg10: memref<2x128x128xf32, #tpu.memory_space<vmem>>, %arg11: memref<2x128x128xf32, #tpu.memory_space<vmem>>, %arg12: memref<!tpu.dma_semaphore, #tpu.memory_space<semaphore_mem>>, %arg13: memref<!tpu.dma_semaphore, #tpu.memory_space<semaphore_mem>>, %arg14: memref<!tpu.dma_semaphore, #tpu.memory_space<semaphore_mem>>, %arg15: memref<!tpu.dma_semaphore, #tpu.memory_space<semaphore_mem>>, %arg16: memref<!tpu.dma_semaphore, #tpu.memory_space<semaphore_mem>>, %arg17: memref<!tpu.dma_semaphore, #tpu.memory_space<semaphore_mem>>, %arg18: memref<!tpu.dma_semaphore, #tpu.memory_space<semaphore_mem>>, %arg19: memref<!tpu.dma_semaphore, #tpu.memory_space<semaphore_mem>>) attributes {dimension_semantics = [#tpu.dimension_semantics<core_parallel>, #tpu.dimension_semantics<subcore_parallel>], iteration_bounds = array<i64: 2, 16>, scalar_prefetch = 0 : i64, scratch_operands = 12 : i64, tpu.core_type = #tpu.core_type<sc_vector_subcore>, window_params = [{transform_indices = #map}, {transform_indices = #map}, {transform_indices = #map1}, {transform_indices = #map1}, {transform_indices = #map}, {transform_indices = #map}]} {
    %mul3A = arith.constant 16 : i32
    %mul3A_0 = arith.muli %arg0, %mul3A : i32
    %add3A = arith.addi %mul3A_0, %arg1 : i32
    %mul3A_1 = arith.constant 80 : i32
    %mul3A_2 = arith.muli %add3A, %mul3A_1 : i32
    %mul3A_3 = arith.constant 128 : i32
    %mul3A_4 = arith.muli %mul3A_2, %mul3A_3 : i32
    "tpu.region"() ({
      %run_scoped3A = tpu.sem_alloc : memref<!tpu.dma_semaphore, #tpu.memory_space<semaphore_mem>>
      %dma_start3A_61 = arith.constant 0 : i32
      %dma_start3A_62 = arith.constant 0 : i32
      %dma_start3A_63 = tpu.memref_slice %arg4[%add3A, %dma_start3A_61, %dma_start3A_62] : memref<32x80x128xi32, #tpu.memory_space<hbm>> -> memref<1x80x128xi32, #tpu.memory_space<hbm>>
      %dma_start3A_64 = tpu.memref_squeeze %dma_start3A_63 : memref<1x80x128xi32, #tpu.memory_space<hbm>> -> memref<80x128xi32, #tpu.memory_space<hbm>>
      %dma_start3A_65 = arith.constant 0 : i32
      %dma_start3A_66 = arith.constant 0 : i32
      %dma_start3A_67 = tpu.memref_slice %arg4[%add3A, %dma_start3A_65, %dma_start3A_66] : memref<32x80x128xi32, #tpu.memory_space<hbm>> -> memref<1x80x128xi32, #tpu.memory_space<hbm>>
      %dma_start3A_68 = tpu.memref_squeeze %dma_start3A_67 : memref<1x80x128xi32, #tpu.memory_space<hbm>> -> memref<80x128xi32, #tpu.memory_space<hbm>>
      tpu.enqueue_dma source(%dma_start3A_68 : memref<80x128xi32, #tpu.memory_space<hbm>>) target(%arg8 : memref<80x128xi32, #tpu.memory_space<vmem>>) target_semaphore(%run_scoped3A : memref<!tpu.dma_semaphore, #tpu.memory_space<semaphore_mem>>)
      %dma_wait3A_69 = arith.constant 0 : i32
      %dma_wait3A_70 = arith.constant 0 : i32
      %dma_wait3A_71 = tpu.memref_slice %arg4[%add3A, %dma_wait3A_69, %dma_wait3A_70] : memref<32x80x128xi32, #tpu.memory_space<hbm>> -> memref<1x80x128xi32, #tpu.memory_space<hbm>>
      %dma_wait3A_72 = tpu.memref_squeeze %dma_wait3A_71 : memref<1x80x128xi32, #tpu.memory_space<hbm>> -> memref<80x128xi32, #tpu.memory_space<hbm>>
      %dma_wait3A_73 = arith.constant 0 : i32
      %dma_wait3A_74 = arith.constant 0 : i32
      %dma_wait3A_75 = tpu.memref_slice %arg4[%add3A, %dma_wait3A_73, %dma_wait3A_74] : memref<32x80x128xi32, #tpu.memory_space<hbm>> -> memref<1x80x128xi32, #tpu.memory_space<hbm>>
      %dma_wait3A_76 = tpu.memref_squeeze %dma_wait3A_75 : memref<1x80x128xi32, #tpu.memory_space<hbm>> -> memref<80x128xi32, #tpu.memory_space<hbm>>
      tpu.wait_dma2 semaphore(%run_scoped3A : memref<!tpu.dma_semaphore, #tpu.memory_space<semaphore_mem>>) src(%dma_wait3A_76 : memref<80x128xi32, #tpu.memory_space<hbm>>) dst(%arg8 : memref<80x128xi32, #tpu.memory_space<vmem>>)
      tpu.yield
    }) : () -> ()
    "tpu.region"() ({
      %run_scoped3A = tpu.sem_alloc : memref<!tpu.dma_semaphore, #tpu.memory_space<semaphore_mem>>
      %dma_start3A_61 = arith.constant 0 : i32
      %dma_start3A_62 = arith.constant 0 : i32
      %dma_start3A_63 = tpu.memref_slice %arg5[%add3A, %dma_start3A_61, %dma_start3A_62] : memref<32x80x128xi32, #tpu.memory_space<hbm>> -> memref<1x80x128xi32, #tpu.memory_space<hbm>>
      %dma_start3A_64 = tpu.memref_squeeze %dma_start3A_63 : memref<1x80x128xi32, #tpu.memory_space<hbm>> -> memref<80x128xi32, #tpu.memory_space<hbm>>
      %dma_start3A_65 = arith.constant 0 : i32
      %dma_start3A_66 = arith.constant 0 : i32
      %dma_start3A_67 = tpu.memref_slice %arg5[%add3A, %dma_start3A_65, %dma_start3A_66] : memref<32x80x128xi32, #tpu.memory_space<hbm>> -> memref<1x80x128xi32, #tpu.memory_space<hbm>>
      %dma_start3A_68 = tpu.memref_squeeze %dma_start3A_67 : memref<1x80x128xi32, #tpu.memory_space<hbm>> -> memref<80x128xi32, #tpu.memory_space<hbm>>
      tpu.enqueue_dma source(%dma_start3A_68 : memref<80x128xi32, #tpu.memory_space<hbm>>) target(%arg9 : memref<80x128xi32, #tpu.memory_space<vmem>>) target_semaphore(%run_scoped3A : memref<!tpu.dma_semaphore, #tpu.memory_space<semaphore_mem>>)
      %dma_wait3A_69 = arith.constant 0 : i32
      %dma_wait3A_70 = arith.constant 0 : i32
      %dma_wait3A_71 = tpu.memref_slice %arg5[%add3A, %dma_wait3A_69, %dma_wait3A_70] : memref<32x80x128xi32, #tpu.memory_space<hbm>> -> memref<1x80x128xi32, #tpu.memory_space<hbm>>
      %dma_wait3A_72 = tpu.memref_squeeze %dma_wait3A_71 : memref<1x80x128xi32, #tpu.memory_space<hbm>> -> memref<80x128xi32, #tpu.memory_space<hbm>>
      %dma_wait3A_73 = arith.constant 0 : i32
      %dma_wait3A_74 = arith.constant 0 : i32
      %dma_wait3A_75 = tpu.memref_slice %arg5[%add3A, %dma_wait3A_73, %dma_wait3A_74] : memref<32x80x128xi32, #tpu.memory_space<hbm>> -> memref<1x80x128xi32, #tpu.memory_space<hbm>>
      %dma_wait3A_76 = tpu.memref_squeeze %dma_wait3A_75 : memref<1x80x128xi32, #tpu.memory_space<hbm>> -> memref<80x128xi32, #tpu.memory_space<hbm>>
      tpu.wait_dma2 semaphore(%run_scoped3A : memref<!tpu.dma_semaphore, #tpu.memory_space<semaphore_mem>>) src(%dma_wait3A_76 : memref<80x128xi32, #tpu.memory_space<hbm>>) dst(%arg9 : memref<80x128xi32, #tpu.memory_space<vmem>>)
      tpu.yield
    }) : () -> ()
    %dma_start3A = arith.constant 0 : i32
    %dma_start3A_5 = arith.constant 0 : i32
    %dma_start3A_6 = arith.constant 0 : i32
    %dma_start3A_7 = arith.constant 0 : i32
    %dma_start3A_8 = tpu.memref_slice %arg10[%dma_start3A_5, %dma_start3A_6, %dma_start3A_7] : memref<2x128x128xf32, #tpu.memory_space<vmem>> -> memref<1x128x128xf32, #tpu.memory_space<vmem>>
    %dma_start3A_9 = tpu.memref_squeeze %dma_start3A_8 : memref<1x128x128xf32, #tpu.memory_space<vmem>> -> memref<128x128xf32, #tpu.memory_space<vmem>>
    %dma_start3A_10 = arith.constant 0 : i32
    %dma_start3A_11 = tpu.memref_slice %arg8[%dma_start3A, %dma_start3A_10] : memref<80x128xi32, #tpu.memory_space<vmem>> -> memref<1x128xi32, #tpu.memory_space<vmem>>
    %dma_start3A_12 = tpu.memref_squeeze %dma_start3A_11 : memref<1x128xi32, #tpu.memory_space<vmem>> -> memref<128xi32, #tpu.memory_space<vmem>>
    %dma_start3A_13 = arith.constant 0 : i32
    %dma_start3A_14 = arith.constant 0 : i32
    %dma_start3A_15 = tpu.memref_slice %arg2[%dma_start3A_13, %dma_start3A_14] : memref<50000x128xf32, #tpu.memory_space<hbm>> -> memref<50000x128xf32, #tpu.memory_space<hbm>>
    tpu.enqueue_indirect_dma source(%dma_start3A_15 : memref<50000x128xf32, #tpu.memory_space<hbm>>) target(%dma_start3A_9 : memref<128x128xf32, #tpu.memory_space<vmem>>) offsets(%dma_start3A_12 : memref<128xi32, #tpu.memory_space<vmem>>) semaphore(%arg12 : memref<!tpu.dma_semaphore, #tpu.memory_space<semaphore_mem>>)
    %dma_start3A_16 = arith.constant 0 : i32
    %dma_start3A_17 = arith.constant 0 : i32
    %dma_start3A_18 = arith.constant 0 : i32
    %dma_start3A_19 = arith.constant 0 : i32
    %dma_start3A_20 = tpu.memref_slice %arg11[%dma_start3A_17, %dma_start3A_18, %dma_start3A_19] : memref<2x128x128xf32, #tpu.memory_space<vmem>> -> memref<1x128x128xf32, #tpu.memory_space<vmem>>
    %dma_start3A_21 = tpu.memref_squeeze %dma_start3A_20 : memref<1x128x128xf32, #tpu.memory_space<vmem>> -> memref<128x128xf32, #tpu.memory_space<vmem>>
    %dma_start3A_22 = arith.constant 0 : i32
    %dma_start3A_23 = tpu.memref_slice %arg9[%dma_start3A_16, %dma_start3A_22] : memref<80x128xi32, #tpu.memory_space<vmem>> -> memref<1x128xi32, #tpu.memory_space<vmem>>
    %dma_start3A_24 = tpu.memref_squeeze %dma_start3A_23 : memref<1x128xi32, #tpu.memory_space<vmem>> -> memref<128xi32, #tpu.memory_space<vmem>>
    %dma_start3A_25 = arith.constant 0 : i32
    %dma_start3A_26 = arith.constant 0 : i32
    %dma_start3A_27 = tpu.memref_slice %arg3[%dma_start3A_25, %dma_start3A_26] : memref<10000x128xf32, #tpu.memory_space<hbm>> -> memref<10000x128xf32, #tpu.memory_space<hbm>>
    tpu.enqueue_indirect_dma source(%dma_start3A_27 : memref<10000x128xf32, #tpu.memory_space<hbm>>) target(%dma_start3A_21 : memref<128x128xf32, #tpu.memory_space<vmem>>) offsets(%dma_start3A_24 : memref<128xi32, #tpu.memory_space<vmem>>) semaphore(%arg14 : memref<!tpu.dma_semaphore, #tpu.memory_space<semaphore_mem>>)
    %scan3A = arith.constant 0 : i32
    %scan3A_28 = arith.constant 40 : i32
    %scan3A_29 = arith.addi %scan3A, %scan3A_28 : i32
    %scan3A_30 = arith.constant 1 : i32
    scf.for %scan3A_61 = %scan3A to %scan3A_29 step %scan3A_30  : i32 {
      %mul3A_62 = arith.constant 1 : i32
      %mul3A_63 = arith.muli %scan3A_61, %mul3A_62 : i32
      %add3A_64 = arith.constant 0 : i32
      %add3A_65 = arith.addi %add3A_64, %mul3A_63 : i32
      %mul3A_66 = arith.constant 2 : i32
      %mul3A_67 = arith.muli %add3A_65, %mul3A_66 : i32
      %gt3A = arith.constant 0 : i32
      %gt3A_68 = arith.cmpi sgt, %add3A_65, %gt3A : i32
      %convert_element_type3A = arith.extui %gt3A_68 : i1 to i32
      %cond3A = arith.constant 0 : i32
      %cond3A_69 = arith.cmpi ne, %convert_element_type3A, %cond3A : i32
      scf.if %cond3A_69 {
        %dma_wait3A_234 = arith.constant 1 : i32
        %dma_wait3A_235 = arith.constant 0 : i32
        %dma_wait3A_236 = arith.constant 0 : i32
        %dma_wait3A_237 = tpu.memref_slice %arg10[%dma_wait3A_234, %dma_wait3A_235, %dma_wait3A_236] : memref<2x128x128xf32, #tpu.memory_space<vmem>> -> memref<1x128x128xf32, #tpu.memory_space<vmem>>
        %dma_wait3A_238 = tpu.memref_squeeze %dma_wait3A_237 : memref<1x128x128xf32, #tpu.memory_space<vmem>> -> memref<128x128xf32, #tpu.memory_space<vmem>>
        %dma_wait3A_239 = arith.constant 0 : i32
        %dma_wait3A_240 = arith.constant 0 : i32
        %dma_wait3A_241 = tpu.memref_slice %arg6[%dma_wait3A_239, %dma_wait3A_240] : memref<327680x128xf32, #tpu.memory_space<hbm>> -> memref<128x128xf32, #tpu.memory_space<hbm>>
        %dma_wait3A_242 = arith.constant 0 : i32
        %dma_wait3A_243 = arith.constant 0 : i32
        %dma_wait3A_244 = tpu.memref_slice %arg6[%dma_wait3A_242, %dma_wait3A_243] : memref<327680x128xf32, #tpu.memory_space<hbm>> -> memref<128x128xf32, #tpu.memory_space<hbm>>
        %dma_wait3A_245 = arith.constant 0 : i32
        %dma_wait3A_246 = arith.constant 0 : i32
        %dma_wait3A_247 = tpu.memref_slice %arg10[%dma_wait3A_234, %dma_wait3A_245, %dma_wait3A_246] : memref<2x128x128xf32, #tpu.memory_space<vmem>> -> memref<1x128x128xf32, #tpu.memory_space<vmem>>
        %dma_wait3A_248 = tpu.memref_squeeze %dma_wait3A_247 : memref<1x128x128xf32, #tpu.memory_space<vmem>> -> memref<128x128xf32, #tpu.memory_space<vmem>>
        tpu.wait_dma2 semaphore(%arg17 : memref<!tpu.dma_semaphore, #tpu.memory_space<semaphore_mem>>) src(%dma_wait3A_248 : memref<128x128xf32, #tpu.memory_space<vmem>>) dst(%dma_wait3A_244 : memref<128x128xf32, #tpu.memory_space<hbm>>)
        %dma_wait3A_249 = arith.constant 1 : i32
        %dma_wait3A_250 = arith.constant 0 : i32
        %dma_wait3A_251 = arith.constant 0 : i32
        %dma_wait3A_252 = tpu.memref_slice %arg11[%dma_wait3A_249, %dma_wait3A_250, %dma_wait3A_251] : memref<2x128x128xf32, #tpu.memory_space<vmem>> -> memref<1x128x128xf32, #tpu.memory_space<vmem>>
        %dma_wait3A_253 = tpu.memref_squeeze %dma_wait3A_252 : memref<1x128x128xf32, #tpu.memory_space<vmem>> -> memref<128x128xf32, #tpu.memory_space<vmem>>
        %dma_wait3A_254 = arith.constant 0 : i32
        %dma_wait3A_255 = arith.constant 0 : i32
        %dma_wait3A_256 = tpu.memref_slice %arg7[%dma_wait3A_254, %dma_wait3A_255] : memref<327680x128xf32, #tpu.memory_space<hbm>> -> memref<128x128xf32, #tpu.memory_space<hbm>>
        %dma_wait3A_257 = arith.constant 0 : i32
        %dma_wait3A_258 = arith.constant 0 : i32
        %dma_wait3A_259 = tpu.memref_slice %arg7[%dma_wait3A_257, %dma_wait3A_258] : memref<327680x128xf32, #tpu.memory_space<hbm>> -> memref<128x128xf32, #tpu.memory_space<hbm>>
        %dma_wait3A_260 = arith.constant 0 : i32
        %dma_wait3A_261 = arith.constant 0 : i32
        %dma_wait3A_262 = tpu.memref_slice %arg11[%dma_wait3A_249, %dma_wait3A_260, %dma_wait3A_261] : memref<2x128x128xf32, #tpu.memory_space<vmem>> -> memref<1x128x128xf32, #tpu.memory_space<vmem>>
        %dma_wait3A_263 = tpu.memref_squeeze %dma_wait3A_262 : memref<1x128x128xf32, #tpu.memory_space<vmem>> -> memref<128x128xf32, #tpu.memory_space<vmem>>
        tpu.wait_dma2 semaphore(%arg19 : memref<!tpu.dma_semaphore, #tpu.memory_space<semaphore_mem>>) src(%dma_wait3A_263 : memref<128x128xf32, #tpu.memory_space<vmem>>) dst(%dma_wait3A_259 : memref<128x128xf32, #tpu.memory_space<hbm>>)
      } else {
      }
      %add3A_70 = arith.constant 1 : i32
      %add3A_71 = arith.addi %mul3A_67, %add3A_70 : i32
      %dma_start3A_72 = arith.constant 1 : i32
      %dma_start3A_73 = arith.constant 0 : i32
      %dma_start3A_74 = arith.constant 0 : i32
      %dma_start3A_75 = tpu.memref_slice %arg10[%dma_start3A_72, %dma_start3A_73, %dma_start3A_74] : memref<2x128x128xf32, #tpu.memory_space<vmem>> -> memref<1x128x128xf32, #tpu.memory_space<vmem>>
      %dma_start3A_76 = tpu.memref_squeeze %dma_start3A_75 : memref<1x128x128xf32, #tpu.memory_space<vmem>> -> memref<128x128xf32, #tpu.memory_space<vmem>>
      %dma_start3A_77 = arith.constant 0 : i32
      %dma_start3A_78 = tpu.memref_slice %arg8[%add3A_71, %dma_start3A_77] : memref<80x128xi32, #tpu.memory_space<vmem>> -> memref<1x128xi32, #tpu.memory_space<vmem>>
      %dma_start3A_79 = tpu.memref_squeeze %dma_start3A_78 : memref<1x128xi32, #tpu.memory_space<vmem>> -> memref<128xi32, #tpu.memory_space<vmem>>
      %dma_start3A_80 = arith.constant 0 : i32
      %dma_start3A_81 = arith.constant 0 : i32
      %dma_start3A_82 = tpu.memref_slice %arg2[%dma_start3A_80, %dma_start3A_81] : memref<50000x128xf32, #tpu.memory_space<hbm>> -> memref<50000x128xf32, #tpu.memory_space<hbm>>
      tpu.enqueue_indirect_dma source(%dma_start3A_82 : memref<50000x128xf32, #tpu.memory_space<hbm>>) target(%dma_start3A_76 : memref<128x128xf32, #tpu.memory_space<vmem>>) offsets(%dma_start3A_79 : memref<128xi32, #tpu.memory_space<vmem>>) semaphore(%arg13 : memref<!tpu.dma_semaphore, #tpu.memory_space<semaphore_mem>>)
      %dma_start3A_83 = arith.constant 1 : i32
      %dma_start3A_84 = arith.constant 0 : i32
      %dma_start3A_85 = arith.constant 0 : i32
      %dma_start3A_86 = tpu.memref_slice %arg11[%dma_start3A_83, %dma_start3A_84, %dma_start3A_85] : memref<2x128x128xf32, #tpu.memory_space<vmem>> -> memref<1x128x128xf32, #tpu.memory_space<vmem>>
      %dma_start3A_87 = tpu.memref_squeeze %dma_start3A_86 : memref<1x128x128xf32, #tpu.memory_space<vmem>> -> memref<128x128xf32, #tpu.memory_space<vmem>>
      %dma_start3A_88 = arith.constant 0 : i32
      %dma_start3A_89 = tpu.memref_slice %arg9[%add3A_71, %dma_start3A_88] : memref<80x128xi32, #tpu.memory_space<vmem>> -> memref<1x128xi32, #tpu.memory_space<vmem>>
      %dma_start3A_90 = tpu.memref_squeeze %dma_start3A_89 : memref<1x128xi32, #tpu.memory_space<vmem>> -> memref<128xi32, #tpu.memory_space<vmem>>
      %dma_start3A_91 = arith.constant 0 : i32
      %dma_start3A_92 = arith.constant 0 : i32
      %dma_start3A_93 = tpu.memref_slice %arg3[%dma_start3A_91, %dma_start3A_92] : memref<10000x128xf32, #tpu.memory_space<hbm>> -> memref<10000x128xf32, #tpu.memory_space<hbm>>
      tpu.enqueue_indirect_dma source(%dma_start3A_93 : memref<10000x128xf32, #tpu.memory_space<hbm>>) target(%dma_start3A_87 : memref<128x128xf32, #tpu.memory_space<vmem>>) offsets(%dma_start3A_90 : memref<128xi32, #tpu.memory_space<vmem>>) semaphore(%arg15 : memref<!tpu.dma_semaphore, #tpu.memory_space<semaphore_mem>>)
      %dma_wait3A_94 = arith.constant 0 : i32
      %dma_wait3A_95 = arith.constant 0 : i32
      %dma_wait3A_96 = arith.constant 0 : i32
      %dma_wait3A_97 = tpu.memref_slice %arg10[%dma_wait3A_94, %dma_wait3A_95, %dma_wait3A_96] : memref<2x128x128xf32, #tpu.memory_space<vmem>> -> memref<1x128x128xf32, #tpu.memory_space<vmem>>
      %dma_wait3A_98 = tpu.memref_squeeze %dma_wait3A_97 : memref<1x128x128xf32, #tpu.memory_space<vmem>> -> memref<128x128xf32, #tpu.memory_space<vmem>>
      %dma_wait3A_99 = arith.constant 0 : i32
      %dma_wait3A_100 = tpu.memref_slice %arg8[%mul3A_67, %dma_wait3A_99] : memref<80x128xi32, #tpu.memory_space<vmem>> -> memref<1x128xi32, #tpu.memory_space<vmem>>
      %dma_wait3A_101 = tpu.memref_squeeze %dma_wait3A_100 : memref<1x128xi32, #tpu.memory_space<vmem>> -> memref<128xi32, #tpu.memory_space<vmem>>
      %dma_wait3A_102 = arith.constant 0 : i32
      %dma_wait3A_103 = arith.constant 0 : i32
      %dma_wait3A_104 = tpu.memref_slice %arg2[%dma_wait3A_102, %dma_wait3A_103] : memref<50000x128xf32, #tpu.memory_space<hbm>> -> memref<50000x128xf32, #tpu.memory_space<hbm>>
      tpu.wait_indirect_dma semaphore(%arg12 : memref<!tpu.dma_semaphore, #tpu.memory_space<semaphore_mem>>) src(%dma_wait3A_104 : memref<50000x128xf32, #tpu.memory_space<hbm>>) dst(%dma_wait3A_98 : memref<128x128xf32, #tpu.memory_space<vmem>>)
      %dma_wait3A_105 = arith.constant 0 : i32
      %dma_wait3A_106 = arith.constant 0 : i32
      %dma_wait3A_107 = arith.constant 0 : i32
      %dma_wait3A_108 = tpu.memref_slice %arg11[%dma_wait3A_105, %dma_wait3A_106, %dma_wait3A_107] : memref<2x128x128xf32, #tpu.memory_space<vmem>> -> memref<1x128x128xf32, #tpu.memory_space<vmem>>
      %dma_wait3A_109 = tpu.memref_squeeze %dma_wait3A_108 : memref<1x128x128xf32, #tpu.memory_space<vmem>> -> memref<128x128xf32, #tpu.memory_space<vmem>>
      %dma_wait3A_110 = arith.constant 0 : i32
      %dma_wait3A_111 = tpu.memref_slice %arg9[%mul3A_67, %dma_wait3A_110] : memref<80x128xi32, #tpu.memory_space<vmem>> -> memref<1x128xi32, #tpu.memory_space<vmem>>
      %dma_wait3A_112 = tpu.memref_squeeze %dma_wait3A_111 : memref<1x128xi32, #tpu.memory_space<vmem>> -> memref<128xi32, #tpu.memory_space<vmem>>
      %dma_wait3A_113 = arith.constant 0 : i32
      %dma_wait3A_114 = arith.constant 0 : i32
      %dma_wait3A_115 = tpu.memref_slice %arg3[%dma_wait3A_113, %dma_wait3A_114] : memref<10000x128xf32, #tpu.memory_space<hbm>> -> memref<10000x128xf32, #tpu.memory_space<hbm>>
      tpu.wait_indirect_dma semaphore(%arg14 : memref<!tpu.dma_semaphore, #tpu.memory_space<semaphore_mem>>) src(%dma_wait3A_115 : memref<10000x128xf32, #tpu.memory_space<hbm>>) dst(%dma_wait3A_109 : memref<128x128xf32, #tpu.memory_space<vmem>>)
      %mul3A_116 = arith.constant 128 : i32
      %mul3A_117 = arith.muli %mul3A_67, %mul3A_116 : i32
      %add3A_118 = arith.addi %mul3A_4, %mul3A_117 : i32
      %dma_start3A_119 = arith.constant 0 : i32
      %dma_start3A_120 = arith.constant 0 : i32
      %dma_start3A_121 = arith.constant 0 : i32
      %dma_start3A_122 = tpu.memref_slice %arg10[%dma_start3A_119, %dma_start3A_120, %dma_start3A_121] : memref<2x128x128xf32, #tpu.memory_space<vmem>> -> memref<1x128x128xf32, #tpu.memory_space<vmem>>
      %dma_start3A_123 = tpu.memref_squeeze %dma_start3A_122 : memref<1x128x128xf32, #tpu.memory_space<vmem>> -> memref<128x128xf32, #tpu.memory_space<vmem>>
      %dma_start3A_124 = arith.constant 0 : i32
      %dma_start3A_125 = tpu.memref_slice %arg6[%add3A_118, %dma_start3A_124] : memref<327680x128xf32, #tpu.memory_space<hbm>> -> memref<128x128xf32, #tpu.memory_space<hbm>>
      %dma_start3A_126 = arith.constant 0 : i32
      %dma_start3A_127 = tpu.memref_slice %arg6[%add3A_118, %dma_start3A_126] : memref<327680x128xf32, #tpu.memory_space<hbm>> -> memref<128x128xf32, #tpu.memory_space<hbm>>
      %dma_start3A_128 = arith.constant 0 : i32
      %dma_start3A_129 = arith.constant 0 : i32
      %dma_start3A_130 = tpu.memref_slice %arg10[%dma_start3A_119, %dma_start3A_128, %dma_start3A_129] : memref<2x128x128xf32, #tpu.memory_space<vmem>> -> memref<1x128x128xf32, #tpu.memory_space<vmem>>
      %dma_start3A_131 = tpu.memref_squeeze %dma_start3A_130 : memref<1x128x128xf32, #tpu.memory_space<vmem>> -> memref<128x128xf32, #tpu.memory_space<vmem>>
      tpu.enqueue_dma source(%dma_start3A_131 : memref<128x128xf32, #tpu.memory_space<vmem>>) target(%dma_start3A_127 : memref<128x128xf32, #tpu.memory_space<hbm>>) target_semaphore(%arg16 : memref<!tpu.dma_semaphore, #tpu.memory_space<semaphore_mem>>)
      %dma_start3A_132 = arith.constant 0 : i32
      %dma_start3A_133 = arith.constant 0 : i32
      %dma_start3A_134 = arith.constant 0 : i32
      %dma_start3A_135 = tpu.memref_slice %arg11[%dma_start3A_132, %dma_start3A_133, %dma_start3A_134] : memref<2x128x128xf32, #tpu.memory_space<vmem>> -> memref<1x128x128xf32, #tpu.memory_space<vmem>>
      %dma_start3A_136 = tpu.memref_squeeze %dma_start3A_135 : memref<1x128x128xf32, #tpu.memory_space<vmem>> -> memref<128x128xf32, #tpu.memory_space<vmem>>
      %dma_start3A_137 = arith.constant 0 : i32
      %dma_start3A_138 = tpu.memref_slice %arg7[%add3A_118, %dma_start3A_137] : memref<327680x128xf32, #tpu.memory_space<hbm>> -> memref<128x128xf32, #tpu.memory_space<hbm>>
      %dma_start3A_139 = arith.constant 0 : i32
      %dma_start3A_140 = tpu.memref_slice %arg7[%add3A_118, %dma_start3A_139] : memref<327680x128xf32, #tpu.memory_space<hbm>> -> memref<128x128xf32, #tpu.memory_space<hbm>>
      %dma_start3A_141 = arith.constant 0 : i32
      %dma_start3A_142 = arith.constant 0 : i32
      %dma_start3A_143 = tpu.memref_slice %arg11[%dma_start3A_132, %dma_start3A_141, %dma_start3A_142] : memref<2x128x128xf32, #tpu.memory_space<vmem>> -> memref<1x128x128xf32, #tpu.memory_space<vmem>>
      %dma_start3A_144 = tpu.memref_squeeze %dma_start3A_143 : memref<1x128x128xf32, #tpu.memory_space<vmem>> -> memref<128x128xf32, #tpu.memory_space<vmem>>
      tpu.enqueue_dma source(%dma_start3A_144 : memref<128x128xf32, #tpu.memory_space<vmem>>) target(%dma_start3A_140 : memref<128x128xf32, #tpu.memory_space<hbm>>) target_semaphore(%arg18 : memref<!tpu.dma_semaphore, #tpu.memory_space<semaphore_mem>>)
      %dma_wait3A_145 = arith.constant 0 : i32
      %dma_wait3A_146 = arith.constant 0 : i32
      %dma_wait3A_147 = arith.constant 0 : i32
      %dma_wait3A_148 = tpu.memref_slice %arg10[%dma_wait3A_145, %dma_wait3A_146, %dma_wait3A_147] : memref<2x128x128xf32, #tpu.memory_space<vmem>> -> memref<1x128x128xf32, #tpu.memory_space<vmem>>
      %dma_wait3A_149 = tpu.memref_squeeze %dma_wait3A_148 : memref<1x128x128xf32, #tpu.memory_space<vmem>> -> memref<128x128xf32, #tpu.memory_space<vmem>>
      %dma_wait3A_150 = arith.constant 0 : i32
      %dma_wait3A_151 = arith.constant 0 : i32
      %dma_wait3A_152 = tpu.memref_slice %arg6[%dma_wait3A_150, %dma_wait3A_151] : memref<327680x128xf32, #tpu.memory_space<hbm>> -> memref<128x128xf32, #tpu.memory_space<hbm>>
      %dma_wait3A_153 = arith.constant 0 : i32
      %dma_wait3A_154 = arith.constant 0 : i32
      %dma_wait3A_155 = tpu.memref_slice %arg6[%dma_wait3A_153, %dma_wait3A_154] : memref<327680x128xf32, #tpu.memory_space<hbm>> -> memref<128x128xf32, #tpu.memory_space<hbm>>
      %dma_wait3A_156 = arith.constant 0 : i32
      %dma_wait3A_157 = arith.constant 0 : i32
      %dma_wait3A_158 = tpu.memref_slice %arg10[%dma_wait3A_145, %dma_wait3A_156, %dma_wait3A_157] : memref<2x128x128xf32, #tpu.memory_space<vmem>> -> memref<1x128x128xf32, #tpu.memory_space<vmem>>
      %dma_wait3A_159 = tpu.memref_squeeze %dma_wait3A_158 : memref<1x128x128xf32, #tpu.memory_space<vmem>> -> memref<128x128xf32, #tpu.memory_space<vmem>>
      tpu.wait_dma2 semaphore(%arg16 : memref<!tpu.dma_semaphore, #tpu.memory_space<semaphore_mem>>) src(%dma_wait3A_159 : memref<128x128xf32, #tpu.memory_space<vmem>>) dst(%dma_wait3A_155 : memref<128x128xf32, #tpu.memory_space<hbm>>)
      %dma_wait3A_160 = arith.constant 0 : i32
      %dma_wait3A_161 = arith.constant 0 : i32
      %dma_wait3A_162 = arith.constant 0 : i32
      %dma_wait3A_163 = tpu.memref_slice %arg11[%dma_wait3A_160, %dma_wait3A_161, %dma_wait3A_162] : memref<2x128x128xf32, #tpu.memory_space<vmem>> -> memref<1x128x128xf32, #tpu.memory_space<vmem>>
      %dma_wait3A_164 = tpu.memref_squeeze %dma_wait3A_163 : memref<1x128x128xf32, #tpu.memory_space<vmem>> -> memref<128x128xf32, #tpu.memory_space<vmem>>
      %dma_wait3A_165 = arith.constant 0 : i32
      %dma_wait3A_166 = arith.constant 0 : i32
      %dma_wait3A_167 = tpu.memref_slice %arg7[%dma_wait3A_165, %dma_wait3A_166] : memref<327680x128xf32, #tpu.memory_space<hbm>> -> memref<128x128xf32, #tpu.memory_space<hbm>>
      %dma_wait3A_168 = arith.constant 0 : i32
      %dma_wait3A_169 = arith.constant 0 : i32
      %dma_wait3A_170 = tpu.memref_slice %arg7[%dma_wait3A_168, %dma_wait3A_169] : memref<327680x128xf32, #tpu.memory_space<hbm>> -> memref<128x128xf32, #tpu.memory_space<hbm>>
      %dma_wait3A_171 = arith.constant 0 : i32
      %dma_wait3A_172 = arith.constant 0 : i32
      %dma_wait3A_173 = tpu.memref_slice %arg11[%dma_wait3A_160, %dma_wait3A_171, %dma_wait3A_172] : memref<2x128x128xf32, #tpu.memory_space<vmem>> -> memref<1x128x128xf32, #tpu.memory_space<vmem>>
      %dma_wait3A_174 = tpu.memref_squeeze %dma_wait3A_173 : memref<1x128x128xf32, #tpu.memory_space<vmem>> -> memref<128x128xf32, #tpu.memory_space<vmem>>
      tpu.wait_dma2 semaphore(%arg18 : memref<!tpu.dma_semaphore, #tpu.memory_space<semaphore_mem>>) src(%dma_wait3A_174 : memref<128x128xf32, #tpu.memory_space<vmem>>) dst(%dma_wait3A_170 : memref<128x128xf32, #tpu.memory_space<hbm>>)
      %lt3A = arith.constant 39 : i32
      %lt3A_175 = arith.cmpi slt, %add3A_65, %lt3A : i32
      %convert_element_type3A_176 = arith.extui %lt3A_175 : i1 to i32
      %cond3A_177 = arith.constant 0 : i32
      %cond3A_178 = arith.cmpi ne, %convert_element_type3A_176, %cond3A_177 : i32
      scf.if %cond3A_178 {
        %add3A_234 = arith.constant 2 : i32
        %add3A_235 = arith.addi %mul3A_67, %add3A_234 : i32
        %dma_start3A_236 = arith.constant 0 : i32
        %dma_start3A_237 = arith.constant 0 : i32
        %dma_start3A_238 = arith.constant 0 : i32
        %dma_start3A_239 = tpu.memref_slice %arg10[%dma_start3A_236, %dma_start3A_237, %dma_start3A_238] : memref<2x128x128xf32, #tpu.memory_space<vmem>> -> memref<1x128x128xf32, #tpu.memory_space<vmem>>
        %dma_start3A_240 = tpu.memref_squeeze %dma_start3A_239 : memref<1x128x128xf32, #tpu.memory_space<vmem>> -> memref<128x128xf32, #tpu.memory_space<vmem>>
        %dma_start3A_241 = arith.constant 0 : i32
        %dma_start3A_242 = tpu.memref_slice %arg8[%add3A_235, %dma_start3A_241] : memref<80x128xi32, #tpu.memory_space<vmem>> -> memref<1x128xi32, #tpu.memory_space<vmem>>
        %dma_start3A_243 = tpu.memref_squeeze %dma_start3A_242 : memref<1x128xi32, #tpu.memory_space<vmem>> -> memref<128xi32, #tpu.memory_space<vmem>>
        %dma_start3A_244 = arith.constant 0 : i32
        %dma_start3A_245 = arith.constant 0 : i32
        %dma_start3A_246 = tpu.memref_slice %arg2[%dma_start3A_244, %dma_start3A_245] : memref<50000x128xf32, #tpu.memory_space<hbm>> -> memref<50000x128xf32, #tpu.memory_space<hbm>>
        tpu.enqueue_indirect_dma source(%dma_start3A_246 : memref<50000x128xf32, #tpu.memory_space<hbm>>) target(%dma_start3A_240 : memref<128x128xf32, #tpu.memory_space<vmem>>) offsets(%dma_start3A_243 : memref<128xi32, #tpu.memory_space<vmem>>) semaphore(%arg12 : memref<!tpu.dma_semaphore, #tpu.memory_space<semaphore_mem>>)
        %dma_start3A_247 = arith.constant 0 : i32
        %dma_start3A_248 = arith.constant 0 : i32
        %dma_start3A_249 = arith.constant 0 : i32
        %dma_start3A_250 = tpu.memref_slice %arg11[%dma_start3A_247, %dma_start3A_248, %dma_start3A_249] : memref<2x128x128xf32, #tpu.memory_space<vmem>> -> memref<1x128x128xf32, #tpu.memory_space<vmem>>
        %dma_start3A_251 = tpu.memref_squeeze %dma_start3A_250 : memref<1x128x128xf32, #tpu.memory_space<vmem>> -> memref<128x128xf32, #tpu.memory_space<vmem>>
        %dma_start3A_252 = arith.constant 0 : i32
        %dma_start3A_253 = tpu.memref_slice %arg9[%add3A_235, %dma_start3A_252] : memref<80x128xi32, #tpu.memory_space<vmem>> -> memref<1x128xi32, #tpu.memory_space<vmem>>
        %dma_start3A_254 = tpu.memref_squeeze %dma_start3A_253 : memref<1x128xi32, #tpu.memory_space<vmem>> -> memref<128xi32, #tpu.memory_space<vmem>>
        %dma_start3A_255 = arith.constant 0 : i32
        %dma_start3A_256 = arith.constant 0 : i32
        %dma_start3A_257 = tpu.memref_slice %arg3[%dma_start3A_255, %dma_start3A_256] : memref<10000x128xf32, #tpu.memory_space<hbm>> -> memref<10000x128xf32, #tpu.memory_space<hbm>>
        tpu.enqueue_indirect_dma source(%dma_start3A_257 : memref<10000x128xf32, #tpu.memory_space<hbm>>) target(%dma_start3A_251 : memref<128x128xf32, #tpu.memory_space<vmem>>) offsets(%dma_start3A_254 : memref<128xi32, #tpu.memory_space<vmem>>) semaphore(%arg14 : memref<!tpu.dma_semaphore, #tpu.memory_space<semaphore_mem>>)
      } else {
      }
      %add3A_179 = arith.constant 1 : i32
      %add3A_180 = arith.addi %mul3A_67, %add3A_179 : i32
      %dma_wait3A_181 = arith.constant 1 : i32
      %dma_wait3A_182 = arith.constant 0 : i32
      %dma_wait3A_183 = arith.constant 0 : i32
      %dma_wait3A_184 = tpu.memref_slice %arg10[%dma_wait3A_181, %dma_wait3A_182, %dma_wait3A_183] : memref<2x128x128xf32, #tpu.memory_space<vmem>> -> memref<1x128x128xf32, #tpu.memory_space<vmem>>
      %dma_wait3A_185 = tpu.memref_squeeze %dma_wait3A_184 : memref<1x128x128xf32, #tpu.memory_space<vmem>> -> memref<128x128xf32, #tpu.memory_space<vmem>>
      %dma_wait3A_186 = arith.constant 0 : i32
      %dma_wait3A_187 = tpu.memref_slice %arg8[%add3A_180, %dma_wait3A_186] : memref<80x128xi32, #tpu.memory_space<vmem>> -> memref<1x128xi32, #tpu.memory_space<vmem>>
      %dma_wait3A_188 = tpu.memref_squeeze %dma_wait3A_187 : memref<1x128xi32, #tpu.memory_space<vmem>> -> memref<128xi32, #tpu.memory_space<vmem>>
      %dma_wait3A_189 = arith.constant 0 : i32
      %dma_wait3A_190 = arith.constant 0 : i32
      %dma_wait3A_191 = tpu.memref_slice %arg2[%dma_wait3A_189, %dma_wait3A_190] : memref<50000x128xf32, #tpu.memory_space<hbm>> -> memref<50000x128xf32, #tpu.memory_space<hbm>>
      tpu.wait_indirect_dma semaphore(%arg13 : memref<!tpu.dma_semaphore, #tpu.memory_space<semaphore_mem>>) src(%dma_wait3A_191 : memref<50000x128xf32, #tpu.memory_space<hbm>>) dst(%dma_wait3A_185 : memref<128x128xf32, #tpu.memory_space<vmem>>)
      %dma_wait3A_192 = arith.constant 1 : i32
      %dma_wait3A_193 = arith.constant 0 : i32
      %dma_wait3A_194 = arith.constant 0 : i32
      %dma_wait3A_195 = tpu.memref_slice %arg11[%dma_wait3A_192, %dma_wait3A_193, %dma_wait3A_194] : memref<2x128x128xf32, #tpu.memory_space<vmem>> -> memref<1x128x128xf32, #tpu.memory_space<vmem>>
      %dma_wait3A_196 = tpu.memref_squeeze %dma_wait3A_195 : memref<1x128x128xf32, #tpu.memory_space<vmem>> -> memref<128x128xf32, #tpu.memory_space<vmem>>
      %dma_wait3A_197 = arith.constant 0 : i32
      %dma_wait3A_198 = tpu.memref_slice %arg9[%add3A_180, %dma_wait3A_197] : memref<80x128xi32, #tpu.memory_space<vmem>> -> memref<1x128xi32, #tpu.memory_space<vmem>>
      %dma_wait3A_199 = tpu.memref_squeeze %dma_wait3A_198 : memref<1x128xi32, #tpu.memory_space<vmem>> -> memref<128xi32, #tpu.memory_space<vmem>>
      %dma_wait3A_200 = arith.constant 0 : i32
      %dma_wait3A_201 = arith.constant 0 : i32
      %dma_wait3A_202 = tpu.memref_slice %arg3[%dma_wait3A_200, %dma_wait3A_201] : memref<10000x128xf32, #tpu.memory_space<hbm>> -> memref<10000x128xf32, #tpu.memory_space<hbm>>
      tpu.wait_indirect_dma semaphore(%arg15 : memref<!tpu.dma_semaphore, #tpu.memory_space<semaphore_mem>>) src(%dma_wait3A_202 : memref<10000x128xf32, #tpu.memory_space<hbm>>) dst(%dma_wait3A_196 : memref<128x128xf32, #tpu.memory_space<vmem>>)
      %add3A_203 = arith.constant 1 : i32
      %add3A_204 = arith.addi %mul3A_67, %add3A_203 : i32
      %mul3A_205 = arith.constant 128 : i32
      %mul3A_206 = arith.muli %add3A_204, %mul3A_205 : i32
      %add3A_207 = arith.addi %mul3A_4, %mul3A_206 : i32
      %dma_start3A_208 = arith.constant 1 : i32
      %dma_start3A_209 = arith.constant 0 : i32
      %dma_start3A_210 = arith.constant 0 : i32
      %dma_start3A_211 = tpu.memref_slice %arg10[%dma_start3A_208, %dma_start3A_209, %dma_start3A_210] : memref<2x128x128xf32, #tpu.memory_space<vmem>> -> memref<1x128x128xf32, #tpu.memory_space<vmem>>
      %dma_start3A_212 = tpu.memref_squeeze %dma_start3A_211 : memref<1x128x128xf32, #tpu.memory_space<vmem>> -> memref<128x128xf32, #tpu.memory_space<vmem>>
      %dma_start3A_213 = arith.constant 0 : i32
      %dma_start3A_214 = tpu.memref_slice %arg6[%add3A_207, %dma_start3A_213] : memref<327680x128xf32, #tpu.memory_space<hbm>> -> memref<128x128xf32, #tpu.memory_space<hbm>>
      %dma_start3A_215 = arith.constant 0 : i32
      %dma_start3A_216 = tpu.memref_slice %arg6[%add3A_207, %dma_start3A_215] : memref<327680x128xf32, #tpu.memory_space<hbm>> -> memref<128x128xf32, #tpu.memory_space<hbm>>
      %dma_start3A_217 = arith.constant 0 : i32
      %dma_start3A_218 = arith.constant 0 : i32
      %dma_start3A_219 = tpu.memref_slice %arg10[%dma_start3A_208, %dma_start3A_217, %dma_start3A_218] : memref<2x128x128xf32, #tpu.memory_space<vmem>> -> memref<1x128x128xf32, #tpu.memory_space<vmem>>
      %dma_start3A_220 = tpu.memref_squeeze %dma_start3A_219 : memref<1x128x128xf32, #tpu.memory_space<vmem>> -> memref<128x128xf32, #tpu.memory_space<vmem>>
      tpu.enqueue_dma source(%dma_start3A_220 : memref<128x128xf32, #tpu.memory_space<vmem>>) target(%dma_start3A_216 : memref<128x128xf32, #tpu.memory_space<hbm>>) target_semaphore(%arg17 : memref<!tpu.dma_semaphore, #tpu.memory_space<semaphore_mem>>)
      %dma_start3A_221 = arith.constant 1 : i32
      %dma_start3A_222 = arith.constant 0 : i32
      %dma_start3A_223 = arith.constant 0 : i32
      %dma_start3A_224 = tpu.memref_slice %arg11[%dma_start3A_221, %dma_start3A_222, %dma_start3A_223] : memref<2x128x128xf32, #tpu.memory_space<vmem>> -> memref<1x128x128xf32, #tpu.memory_space<vmem>>
      %dma_start3A_225 = tpu.memref_squeeze %dma_start3A_224 : memref<1x128x128xf32, #tpu.memory_space<vmem>> -> memref<128x128xf32, #tpu.memory_space<vmem>>
      %dma_start3A_226 = arith.constant 0 : i32
      %dma_start3A_227 = tpu.memref_slice %arg7[%add3A_207, %dma_start3A_226] : memref<327680x128xf32, #tpu.memory_space<hbm>> -> memref<128x128xf32, #tpu.memory_space<hbm>>
      %dma_start3A_228 = arith.constant 0 : i32
      %dma_start3A_229 = tpu.memref_slice %arg7[%add3A_207, %dma_start3A_228] : memref<327680x128xf32, #tpu.memory_space<hbm>> -> memref<128x128xf32, #tpu.memory_space<hbm>>
      %dma_start3A_230 = arith.constant 0 : i32
      %dma_start3A_231 = arith.constant 0 : i32
      %dma_start3A_232 = tpu.memref_slice %arg11[%dma_start3A_221, %dma_start3A_230, %dma_start3A_231] : memref<2x128x128xf32, #tpu.memory_space<vmem>> -> memref<1x128x128xf32, #tpu.memory_space<vmem>>
      %dma_start3A_233 = tpu.memref_squeeze %dma_start3A_232 : memref<1x128x128xf32, #tpu.memory_space<vmem>> -> memref<128x128xf32, #tpu.memory_space<vmem>>
      tpu.enqueue_dma source(%dma_start3A_233 : memref<128x128xf32, #tpu.memory_space<vmem>>) target(%dma_start3A_229 : memref<128x128xf32, #tpu.memory_space<hbm>>) target_semaphore(%arg19 : memref<!tpu.dma_semaphore, #tpu.memory_space<semaphore_mem>>)
    }
    %scan3A_31 = arith.constant 40 : i32
    %dma_wait3A = arith.constant 1 : i32
    %dma_wait3A_32 = arith.constant 0 : i32
    %dma_wait3A_33 = arith.constant 0 : i32
    %dma_wait3A_34 = tpu.memref_slice %arg10[%dma_wait3A, %dma_wait3A_32, %dma_wait3A_33] : memref<2x128x128xf32, #tpu.memory_space<vmem>> -> memref<1x128x128xf32, #tpu.memory_space<vmem>>
    %dma_wait3A_35 = tpu.memref_squeeze %dma_wait3A_34 : memref<1x128x128xf32, #tpu.memory_space<vmem>> -> memref<128x128xf32, #tpu.memory_space<vmem>>
    %dma_wait3A_36 = arith.constant 0 : i32
    %dma_wait3A_37 = arith.constant 0 : i32
    %dma_wait3A_38 = tpu.memref_slice %arg6[%dma_wait3A_36, %dma_wait3A_37] : memref<327680x128xf32, #tpu.memory_space<hbm>> -> memref<128x128xf32, #tpu.memory_space<hbm>>
    %dma_wait3A_39 = arith.constant 0 : i32
    %dma_wait3A_40 = arith.constant 0 : i32
    %dma_wait3A_41 = tpu.memref_slice %arg6[%dma_wait3A_39, %dma_wait3A_40] : memref<327680x128xf32, #tpu.memory_space<hbm>> -> memref<128x128xf32, #tpu.memory_space<hbm>>
    %dma_wait3A_42 = arith.constant 0 : i32
    %dma_wait3A_43 = arith.constant 0 : i32
    %dma_wait3A_44 = tpu.memref_slice %arg10[%dma_wait3A, %dma_wait3A_42, %dma_wait3A_43] : memref<2x128x128xf32, #tpu.memory_space<vmem>> -> memref<1x128x128xf32, #tpu.memory_space<vmem>>
    %dma_wait3A_45 = tpu.memref_squeeze %dma_wait3A_44 : memref<1x128x128xf32, #tpu.memory_space<vmem>> -> memref<128x128xf32, #tpu.memory_space<vmem>>
    tpu.wait_dma2 semaphore(%arg17 : memref<!tpu.dma_semaphore, #tpu.memory_space<semaphore_mem>>) src(%dma_wait3A_45 : memref<128x128xf32, #tpu.memory_space<vmem>>) dst(%dma_wait3A_41 : memref<128x128xf32, #tpu.memory_space<hbm>>)
    %dma_wait3A_46 = arith.constant 1 : i32
    %dma_wait3A_47 = arith.constant 0 : i32
    %dma_wait3A_48 = arith.constant 0 : i32
    %dma_wait3A_49 = tpu.memref_slice %arg11[%dma_wait3A_46, %dma_wait3A_47, %dma_wait3A_48] : memref<2x128x128xf32, #tpu.memory_space<vmem>> -> memref<1x128x128xf32, #tpu.memory_space<vmem>>
    %dma_wait3A_50 = tpu.memref_squeeze %dma_wait3A_49 : memref<1x128x128xf32, #tpu.memory_space<vmem>> -> memref<128x128xf32, #tpu.memory_space<vmem>>
    %dma_wait3A_51 = arith.constant 0 : i32
    %dma_wait3A_52 = arith.constant 0 : i32
    %dma_wait3A_53 = tpu.memref_slice %arg7[%dma_wait3A_51, %dma_wait3A_52] : memref<327680x128xf32, #tpu.memory_space<hbm>> -> memref<128x128xf32, #tpu.memory_space<hbm>>
    %dma_wait3A_54 = arith.constant 0 : i32
    %dma_wait3A_55 = arith.constant 0 : i32
    %dma_wait3A_56 = tpu.memref_slice %arg7[%dma_wait3A_54, %dma_wait3A_55] : memref<327680x128xf32, #tpu.memory_space<hbm>> -> memref<128x128xf32, #tpu.memory_space<hbm>>
    %dma_wait3A_57 = arith.constant 0 : i32
    %dma_wait3A_58 = arith.constant 0 : i32
    %dma_wait3A_59 = tpu.memref_slice %arg11[%dma_wait3A_46, %dma_wait3A_57, %dma_wait3A_58] : memref<2x128x128xf32, #tpu.memory_space<vmem>> -> memref<1x128x128xf32, #tpu.memory_space<vmem>>
    %dma_wait3A_60 = tpu.memref_squeeze %dma_wait3A_59 : memref<1x128x128xf32, #tpu.memory_space<vmem>> -> memref<128x128xf32, #tpu.memory_space<vmem>>
    tpu.wait_dma2 semaphore(%arg19 : memref<!tpu.dma_semaphore, #tpu.memory_space<semaphore_mem>>) src(%dma_wait3A_60 : memref<128x128xf32, #tpu.memory_space<vmem>>) dst(%dma_wait3A_56 : memref<128x128xf32, #tpu.memory_space<hbm>>)
    return
  }
}

#map = affine_map<(d0, d1) -> (0, 0)>
#map1 = affine_map<(d0, d1) -> (0, 0, 0)>
module attributes {stable_mosaic.version = 14 : i64} {
  func.func @_scatter(%arg0: i32, %arg1: i32, %arg2: memref<327680x144xf32, #tpu.memory_space<hbm>>, %arg3: memref<32x80x128xi32, #tpu.memory_space<hbm>>, %arg4: memref<128x144xf32, #tpu.memory_space<hbm>>, %arg5: memref<2x10240x144xf32, #tpu.memory_space<hbm>>, %arg6: memref<2x128xi32, #tpu.memory_space<vmem>>, %arg7: memref<2x128x144xf32, #tpu.memory_space<vmem>>, %arg8: memref<10240x144xf32, #tpu.memory_space<vmem_shared>>, %arg9: memref<!tpu.dma_semaphore, #tpu.memory_space<semaphore_mem>>, %arg10: memref<!tpu.dma_semaphore, #tpu.memory_space<semaphore_mem>>, %arg11: memref<!tpu.dma_semaphore, #tpu.memory_space<semaphore_mem>>, %arg12: memref<!tpu.dma_semaphore, #tpu.memory_space<semaphore_mem>>) attributes {dimension_semantics = [#tpu.dimension_semantics<core_parallel>, #tpu.dimension_semantics<subcore_parallel>], iteration_bounds = array<i64: 2, 16>, scalar_prefetch = 0 : i64, scratch_operands = 7 : i64, tpu.core_type = #tpu.core_type<sc_vector_subcore>, window_params = [{transform_indices = #map}, {transform_indices = #map1}, {transform_indices = #map}, {transform_indices = #map1}]} {
    %mul3A = arith.constant 16 : i32
    %mul3A_0 = arith.muli %arg0, %mul3A : i32
    %add3A = arith.addi %mul3A_0, %arg1 : i32
    %mul3A_1 = arith.constant 80 : i32
    %mul3A_2 = arith.muli %add3A, %mul3A_1 : i32
    %mul3A_3 = arith.constant 128 : i32
    %mul3A_4 = arith.muli %mul3A_2, %mul3A_3 : i32
    %scan3A = arith.constant 0 : i32
    %scan3A_5 = arith.constant 5 : i32
    %scan3A_6 = arith.addi %scan3A, %scan3A_5 : i32
    %scan3A_7 = arith.constant 1 : i32
    scf.for %scan3A_48 = %scan3A to %scan3A_6 step %scan3A_7  : i32 {
      %mul3A_49 = arith.constant 1 : i32
      %mul3A_50 = arith.muli %scan3A_48, %mul3A_49 : i32
      %add3A_51 = arith.constant 0 : i32
      %add3A_52 = arith.addi %add3A_51, %mul3A_50 : i32
      %mul3A_53 = arith.constant 640 : i32
      %mul3A_54 = arith.muli %arg1, %mul3A_53 : i32
      %mul3A_55 = arith.constant 128 : i32
      %mul3A_56 = arith.muli %add3A_52, %mul3A_55 : i32
      %add3A_57 = arith.addi %mul3A_54, %mul3A_56 : i32
      "tpu.region"() ({
        %run_scoped3A = tpu.sem_alloc : memref<!tpu.dma_semaphore, #tpu.memory_space<semaphore_mem>>
        %dma_start3A_58 = arith.constant 0 : i32
        %dma_start3A_59 = tpu.memref_slice %arg8[%add3A_57, %dma_start3A_58] : memref<10240x144xf32, #tpu.memory_space<vmem_shared>> -> memref<128x144xf32, #tpu.memory_space<vmem_shared>>
        tpu.enqueue_dma source(%arg4 : memref<128x144xf32, #tpu.memory_space<hbm>>) target(%dma_start3A_59 : memref<128x144xf32, #tpu.memory_space<vmem_shared>>) target_semaphore(%run_scoped3A : memref<!tpu.dma_semaphore, #tpu.memory_space<semaphore_mem>>)
        %dma_wait3A = arith.constant 0 : i32
        %dma_wait3A_60 = tpu.memref_slice %arg8[%add3A_57, %dma_wait3A] : memref<10240x144xf32, #tpu.memory_space<vmem_shared>> -> memref<128x144xf32, #tpu.memory_space<vmem_shared>>
        tpu.wait_dma2 semaphore(%run_scoped3A : memref<!tpu.dma_semaphore, #tpu.memory_space<semaphore_mem>>) src(%arg4 : memref<128x144xf32, #tpu.memory_space<hbm>>) dst(%dma_wait3A_60 : memref<128x144xf32, #tpu.memory_space<vmem_shared>>)
        tpu.yield
      }) : () -> ()
    }
    %scan3A_8 = arith.constant 5 : i32
    %barrier3A = arith.constant 0 : index
    tpu.barrier barrier_id(%barrier3A)
    %add3A_9 = arith.constant 0 : i32
    %add3A_10 = arith.addi %mul3A_4, %add3A_9 : i32
    %dma_start3A = arith.constant 0 : i32
    %dma_start3A_11 = arith.constant 0 : i32
    %dma_start3A_12 = arith.constant 0 : i32
    %dma_start3A_13 = tpu.memref_slice %arg7[%dma_start3A, %dma_start3A_11, %dma_start3A_12] : memref<2x128x144xf32, #tpu.memory_space<vmem>> -> memref<1x128x144xf32, #tpu.memory_space<vmem>>
    %dma_start3A_14 = tpu.memref_squeeze %dma_start3A_13 : memref<1x128x144xf32, #tpu.memory_space<vmem>> -> memref<128x144xf32, #tpu.memory_space<vmem>>
    %dma_start3A_15 = arith.constant 0 : i32
    %dma_start3A_16 = tpu.memref_slice %arg2[%add3A_10, %dma_start3A_15] : memref<327680x144xf32, #tpu.memory_space<hbm>> -> memref<128x144xf32, #tpu.memory_space<hbm>>
    %dma_start3A_17 = arith.constant 0 : i32
    %dma_start3A_18 = arith.constant 0 : i32
    %dma_start3A_19 = tpu.memref_slice %arg7[%dma_start3A, %dma_start3A_17, %dma_start3A_18] : memref<2x128x144xf32, #tpu.memory_space<vmem>> -> memref<1x128x144xf32, #tpu.memory_space<vmem>>
    %dma_start3A_20 = tpu.memref_squeeze %dma_start3A_19 : memref<1x128x144xf32, #tpu.memory_space<vmem>> -> memref<128x144xf32, #tpu.memory_space<vmem>>
    %dma_start3A_21 = arith.constant 0 : i32
    %dma_start3A_22 = tpu.memref_slice %arg2[%add3A_10, %dma_start3A_21] : memref<327680x144xf32, #tpu.memory_space<hbm>> -> memref<128x144xf32, #tpu.memory_space<hbm>>
    tpu.enqueue_dma source(%dma_start3A_22 : memref<128x144xf32, #tpu.memory_space<hbm>>) target(%dma_start3A_20 : memref<128x144xf32, #tpu.memory_space<vmem>>) target_semaphore(%arg9 : memref<!tpu.dma_semaphore, #tpu.memory_space<semaphore_mem>>)
    %dma_start3A_23 = arith.constant 0 : i32
    %dma_start3A_24 = arith.constant 0 : i32
    %dma_start3A_25 = arith.constant 0 : i32
    %dma_start3A_26 = tpu.memref_slice %arg6[%dma_start3A_24, %dma_start3A_25] : memref<2x128xi32, #tpu.memory_space<vmem>> -> memref<1x128xi32, #tpu.memory_space<vmem>>
    %dma_start3A_27 = tpu.memref_squeeze %dma_start3A_26 : memref<1x128xi32, #tpu.memory_space<vmem>> -> memref<128xi32, #tpu.memory_space<vmem>>
    %dma_start3A_28 = arith.constant 0 : i32
    %dma_start3A_29 = tpu.memref_slice %arg3[%add3A, %dma_start3A_23, %dma_start3A_28] : memref<32x80x128xi32, #tpu.memory_space<hbm>> -> memref<1x1x128xi32, #tpu.memory_space<hbm>>
    %dma_start3A_30 = tpu.memref_squeeze %dma_start3A_29 : memref<1x1x128xi32, #tpu.memory_space<hbm>> -> memref<128xi32, #tpu.memory_space<hbm>>
    %dma_start3A_31 = arith.constant 0 : i32
    %dma_start3A_32 = tpu.memref_slice %arg6[%dma_start3A_24, %dma_start3A_31] : memref<2x128xi32, #tpu.memory_space<vmem>> -> memref<1x128xi32, #tpu.memory_space<vmem>>
    %dma_start3A_33 = tpu.memref_squeeze %dma_start3A_32 : memref<1x128xi32, #tpu.memory_space<vmem>> -> memref<128xi32, #tpu.memory_space<vmem>>
    %dma_start3A_34 = arith.constant 0 : i32
    %dma_start3A_35 = tpu.memref_slice %arg3[%add3A, %dma_start3A_23, %dma_start3A_34] : memref<32x80x128xi32, #tpu.memory_space<hbm>> -> memref<1x1x128xi32, #tpu.memory_space<hbm>>
    %dma_start3A_36 = tpu.memref_squeeze %dma_start3A_35 : memref<1x1x128xi32, #tpu.memory_space<hbm>> -> memref<128xi32, #tpu.memory_space<hbm>>
    tpu.enqueue_dma source(%dma_start3A_36 : memref<128xi32, #tpu.memory_space<hbm>>) target(%dma_start3A_33 : memref<128xi32, #tpu.memory_space<vmem>>) target_semaphore(%arg11 : memref<!tpu.dma_semaphore, #tpu.memory_space<semaphore_mem>>)
    %scan3A_37 = arith.constant 0 : i32
    %scan3A_38 = arith.constant 40 : i32
    %scan3A_39 = arith.addi %scan3A_37, %scan3A_38 : i32
    %scan3A_40 = arith.constant 1 : i32
    scf.for %scan3A_48 = %scan3A_37 to %scan3A_39 step %scan3A_40  : i32 {
      %mul3A_49 = arith.constant 1 : i32
      %mul3A_50 = arith.muli %scan3A_48, %mul3A_49 : i32
      %add3A_51 = arith.constant 0 : i32
      %add3A_52 = arith.addi %add3A_51, %mul3A_50 : i32
      %mul3A_53 = arith.constant 2 : i32
      %mul3A_54 = arith.muli %add3A_52, %mul3A_53 : i32
      %add3A_55 = arith.constant 1 : i32
      %add3A_56 = arith.addi %mul3A_54, %add3A_55 : i32
      %mul3A_57 = arith.constant 128 : i32
      %mul3A_58 = arith.muli %add3A_56, %mul3A_57 : i32
      %add3A_59 = arith.addi %mul3A_4, %mul3A_58 : i32
      %dma_start3A_60 = arith.constant 1 : i32
      %dma_start3A_61 = arith.constant 0 : i32
      %dma_start3A_62 = arith.constant 0 : i32
      %dma_start3A_63 = tpu.memref_slice %arg7[%dma_start3A_60, %dma_start3A_61, %dma_start3A_62] : memref<2x128x144xf32, #tpu.memory_space<vmem>> -> memref<1x128x144xf32, #tpu.memory_space<vmem>>
      %dma_start3A_64 = tpu.memref_squeeze %dma_start3A_63 : memref<1x128x144xf32, #tpu.memory_space<vmem>> -> memref<128x144xf32, #tpu.memory_space<vmem>>
      %dma_start3A_65 = arith.constant 0 : i32
      %dma_start3A_66 = tpu.memref_slice %arg2[%add3A_59, %dma_start3A_65] : memref<327680x144xf32, #tpu.memory_space<hbm>> -> memref<128x144xf32, #tpu.memory_space<hbm>>
      %dma_start3A_67 = arith.constant 0 : i32
      %dma_start3A_68 = arith.constant 0 : i32
      %dma_start3A_69 = tpu.memref_slice %arg7[%dma_start3A_60, %dma_start3A_67, %dma_start3A_68] : memref<2x128x144xf32, #tpu.memory_space<vmem>> -> memref<1x128x144xf32, #tpu.memory_space<vmem>>
      %dma_start3A_70 = tpu.memref_squeeze %dma_start3A_69 : memref<1x128x144xf32, #tpu.memory_space<vmem>> -> memref<128x144xf32, #tpu.memory_space<vmem>>
      %dma_start3A_71 = arith.constant 0 : i32
      %dma_start3A_72 = tpu.memref_slice %arg2[%add3A_59, %dma_start3A_71] : memref<327680x144xf32, #tpu.memory_space<hbm>> -> memref<128x144xf32, #tpu.memory_space<hbm>>
      tpu.enqueue_dma source(%dma_start3A_72 : memref<128x144xf32, #tpu.memory_space<hbm>>) target(%dma_start3A_70 : memref<128x144xf32, #tpu.memory_space<vmem>>) target_semaphore(%arg10 : memref<!tpu.dma_semaphore, #tpu.memory_space<semaphore_mem>>)
      %dma_start3A_73 = arith.constant 1 : i32
      %dma_start3A_74 = arith.constant 0 : i32
      %dma_start3A_75 = tpu.memref_slice %arg6[%dma_start3A_73, %dma_start3A_74] : memref<2x128xi32, #tpu.memory_space<vmem>> -> memref<1x128xi32, #tpu.memory_space<vmem>>
      %dma_start3A_76 = tpu.memref_squeeze %dma_start3A_75 : memref<1x128xi32, #tpu.memory_space<vmem>> -> memref<128xi32, #tpu.memory_space<vmem>>
      %dma_start3A_77 = arith.constant 0 : i32
      %dma_start3A_78 = tpu.memref_slice %arg3[%add3A, %add3A_56, %dma_start3A_77] : memref<32x80x128xi32, #tpu.memory_space<hbm>> -> memref<1x1x128xi32, #tpu.memory_space<hbm>>
      %dma_start3A_79 = tpu.memref_squeeze %dma_start3A_78 : memref<1x1x128xi32, #tpu.memory_space<hbm>> -> memref<128xi32, #tpu.memory_space<hbm>>
      %dma_start3A_80 = arith.constant 0 : i32
      %dma_start3A_81 = tpu.memref_slice %arg6[%dma_start3A_73, %dma_start3A_80] : memref<2x128xi32, #tpu.memory_space<vmem>> -> memref<1x128xi32, #tpu.memory_space<vmem>>
      %dma_start3A_82 = tpu.memref_squeeze %dma_start3A_81 : memref<1x128xi32, #tpu.memory_space<vmem>> -> memref<128xi32, #tpu.memory_space<vmem>>
      %dma_start3A_83 = arith.constant 0 : i32
      %dma_start3A_84 = tpu.memref_slice %arg3[%add3A, %add3A_56, %dma_start3A_83] : memref<32x80x128xi32, #tpu.memory_space<hbm>> -> memref<1x1x128xi32, #tpu.memory_space<hbm>>
      %dma_start3A_85 = tpu.memref_squeeze %dma_start3A_84 : memref<1x1x128xi32, #tpu.memory_space<hbm>> -> memref<128xi32, #tpu.memory_space<hbm>>
      tpu.enqueue_dma source(%dma_start3A_85 : memref<128xi32, #tpu.memory_space<hbm>>) target(%dma_start3A_82 : memref<128xi32, #tpu.memory_space<vmem>>) target_semaphore(%arg12 : memref<!tpu.dma_semaphore, #tpu.memory_space<semaphore_mem>>)
      %mul3A_86 = arith.constant 128 : i32
      %mul3A_87 = arith.muli %mul3A_54, %mul3A_86 : i32
      %add3A_88 = arith.addi %mul3A_4, %mul3A_87 : i32
      %dma_wait3A = arith.constant 0 : i32
      %dma_wait3A_89 = arith.constant 0 : i32
      %dma_wait3A_90 = arith.constant 0 : i32
      %dma_wait3A_91 = tpu.memref_slice %arg7[%dma_wait3A, %dma_wait3A_89, %dma_wait3A_90] : memref<2x128x144xf32, #tpu.memory_space<vmem>> -> memref<1x128x144xf32, #tpu.memory_space<vmem>>
      %dma_wait3A_92 = tpu.memref_squeeze %dma_wait3A_91 : memref<1x128x144xf32, #tpu.memory_space<vmem>> -> memref<128x144xf32, #tpu.memory_space<vmem>>
      %dma_wait3A_93 = arith.constant 0 : i32
      %dma_wait3A_94 = tpu.memref_slice %arg2[%add3A_88, %dma_wait3A_93] : memref<327680x144xf32, #tpu.memory_space<hbm>> -> memref<128x144xf32, #tpu.memory_space<hbm>>
      %dma_wait3A_95 = arith.constant 0 : i32
      %dma_wait3A_96 = arith.constant 0 : i32
      %dma_wait3A_97 = tpu.memref_slice %arg7[%dma_wait3A, %dma_wait3A_95, %dma_wait3A_96] : memref<2x128x144xf32, #tpu.memory_space<vmem>> -> memref<1x128x144xf32, #tpu.memory_space<vmem>>
      %dma_wait3A_98 = tpu.memref_squeeze %dma_wait3A_97 : memref<1x128x144xf32, #tpu.memory_space<vmem>> -> memref<128x144xf32, #tpu.memory_space<vmem>>
      %dma_wait3A_99 = arith.constant 0 : i32
      %dma_wait3A_100 = tpu.memref_slice %arg2[%add3A_88, %dma_wait3A_99] : memref<327680x144xf32, #tpu.memory_space<hbm>> -> memref<128x144xf32, #tpu.memory_space<hbm>>
      tpu.wait_dma2 semaphore(%arg9 : memref<!tpu.dma_semaphore, #tpu.memory_space<semaphore_mem>>) src(%dma_wait3A_100 : memref<128x144xf32, #tpu.memory_space<hbm>>) dst(%dma_wait3A_98 : memref<128x144xf32, #tpu.memory_space<vmem>>)
      %dma_wait3A_101 = arith.constant 0 : i32
      %dma_wait3A_102 = arith.constant 0 : i32
      %dma_wait3A_103 = tpu.memref_slice %arg6[%dma_wait3A_101, %dma_wait3A_102] : memref<2x128xi32, #tpu.memory_space<vmem>> -> memref<1x128xi32, #tpu.memory_space<vmem>>
      %dma_wait3A_104 = tpu.memref_squeeze %dma_wait3A_103 : memref<1x128xi32, #tpu.memory_space<vmem>> -> memref<128xi32, #tpu.memory_space<vmem>>
      %dma_wait3A_105 = arith.constant 0 : i32
      %dma_wait3A_106 = tpu.memref_slice %arg3[%add3A, %mul3A_54, %dma_wait3A_105] : memref<32x80x128xi32, #tpu.memory_space<hbm>> -> memref<1x1x128xi32, #tpu.memory_space<hbm>>
      %dma_wait3A_107 = tpu.memref_squeeze %dma_wait3A_106 : memref<1x1x128xi32, #tpu.memory_space<hbm>> -> memref<128xi32, #tpu.memory_space<hbm>>
      %dma_wait3A_108 = arith.constant 0 : i32
      %dma_wait3A_109 = tpu.memref_slice %arg6[%dma_wait3A_101, %dma_wait3A_108] : memref<2x128xi32, #tpu.memory_space<vmem>> -> memref<1x128xi32, #tpu.memory_space<vmem>>
      %dma_wait3A_110 = tpu.memref_squeeze %dma_wait3A_109 : memref<1x128xi32, #tpu.memory_space<vmem>> -> memref<128xi32, #tpu.memory_space<vmem>>
      %dma_wait3A_111 = arith.constant 0 : i32
      %dma_wait3A_112 = tpu.memref_slice %arg3[%add3A, %mul3A_54, %dma_wait3A_111] : memref<32x80x128xi32, #tpu.memory_space<hbm>> -> memref<1x1x128xi32, #tpu.memory_space<hbm>>
      %dma_wait3A_113 = tpu.memref_squeeze %dma_wait3A_112 : memref<1x1x128xi32, #tpu.memory_space<hbm>> -> memref<128xi32, #tpu.memory_space<hbm>>
      tpu.wait_dma2 semaphore(%arg11 : memref<!tpu.dma_semaphore, #tpu.memory_space<semaphore_mem>>) src(%dma_wait3A_113 : memref<128xi32, #tpu.memory_space<hbm>>) dst(%dma_wait3A_110 : memref<128xi32, #tpu.memory_space<vmem>>)
      %run_scoped3A = arith.constant 0 : i32
      %run_scoped3A_114 = arith.constant 0 : i32
      "tpu.region"() ({
        %run_scoped3A_152 = tpu.sem_alloc : memref<!tpu.dma_semaphore, #tpu.memory_space<semaphore_mem>>
        %dma_start3A_153 = arith.constant 0 : i32
        %dma_start3A_154 = arith.constant 0 : i32
        %dma_start3A_155 = tpu.memref_slice %arg7[%run_scoped3A, %dma_start3A_153, %dma_start3A_154] : memref<2x128x144xf32, #tpu.memory_space<vmem>> -> memref<1x128x144xf32, #tpu.memory_space<vmem>>
        %dma_start3A_156 = tpu.memref_squeeze %dma_start3A_155 : memref<1x128x144xf32, #tpu.memory_space<vmem>> -> memref<128x144xf32, #tpu.memory_space<vmem>>
        %dma_start3A_157 = arith.constant 0 : i32
        %dma_start3A_158 = tpu.memref_slice %arg6[%run_scoped3A_114, %dma_start3A_157] : memref<2x128xi32, #tpu.memory_space<vmem>> -> memref<1x128xi32, #tpu.memory_space<vmem>>
        %dma_start3A_159 = tpu.memref_squeeze %dma_start3A_158 : memref<1x128xi32, #tpu.memory_space<vmem>> -> memref<128xi32, #tpu.memory_space<vmem>>
        %dma_start3A_160 = arith.constant 0 : i32
        %dma_start3A_161 = arith.constant 0 : i32
        %dma_start3A_162 = tpu.memref_slice %arg8[%dma_start3A_160, %dma_start3A_161] : memref<10240x144xf32, #tpu.memory_space<vmem_shared>> -> memref<10240x144xf32, #tpu.memory_space<vmem_shared>>
        tpu.enqueue_indirect_dma source(%dma_start3A_156 : memref<128x144xf32, #tpu.memory_space<vmem>>) target(%dma_start3A_162 : memref<10240x144xf32, #tpu.memory_space<vmem_shared>>) offsets(%dma_start3A_159 : memref<128xi32, #tpu.memory_space<vmem>>) semaphore(%run_scoped3A_152 : memref<!tpu.dma_semaphore, #tpu.memory_space<semaphore_mem>>) {add = true}
        %dma_wait3A_163 = arith.constant 0 : i32
        %dma_wait3A_164 = arith.constant 0 : i32
        %dma_wait3A_165 = tpu.memref_slice %arg7[%run_scoped3A, %dma_wait3A_163, %dma_wait3A_164] : memref<2x128x144xf32, #tpu.memory_space<vmem>> -> memref<1x128x144xf32, #tpu.memory_space<vmem>>
        %dma_wait3A_166 = tpu.memref_squeeze %dma_wait3A_165 : memref<1x128x144xf32, #tpu.memory_space<vmem>> -> memref<128x144xf32, #tpu.memory_space<vmem>>
        %dma_wait3A_167 = arith.constant 0 : i32
        %dma_wait3A_168 = tpu.memref_slice %arg6[%run_scoped3A_114, %dma_wait3A_167] : memref<2x128xi32, #tpu.memory_space<vmem>> -> memref<1x128xi32, #tpu.memory_space<vmem>>
        %dma_wait3A_169 = tpu.memref_squeeze %dma_wait3A_168 : memref<1x128xi32, #tpu.memory_space<vmem>> -> memref<128xi32, #tpu.memory_space<vmem>>
        %dma_wait3A_170 = arith.constant 0 : i32
        %dma_wait3A_171 = arith.constant 0 : i32
        %dma_wait3A_172 = tpu.memref_slice %arg8[%dma_wait3A_170, %dma_wait3A_171] : memref<10240x144xf32, #tpu.memory_space<vmem_shared>> -> memref<10240x144xf32, #tpu.memory_space<vmem_shared>>
        tpu.wait_indirect_dma semaphore(%run_scoped3A_152 : memref<!tpu.dma_semaphore, #tpu.memory_space<semaphore_mem>>) src(%dma_wait3A_166 : memref<128x144xf32, #tpu.memory_space<vmem>>) dst(%dma_wait3A_172 : memref<10240x144xf32, #tpu.memory_space<vmem_shared>>)
        tpu.yield
      }) : () -> ()
      %lt3A = arith.constant 39 : i32
      %lt3A_115 = arith.cmpi slt, %add3A_52, %lt3A : i32
      %convert_element_type3A = arith.extui %lt3A_115 : i1 to i32
      %cond3A = arith.constant 0 : i32
      %cond3A_116 = arith.cmpi ne, %convert_element_type3A, %cond3A : i32
      scf.if %cond3A_116 {
        %add3A_152 = arith.constant 2 : i32
        %add3A_153 = arith.addi %mul3A_54, %add3A_152 : i32
        %mul3A_154 = arith.constant 128 : i32
        %mul3A_155 = arith.muli %add3A_153, %mul3A_154 : i32
        %add3A_156 = arith.addi %mul3A_4, %mul3A_155 : i32
        %dma_start3A_157 = arith.constant 0 : i32
        %dma_start3A_158 = arith.constant 0 : i32
        %dma_start3A_159 = arith.constant 0 : i32
        %dma_start3A_160 = tpu.memref_slice %arg7[%dma_start3A_157, %dma_start3A_158, %dma_start3A_159] : memref<2x128x144xf32, #tpu.memory_space<vmem>> -> memref<1x128x144xf32, #tpu.memory_space<vmem>>
        %dma_start3A_161 = tpu.memref_squeeze %dma_start3A_160 : memref<1x128x144xf32, #tpu.memory_space<vmem>> -> memref<128x144xf32, #tpu.memory_space<vmem>>
        %dma_start3A_162 = arith.constant 0 : i32
        %dma_start3A_163 = tpu.memref_slice %arg2[%add3A_156, %dma_start3A_162] : memref<327680x144xf32, #tpu.memory_space<hbm>> -> memref<128x144xf32, #tpu.memory_space<hbm>>
        %dma_start3A_164 = arith.constant 0 : i32
        %dma_start3A_165 = arith.constant 0 : i32
        %dma_start3A_166 = tpu.memref_slice %arg7[%dma_start3A_157, %dma_start3A_164, %dma_start3A_165] : memref<2x128x144xf32, #tpu.memory_space<vmem>> -> memref<1x128x144xf32, #tpu.memory_space<vmem>>
        %dma_start3A_167 = tpu.memref_squeeze %dma_start3A_166 : memref<1x128x144xf32, #tpu.memory_space<vmem>> -> memref<128x144xf32, #tpu.memory_space<vmem>>
        %dma_start3A_168 = arith.constant 0 : i32
        %dma_start3A_169 = tpu.memref_slice %arg2[%add3A_156, %dma_start3A_168] : memref<327680x144xf32, #tpu.memory_space<hbm>> -> memref<128x144xf32, #tpu.memory_space<hbm>>
        tpu.enqueue_dma source(%dma_start3A_169 : memref<128x144xf32, #tpu.memory_space<hbm>>) target(%dma_start3A_167 : memref<128x144xf32, #tpu.memory_space<vmem>>) target_semaphore(%arg9 : memref<!tpu.dma_semaphore, #tpu.memory_space<semaphore_mem>>)
        %dma_start3A_170 = arith.constant 0 : i32
        %dma_start3A_171 = arith.constant 0 : i32
        %dma_start3A_172 = tpu.memref_slice %arg6[%dma_start3A_170, %dma_start3A_171] : memref<2x128xi32, #tpu.memory_space<vmem>> -> memref<1x128xi32, #tpu.memory_space<vmem>>
        %dma_start3A_173 = tpu.memref_squeeze %dma_start3A_172 : memref<1x128xi32, #tpu.memory_space<vmem>> -> memref<128xi32, #tpu.memory_space<vmem>>
        %dma_start3A_174 = arith.constant 0 : i32
        %dma_start3A_175 = tpu.memref_slice %arg3[%add3A, %add3A_153, %dma_start3A_174] : memref<32x80x128xi32, #tpu.memory_space<hbm>> -> memref<1x1x128xi32, #tpu.memory_space<hbm>>
        %dma_start3A_176 = tpu.memref_squeeze %dma_start3A_175 : memref<1x1x128xi32, #tpu.memory_space<hbm>> -> memref<128xi32, #tpu.memory_space<hbm>>
        %dma_start3A_177 = arith.constant 0 : i32
        %dma_start3A_178 = tpu.memref_slice %arg6[%dma_start3A_170, %dma_start3A_177] : memref<2x128xi32, #tpu.memory_space<vmem>> -> memref<1x128xi32, #tpu.memory_space<vmem>>
        %dma_start3A_179 = tpu.memref_squeeze %dma_start3A_178 : memref<1x128xi32, #tpu.memory_space<vmem>> -> memref<128xi32, #tpu.memory_space<vmem>>
        %dma_start3A_180 = arith.constant 0 : i32
        %dma_start3A_181 = tpu.memref_slice %arg3[%add3A, %add3A_153, %dma_start3A_180] : memref<32x80x128xi32, #tpu.memory_space<hbm>> -> memref<1x1x128xi32, #tpu.memory_space<hbm>>
        %dma_start3A_182 = tpu.memref_squeeze %dma_start3A_181 : memref<1x1x128xi32, #tpu.memory_space<hbm>> -> memref<128xi32, #tpu.memory_space<hbm>>
        tpu.enqueue_dma source(%dma_start3A_182 : memref<128xi32, #tpu.memory_space<hbm>>) target(%dma_start3A_179 : memref<128xi32, #tpu.memory_space<vmem>>) target_semaphore(%arg11 : memref<!tpu.dma_semaphore, #tpu.memory_space<semaphore_mem>>)
      } else {
      }
      %add3A_117 = arith.constant 1 : i32
      %add3A_118 = arith.addi %mul3A_54, %add3A_117 : i32
      %mul3A_119 = arith.constant 128 : i32
      %mul3A_120 = arith.muli %add3A_118, %mul3A_119 : i32
      %add3A_121 = arith.addi %mul3A_4, %mul3A_120 : i32
      %dma_wait3A_122 = arith.constant 1 : i32
      %dma_wait3A_123 = arith.constant 0 : i32
      %dma_wait3A_124 = arith.constant 0 : i32
      %dma_wait3A_125 = tpu.memref_slice %arg7[%dma_wait3A_122, %dma_wait3A_123, %dma_wait3A_124] : memref<2x128x144xf32, #tpu.memory_space<vmem>> -> memref<1x128x144xf32, #tpu.memory_space<vmem>>
      %dma_wait3A_126 = tpu.memref_squeeze %dma_wait3A_125 : memref<1x128x144xf32, #tpu.memory_space<vmem>> -> memref<128x144xf32, #tpu.memory_space<vmem>>
      %dma_wait3A_127 = arith.constant 0 : i32
      %dma_wait3A_128 = tpu.memref_slice %arg2[%add3A_121, %dma_wait3A_127] : memref<327680x144xf32, #tpu.memory_space<hbm>> -> memref<128x144xf32, #tpu.memory_space<hbm>>
      %dma_wait3A_129 = arith.constant 0 : i32
      %dma_wait3A_130 = arith.constant 0 : i32
      %dma_wait3A_131 = tpu.memref_slice %arg7[%dma_wait3A_122, %dma_wait3A_129, %dma_wait3A_130] : memref<2x128x144xf32, #tpu.memory_space<vmem>> -> memref<1x128x144xf32, #tpu.memory_space<vmem>>
      %dma_wait3A_132 = tpu.memref_squeeze %dma_wait3A_131 : memref<1x128x144xf32, #tpu.memory_space<vmem>> -> memref<128x144xf32, #tpu.memory_space<vmem>>
      %dma_wait3A_133 = arith.constant 0 : i32
      %dma_wait3A_134 = tpu.memref_slice %arg2[%add3A_121, %dma_wait3A_133] : memref<327680x144xf32, #tpu.memory_space<hbm>> -> memref<128x144xf32, #tpu.memory_space<hbm>>
      tpu.wait_dma2 semaphore(%arg10 : memref<!tpu.dma_semaphore, #tpu.memory_space<semaphore_mem>>) src(%dma_wait3A_134 : memref<128x144xf32, #tpu.memory_space<hbm>>) dst(%dma_wait3A_132 : memref<128x144xf32, #tpu.memory_space<vmem>>)
      %dma_wait3A_135 = arith.constant 1 : i32
      %dma_wait3A_136 = arith.constant 0 : i32
      %dma_wait3A_137 = tpu.memref_slice %arg6[%dma_wait3A_135, %dma_wait3A_136] : memref<2x128xi32, #tpu.memory_space<vmem>> -> memref<1x128xi32, #tpu.memory_space<vmem>>
      %dma_wait3A_138 = tpu.memref_squeeze %dma_wait3A_137 : memref<1x128xi32, #tpu.memory_space<vmem>> -> memref<128xi32, #tpu.memory_space<vmem>>
      %dma_wait3A_139 = arith.constant 0 : i32
      %dma_wait3A_140 = tpu.memref_slice %arg3[%add3A, %add3A_118, %dma_wait3A_139] : memref<32x80x128xi32, #tpu.memory_space<hbm>> -> memref<1x1x128xi32, #tpu.memory_space<hbm>>
      %dma_wait3A_141 = tpu.memref_squeeze %dma_wait3A_140 : memref<1x1x128xi32, #tpu.memory_space<hbm>> -> memref<128xi32, #tpu.memory_space<hbm>>
      %dma_wait3A_142 = arith.constant 0 : i32
      %dma_wait3A_143 = tpu.memref_slice %arg6[%dma_wait3A_135, %dma_wait3A_142] : memref<2x128xi32, #tpu.memory_space<vmem>> -> memref<1x128xi32, #tpu.memory_space<vmem>>
      %dma_wait3A_144 = tpu.memref_squeeze %dma_wait3A_143 : memref<1x128xi32, #tpu.memory_space<vmem>> -> memref<128xi32, #tpu.memory_space<vmem>>
      %dma_wait3A_145 = arith.constant 0 : i32
      %dma_wait3A_146 = tpu.memref_slice %arg3[%add3A, %add3A_118, %dma_wait3A_145] : memref<32x80x128xi32, #tpu.memory_space<hbm>> -> memref<1x1x128xi32, #tpu.memory_space<hbm>>
      %dma_wait3A_147 = tpu.memref_squeeze %dma_wait3A_146 : memref<1x1x128xi32, #tpu.memory_space<hbm>> -> memref<128xi32, #tpu.memory_space<hbm>>
      tpu.wait_dma2 semaphore(%arg12 : memref<!tpu.dma_semaphore, #tpu.memory_space<semaphore_mem>>) src(%dma_wait3A_147 : memref<128xi32, #tpu.memory_space<hbm>>) dst(%dma_wait3A_144 : memref<128xi32, #tpu.memory_space<vmem>>)
      %add3A_148 = arith.constant 1 : i32
      %add3A_149 = arith.addi %mul3A_54, %add3A_148 : i32
      %run_scoped3A_150 = arith.constant 1 : i32
      %run_scoped3A_151 = arith.constant 1 : i32
      "tpu.region"() ({
        %run_scoped3A_152 = tpu.sem_alloc : memref<!tpu.dma_semaphore, #tpu.memory_space<semaphore_mem>>
        %dma_start3A_153 = arith.constant 0 : i32
        %dma_start3A_154 = arith.constant 0 : i32
        %dma_start3A_155 = tpu.memref_slice %arg7[%run_scoped3A_150, %dma_start3A_153, %dma_start3A_154] : memref<2x128x144xf32, #tpu.memory_space<vmem>> -> memref<1x128x144xf32, #tpu.memory_space<vmem>>
        %dma_start3A_156 = tpu.memref_squeeze %dma_start3A_155 : memref<1x128x144xf32, #tpu.memory_space<vmem>> -> memref<128x144xf32, #tpu.memory_space<vmem>>
        %dma_start3A_157 = arith.constant 0 : i32
        %dma_start3A_158 = tpu.memref_slice %arg6[%run_scoped3A_151, %dma_start3A_157] : memref<2x128xi32, #tpu.memory_space<vmem>> -> memref<1x128xi32, #tpu.memory_space<vmem>>
        %dma_start3A_159 = tpu.memref_squeeze %dma_start3A_158 : memref<1x128xi32, #tpu.memory_space<vmem>> -> memref<128xi32, #tpu.memory_space<vmem>>
        %dma_start3A_160 = arith.constant 0 : i32
        %dma_start3A_161 = arith.constant 0 : i32
        %dma_start3A_162 = tpu.memref_slice %arg8[%dma_start3A_160, %dma_start3A_161] : memref<10240x144xf32, #tpu.memory_space<vmem_shared>> -> memref<10240x144xf32, #tpu.memory_space<vmem_shared>>
        tpu.enqueue_indirect_dma source(%dma_start3A_156 : memref<128x144xf32, #tpu.memory_space<vmem>>) target(%dma_start3A_162 : memref<10240x144xf32, #tpu.memory_space<vmem_shared>>) offsets(%dma_start3A_159 : memref<128xi32, #tpu.memory_space<vmem>>) semaphore(%run_scoped3A_152 : memref<!tpu.dma_semaphore, #tpu.memory_space<semaphore_mem>>) {add = true}
        %dma_wait3A_163 = arith.constant 0 : i32
        %dma_wait3A_164 = arith.constant 0 : i32
        %dma_wait3A_165 = tpu.memref_slice %arg7[%run_scoped3A_150, %dma_wait3A_163, %dma_wait3A_164] : memref<2x128x144xf32, #tpu.memory_space<vmem>> -> memref<1x128x144xf32, #tpu.memory_space<vmem>>
        %dma_wait3A_166 = tpu.memref_squeeze %dma_wait3A_165 : memref<1x128x144xf32, #tpu.memory_space<vmem>> -> memref<128x144xf32, #tpu.memory_space<vmem>>
        %dma_wait3A_167 = arith.constant 0 : i32
        %dma_wait3A_168 = tpu.memref_slice %arg6[%run_scoped3A_151, %dma_wait3A_167] : memref<2x128xi32, #tpu.memory_space<vmem>> -> memref<1x128xi32, #tpu.memory_space<vmem>>
        %dma_wait3A_169 = tpu.memref_squeeze %dma_wait3A_168 : memref<1x128xi32, #tpu.memory_space<vmem>> -> memref<128xi32, #tpu.memory_space<vmem>>
        %dma_wait3A_170 = arith.constant 0 : i32
        %dma_wait3A_171 = arith.constant 0 : i32
        %dma_wait3A_172 = tpu.memref_slice %arg8[%dma_wait3A_170, %dma_wait3A_171] : memref<10240x144xf32, #tpu.memory_space<vmem_shared>> -> memref<10240x144xf32, #tpu.memory_space<vmem_shared>>
        tpu.wait_indirect_dma semaphore(%run_scoped3A_152 : memref<!tpu.dma_semaphore, #tpu.memory_space<semaphore_mem>>) src(%dma_wait3A_166 : memref<128x144xf32, #tpu.memory_space<vmem>>) dst(%dma_wait3A_172 : memref<10240x144xf32, #tpu.memory_space<vmem_shared>>)
        tpu.yield
      }) : () -> ()
    }
    %scan3A_41 = arith.constant 40 : i32
    %barrier3A_42 = arith.constant 0 : index
    tpu.barrier barrier_id(%barrier3A_42)
    %scan3A_43 = arith.constant 0 : i32
    %scan3A_44 = arith.constant 5 : i32
    %scan3A_45 = arith.addi %scan3A_43, %scan3A_44 : i32
    %scan3A_46 = arith.constant 1 : i32
    scf.for %scan3A_48 = %scan3A_43 to %scan3A_45 step %scan3A_46  : i32 {
      %mul3A_49 = arith.constant 1 : i32
      %mul3A_50 = arith.muli %scan3A_48, %mul3A_49 : i32
      %add3A_51 = arith.constant 0 : i32
      %add3A_52 = arith.addi %add3A_51, %mul3A_50 : i32
      %mul3A_53 = arith.constant 640 : i32
      %mul3A_54 = arith.muli %arg1, %mul3A_53 : i32
      %mul3A_55 = arith.constant 128 : i32
      %mul3A_56 = arith.muli %add3A_52, %mul3A_55 : i32
      %add3A_57 = arith.addi %mul3A_54, %mul3A_56 : i32
      "tpu.region"() ({
        %run_scoped3A = tpu.sem_alloc : memref<!tpu.dma_semaphore, #tpu.memory_space<semaphore_mem>>
        %dma_start3A_58 = arith.constant 0 : i32
        %dma_start3A_59 = tpu.memref_slice %arg5[%arg0, %add3A_57, %dma_start3A_58] : memref<2x10240x144xf32, #tpu.memory_space<hbm>> -> memref<1x128x144xf32, #tpu.memory_space<hbm>>
        %dma_start3A_60 = tpu.memref_squeeze %dma_start3A_59 : memref<1x128x144xf32, #tpu.memory_space<hbm>> -> memref<128x144xf32, #tpu.memory_space<hbm>>
        %dma_start3A_61 = arith.constant 0 : i32
        %dma_start3A_62 = tpu.memref_slice %arg8[%add3A_57, %dma_start3A_61] : memref<10240x144xf32, #tpu.memory_space<vmem_shared>> -> memref<128x144xf32, #tpu.memory_space<vmem_shared>>
        tpu.enqueue_dma source(%dma_start3A_62 : memref<128x144xf32, #tpu.memory_space<vmem_shared>>) target(%dma_start3A_60 : memref<128x144xf32, #tpu.memory_space<hbm>>) target_semaphore(%run_scoped3A : memref<!tpu.dma_semaphore, #tpu.memory_space<semaphore_mem>>)
        %dma_wait3A = arith.constant 0 : i32
        %dma_wait3A_63 = tpu.memref_slice %arg5[%arg0, %add3A_57, %dma_wait3A] : memref<2x10240x144xf32, #tpu.memory_space<hbm>> -> memref<1x128x144xf32, #tpu.memory_space<hbm>>
        %dma_wait3A_64 = tpu.memref_squeeze %dma_wait3A_63 : memref<1x128x144xf32, #tpu.memory_space<hbm>> -> memref<128x144xf32, #tpu.memory_space<hbm>>
        %dma_wait3A_65 = arith.constant 0 : i32
        %dma_wait3A_66 = tpu.memref_slice %arg8[%add3A_57, %dma_wait3A_65] : memref<10240x144xf32, #tpu.memory_space<vmem_shared>> -> memref<128x144xf32, #tpu.memory_space<vmem_shared>>
        tpu.wait_dma2 semaphore(%run_scoped3A : memref<!tpu.dma_semaphore, #tpu.memory_space<semaphore_mem>>) src(%dma_wait3A_66 : memref<128x144xf32, #tpu.memory_space<vmem_shared>>) dst(%dma_wait3A_64 : memref<128x144xf32, #tpu.memory_space<hbm>>)
        tpu.yield
      }) : () -> ()
    }
    %scan3A_47 = arith.constant 5 : i32
    return
  }
}

module attributes {stable_mosaic.version = 14 : i64} {
  func.func @_c_body(%arg0: i32, %arg1: memref<2048x128xf32, #tpu.memory_space<vmem>>, %arg2: memref<2048x128xf32, #tpu.memory_space<vmem>>, %arg3: memref<2048x144xf32, #tpu.memory_space<vmem>>) attributes {dimension_semantics = [#tpu.dimension_semantics<arbitrary>], iteration_bounds = array<i64: 160>, scalar_prefetch = 0 : i64, scratch_operands = 0 : i64, tpu.core_type = #tpu.core_type<tc>, window_params = [{transform_indices = @transform_0, window_bounds = array<i64: 2048, 128>}, {transform_indices = @transform_1, window_bounds = array<i64: 2048, 128>}, {transform_indices = @transform_2, window_bounds = array<i64: 2048, 144>}]} {
    %get3A = arith.constant 0 : index
    %get3A_0 = arith.constant 0 : index
    %get3A_1 = vector.load %arg1[%get3A, %get3A_0] : memref<2048x128xf32, #tpu.memory_space<vmem>>, vector<2048x128xf32>
    %bitcast_convert_type3A = tpu.bitcast %get3A_1 : vector<2048x128xf32> -> vector<2048x128xi32>
    %and3A = arith.constant -65536 : i32
    %and3A_2 = vector.broadcast %and3A : i32 to vector<2048x128xi32>
    %and3A_3 = arith.andi %bitcast_convert_type3A, %and3A_2 : vector<2048x128xi32>
    %bitcast_convert_type3A_4 = tpu.bitcast %and3A_3 : vector<2048x128xi32> -> vector<2048x128xf32>
    %shift_left3A = arith.constant 16 : i32
    %shift_left3A_5 = vector.broadcast %shift_left3A : i32 to vector<2048x128xi32>
    %shift_left3A_6 = arith.shli %bitcast_convert_type3A, %shift_left3A_5 : vector<2048x128xi32>
    %bitcast_convert_type3A_7 = tpu.bitcast %shift_left3A_6 : vector<2048x128xi32> -> vector<2048x128xf32>
    %get3A_8 = arith.constant 0 : index
    %get3A_9 = arith.constant 0 : index
    %get3A_10 = vector.load %arg2[%get3A_8, %get3A_9] : memref<2048x128xf32, #tpu.memory_space<vmem>>, vector<2048x128xf32>
    %mul3A = arith.mulf %bitcast_convert_type3A_4, %get3A_10 : vector<2048x128xf32>
    %slice3A = vector.extract_strided_slice %mul3A {offsets = [0, 0], sizes = [2048, 32], strides = [1, 1]} : vector<2048x128xf32> to vector<2048x32xf32>
    %reduce_sum3A = arith.constant dense<0.000000e+00> : vector<2048xf32>
    %reduce_sum3A_11 = vector.multi_reduction <add>, %slice3A, %reduce_sum3A [1] : vector<2048x32xf32> to vector<2048xf32>
    %broadcast_in_dim3A = vector.shape_cast %reduce_sum3A_11 : vector<2048xf32> to vector<2048x1xf32>
    %exp3A = math.exp %broadcast_in_dim3A : vector<2048x1xf32>
    %slice3A_12 = vector.extract_strided_slice %bitcast_convert_type3A_7 {offsets = [0, 0], sizes = [2048, 32], strides = [1, 1]} : vector<2048x128xf32> to vector<2048x32xf32>
    %mul3A_13 = vector.broadcast %exp3A : vector<2048x1xf32> to vector<2048x32xf32>
    %mul3A_14 = arith.mulf %slice3A_12, %mul3A_13 : vector<2048x32xf32>
    %slice3A_15 = vector.extract_strided_slice %mul3A {offsets = [0, 32], sizes = [2048, 32], strides = [1, 1]} : vector<2048x128xf32> to vector<2048x32xf32>
    %reduce_sum3A_16 = arith.constant dense<0.000000e+00> : vector<2048xf32>
    %reduce_sum3A_17 = vector.multi_reduction <add>, %slice3A_15, %reduce_sum3A_16 [1] : vector<2048x32xf32> to vector<2048xf32>
    %broadcast_in_dim3A_18 = vector.shape_cast %reduce_sum3A_17 : vector<2048xf32> to vector<2048x1xf32>
    %exp3A_19 = math.exp %broadcast_in_dim3A_18 : vector<2048x1xf32>
    %slice3A_20 = vector.extract_strided_slice %bitcast_convert_type3A_7 {offsets = [0, 32], sizes = [2048, 32], strides = [1, 1]} : vector<2048x128xf32> to vector<2048x32xf32>
    %mul3A_21 = vector.broadcast %exp3A_19 : vector<2048x1xf32> to vector<2048x32xf32>
    %mul3A_22 = arith.mulf %slice3A_20, %mul3A_21 : vector<2048x32xf32>
    %slice3A_23 = vector.extract_strided_slice %mul3A {offsets = [0, 64], sizes = [2048, 32], strides = [1, 1]} : vector<2048x128xf32> to vector<2048x32xf32>
    %reduce_sum3A_24 = arith.constant dense<0.000000e+00> : vector<2048xf32>
    %reduce_sum3A_25 = vector.multi_reduction <add>, %slice3A_23, %reduce_sum3A_24 [1] : vector<2048x32xf32> to vector<2048xf32>
    %broadcast_in_dim3A_26 = vector.shape_cast %reduce_sum3A_25 : vector<2048xf32> to vector<2048x1xf32>
    %exp3A_27 = math.exp %broadcast_in_dim3A_26 : vector<2048x1xf32>
    %slice3A_28 = vector.extract_strided_slice %bitcast_convert_type3A_7 {offsets = [0, 64], sizes = [2048, 32], strides = [1, 1]} : vector<2048x128xf32> to vector<2048x32xf32>
    %mul3A_29 = vector.broadcast %exp3A_27 : vector<2048x1xf32> to vector<2048x32xf32>
    %mul3A_30 = arith.mulf %slice3A_28, %mul3A_29 : vector<2048x32xf32>
    %slice3A_31 = vector.extract_strided_slice %mul3A {offsets = [0, 96], sizes = [2048, 32], strides = [1, 1]} : vector<2048x128xf32> to vector<2048x32xf32>
    %reduce_sum3A_32 = arith.constant dense<0.000000e+00> : vector<2048xf32>
    %reduce_sum3A_33 = vector.multi_reduction <add>, %slice3A_31, %reduce_sum3A_32 [1] : vector<2048x32xf32> to vector<2048xf32>
    %broadcast_in_dim3A_34 = vector.shape_cast %reduce_sum3A_33 : vector<2048xf32> to vector<2048x1xf32>
    %exp3A_35 = math.exp %broadcast_in_dim3A_34 : vector<2048x1xf32>
    %slice3A_36 = vector.extract_strided_slice %bitcast_convert_type3A_7 {offsets = [0, 96], sizes = [2048, 32], strides = [1, 1]} : vector<2048x128xf32> to vector<2048x32xf32>
    %mul3A_37 = vector.broadcast %exp3A_35 : vector<2048x1xf32> to vector<2048x32xf32>
    %mul3A_38 = arith.mulf %slice3A_36, %mul3A_37 : vector<2048x32xf32>
    %broadcast_in_dim3A_39 = arith.constant 0.000000e+00 : f32
    %broadcast_in_dim3A_40 = vector.broadcast %broadcast_in_dim3A_39 : f32 to vector<2048x12xf32>
    %concatenate3A = tpu.concatenate %exp3A, %exp3A_19, %exp3A_27, %exp3A_35, %broadcast_in_dim3A_40 in 1 : vector<2048x1xf32>, vector<2048x1xf32>, vector<2048x1xf32>, vector<2048x1xf32>, vector<2048x12xf32> -> vector<2048x16xf32>
    %concatenate3A_41 = tpu.concatenate %mul3A_14, %mul3A_22, %mul3A_30, %mul3A_38, %concatenate3A in 1 : vector<2048x32xf32>, vector<2048x32xf32>, vector<2048x32xf32>, vector<2048x32xf32>, vector<2048x16xf32> -> vector<2048x144xf32>
    %swap3A = arith.constant 0 : index
    %swap3A_42 = arith.constant 0 : index
    %swap3A_43 = vector.load %arg3[%swap3A, %swap3A_42] : memref<2048x144xf32, #tpu.memory_space<vmem>>, vector<2048x144xf32>
    tpu.vector_store %arg3[%swap3A, %swap3A_42], %concatenate3A_41 {strides = array<i32>} : memref<2048x144xf32, #tpu.memory_space<vmem>>, vector<2048x144xf32>,
    return
  }
  func.func @transform_0(%arg0: i32) -> (i32, i32) {
    %c0_i32 = arith.constant 0 : i32
    %c0_i32_0 = arith.constant 0 : i32
    return %arg0, %c0_i32 : i32, i32
  }
  func.func @transform_1(%arg0: i32) -> (i32, i32) {
    %c0_i32 = arith.constant 0 : i32
    %c0_i32_0 = arith.constant 0 : i32
    return %arg0, %c0_i32 : i32, i32
  }
  func.func @transform_2(%arg0: i32) -> (i32, i32) {
    %c0_i32 = arith.constant 0 : i32
    %c0_i32_0 = arith.constant 0 : i32
    return %arg0, %c0_i32 : i32, i32
  }
}

module attributes {stable_mosaic.version = 14 : i64} {
  func.func @_a_body(%arg0: i32, %arg1: memref<1000x128xf32, #tpu.memory_space<vmem>>, %arg2: memref<1000x1xi32, #tpu.memory_space<vmem>>, %arg3: memref<2x128x128xf32, #tpu.memory_space<vmem>>, %arg4: memref<3x2xf32, #tpu.memory_space<vmem>>, %arg5: memref<2x128x128xf32, #tpu.memory_space<vmem>>, %arg6: memref<3x2xf32, #tpu.memory_space<vmem>>, %arg7: memref<2x128x128xf32, #tpu.memory_space<vmem>>, %arg8: memref<3x2xf32, #tpu.memory_space<vmem>>, %arg9: memref<5x4x32x32xf32, #tpu.memory_space<vmem>>, %arg10: memref<5x4x32x32xf32, #tpu.memory_space<vmem>>, %arg11: memref<5x4xf32, #tpu.memory_space<vmem>>, %arg12: memref<5x1000x128xf32, #tpu.memory_space<vmem>>, %arg13: memref<1000x128xf32, #tpu.memory_space<vmem>>) attributes {dimension_semantics = [#tpu.dimension_semantics<arbitrary>], iteration_bounds = array<i64: 10>, scalar_prefetch = 0 : i64, scratch_operands = 0 : i64, tpu.core_type = #tpu.core_type<tc>, window_params = [{transform_indices = @transform_0, window_bounds = array<i64: 1000, 128>}, {transform_indices = @transform_1, window_bounds = array<i64: 1000, 1>}, {pipeline_mode = #tpu.pipeline_mode<synchronous>, transform_indices = @transform_2, window_bounds = array<i64: 2, 128, 128>}, {pipeline_mode = #tpu.pipeline_mode<synchronous>, transform_indices = @transform_3, window_bounds = array<i64: 3, 2>}, {pipeline_mode = #tpu.pipeline_mode<synchronous>, transform_indices = @transform_4, window_bounds = array<i64: 2, 128, 128>}, {pipeline_mode = #tpu.pipeline_mode<synchronous>, transform_indices = @transform_5, window_bounds = array<i64: 3, 2>}, {pipeline_mode = #tpu.pipeline_mode<synchronous>, transform_indices = @transform_6, window_bounds = array<i64: 2, 128, 128>}, {pipeline_mode = #tpu.pipeline_mode<synchronous>, transform_indices = @transform_7, window_bounds = array<i64: 3, 2>}, {pipeline_mode = #tpu.pipeline_mode<synchronous>, transform_indices = @transform_8, window_bounds = array<i64: 5, 4, 32, 32>}, {pipeline_mode = #tpu.pipeline_mode<synchronous>, transform_indices = @transform_9, window_bounds = array<i64: 5, 4, 32, 32>}, {pipeline_mode = #tpu.pipeline_mode<synchronous>, transform_indices = @transform_10, window_bounds = array<i64: 5, 4>}, {transform_indices = @transform_11, window_bounds = array<i64: 5, 1000, 128>}, {transform_indices = @transform_12, window_bounds = array<i64: 1000, 128>}]} {
    %get3A = arith.constant 0 : index
    %get3A_0 = arith.constant 0 : index
    %get3A_1 = vector.load %arg1[%get3A, %get3A_0] : memref<1000x128xf32, #tpu.memory_space<vmem>>, vector<1000x128xf32>
    %get3A_2 = arith.constant 0 : index
    %get3A_3 = arith.constant 0 : index
    %get3A_4 = vector.load %arg2[%get3A_2, %get3A_3] : memref<1000x1xi32, #tpu.memory_space<vmem>>, vector<1000x1xi32>
    %get3A_5 = arith.constant 0 : index
    %get3A_6 = arith.constant 0 : index
    %get3A_7 = arith.constant 0 : index
    %get3A_8 = vector.load %arg3[%get3A_5, %get3A_6, %get3A_7] : memref<2x128x128xf32, #tpu.memory_space<vmem>>, vector<1x128x128xf32>
    %get3A_9 = vector.shape_cast %get3A_8 : vector<1x128x128xf32> to vector<128x128xf32>
    %dot_general3A = arith.constant dense<0.000000e+00> : vector<1000x128xf32>
    %dot_general3A_10 = tpu.matmul %get3A_1, %get3A_9, %dot_general3A {dimension_numbers = #tpu.dot_dimension_numbers<[1], [0], [0], [1], [0, 0, 1, 1], [], []>, transpose_lhs_hint = false} : vector<1000x128xf32>, vector<128x128xf32>, vector<1000x128xf32> -> vector<1000x128xf32>
    %get3A_11 = arith.constant 1 : index
    %get3A_12 = arith.constant 0 : index
    %get3A_13 = arith.constant 0 : index
    %get3A_14 = vector.load %arg3[%get3A_11, %get3A_12, %get3A_13] : memref<2x128x128xf32, #tpu.memory_space<vmem>>, vector<1x128x128xf32>
    %get3A_15 = vector.shape_cast %get3A_14 : vector<1x128x128xf32> to vector<128x128xf32>
    %dot_general3A_16 = arith.constant dense<0.000000e+00> : vector<1000x128xf32>
    %dot_general3A_17 = tpu.matmul %get3A_1, %get3A_15, %dot_general3A_16 {dimension_numbers = #tpu.dot_dimension_numbers<[1], [0], [0], [1], [0, 0, 1, 1], [], []>, transpose_lhs_hint = false} : vector<1000x128xf32>, vector<128x128xf32>, vector<1000x128xf32> -> vector<1000x128xf32>
    %eq3A = arith.constant 0 : i32
    %eq3A_18 = vector.broadcast %eq3A : i32 to vector<1000x1xi32>
    %eq3A_19 = arith.cmpi eq, %get3A_4, %eq3A_18 : vector<1000x1xi32>
    %get3A_20 = arith.constant 0 : index
    %get3A_21 = arith.constant 0 : index
    %get3A_22 = vector.load %arg4[%get3A_20, %get3A_21] : memref<3x2xf32, #tpu.memory_space<vmem>>, vector<1x1xf32>
    %get3A_23 = vector.extract %get3A_22[0, 0] : f32 from vector<1x1xf32>
    %jit3A = arith.constant 0.000000e+00 : f32
    %broadcast_in_dim3A = vector.broadcast %get3A_23 : f32 to vector<1000x1xf32>
    %broadcast_in_dim3A_24 = vector.broadcast %jit3A : f32 to vector<1000x1xf32>
    %select_n3A = arith.select %eq3A_19, %broadcast_in_dim3A, %broadcast_in_dim3A_24 : vector<1000x1xi1>, vector<1000x1xf32>
    %add3A = arith.constant 0.000000e+00 : f32
    %add3A_25 = vector.broadcast %add3A : f32 to vector<1000x1xf32>
    %add3A_26 = arith.addf %add3A_25, %select_n3A : vector<1000x1xf32>
    %eq3A_27 = arith.constant 1 : i32
    %eq3A_28 = vector.broadcast %eq3A_27 : i32 to vector<1000x1xi32>
    %eq3A_29 = arith.cmpi eq, %get3A_4, %eq3A_28 : vector<1000x1xi32>
    %get3A_30 = arith.constant 1 : index
    %get3A_31 = arith.constant 0 : index
    %get3A_32 = vector.load %arg4[%get3A_30, %get3A_31] : memref<3x2xf32, #tpu.memory_space<vmem>>, vector<1x1xf32>
    %get3A_33 = vector.extract %get3A_32[0, 0] : f32 from vector<1x1xf32>
    %jit3A_34 = arith.constant 0.000000e+00 : f32
    %broadcast_in_dim3A_35 = vector.broadcast %get3A_33 : f32 to vector<1000x1xf32>
    %broadcast_in_dim3A_36 = vector.broadcast %jit3A_34 : f32 to vector<1000x1xf32>
    %select_n3A_37 = arith.select %eq3A_29, %broadcast_in_dim3A_35, %broadcast_in_dim3A_36 : vector<1000x1xi1>, vector<1000x1xf32>
    %add3A_38 = arith.addf %add3A_26, %select_n3A_37 : vector<1000x1xf32>
    %eq3A_39 = arith.constant 2 : i32
    %eq3A_40 = vector.broadcast %eq3A_39 : i32 to vector<1000x1xi32>
    %eq3A_41 = arith.cmpi eq, %get3A_4, %eq3A_40 : vector<1000x1xi32>
    %get3A_42 = arith.constant 2 : index
    %get3A_43 = arith.constant 0 : index
    %get3A_44 = vector.load %arg4[%get3A_42, %get3A_43] : memref<3x2xf32, #tpu.memory_space<vmem>>, vector<1x1xf32>
    %get3A_45 = vector.extract %get3A_44[0, 0] : f32 from vector<1x1xf32>
    %jit3A_46 = arith.constant 0.000000e+00 : f32
    %broadcast_in_dim3A_47 = vector.broadcast %get3A_45 : f32 to vector<1000x1xf32>
    %broadcast_in_dim3A_48 = vector.broadcast %jit3A_46 : f32 to vector<1000x1xf32>
    %select_n3A_49 = arith.select %eq3A_41, %broadcast_in_dim3A_47, %broadcast_in_dim3A_48 : vector<1000x1xi1>, vector<1000x1xf32>
    %add3A_50 = arith.addf %add3A_38, %select_n3A_49 : vector<1000x1xf32>
    %eq3A_51 = arith.constant 0 : i32
    %eq3A_52 = vector.broadcast %eq3A_51 : i32 to vector<1000x1xi32>
    %eq3A_53 = arith.cmpi eq, %get3A_4, %eq3A_52 : vector<1000x1xi32>
    %get3A_54 = arith.constant 0 : index
    %get3A_55 = arith.constant 1 : index
    %get3A_56 = vector.load %arg4[%get3A_54, %get3A_55] : memref<3x2xf32, #tpu.memory_space<vmem>>, vector<1x1xf32>
    %get3A_57 = vector.extract %get3A_56[0, 0] : f32 from vector<1x1xf32>
    %jit3A_58 = arith.constant 0.000000e+00 : f32
    %broadcast_in_dim3A_59 = vector.broadcast %get3A_57 : f32 to vector<1000x1xf32>
    %broadcast_in_dim3A_60 = vector.broadcast %jit3A_58 : f32 to vector<1000x1xf32>
    %select_n3A_61 = arith.select %eq3A_53, %broadcast_in_dim3A_59, %broadcast_in_dim3A_60 : vector<1000x1xi1>, vector<1000x1xf32>
    %add3A_62 = arith.constant 0.000000e+00 : f32
    %add3A_63 = vector.broadcast %add3A_62 : f32 to vector<1000x1xf32>
    %add3A_64 = arith.addf %add3A_63, %select_n3A_61 : vector<1000x1xf32>
    %eq3A_65 = arith.constant 1 : i32
    %eq3A_66 = vector.broadcast %eq3A_65 : i32 to vector<1000x1xi32>
    %eq3A_67 = arith.cmpi eq, %get3A_4, %eq3A_66 : vector<1000x1xi32>
    %get3A_68 = arith.constant 1 : index
    %get3A_69 = arith.constant 1 : index
    %get3A_70 = vector.load %arg4[%get3A_68, %get3A_69] : memref<3x2xf32, #tpu.memory_space<vmem>>, vector<1x1xf32>
    %get3A_71 = vector.extract %get3A_70[0, 0] : f32 from vector<1x1xf32>
    %jit3A_72 = arith.constant 0.000000e+00 : f32
    %broadcast_in_dim3A_73 = vector.broadcast %get3A_71 : f32 to vector<1000x1xf32>
    %broadcast_in_dim3A_74 = vector.broadcast %jit3A_72 : f32 to vector<1000x1xf32>
    %select_n3A_75 = arith.select %eq3A_67, %broadcast_in_dim3A_73, %broadcast_in_dim3A_74 : vector<1000x1xi1>, vector<1000x1xf32>
    %add3A_76 = arith.addf %add3A_64, %select_n3A_75 : vector<1000x1xf32>
    %eq3A_77 = arith.constant 2 : i32
    %eq3A_78 = vector.broadcast %eq3A_77 : i32 to vector<1000x1xi32>
    %eq3A_79 = arith.cmpi eq, %get3A_4, %eq3A_78 : vector<1000x1xi32>
    %get3A_80 = arith.constant 2 : index
    %get3A_81 = arith.constant 1 : index
    %get3A_82 = vector.load %arg4[%get3A_80, %get3A_81] : memref<3x2xf32, #tpu.memory_space<vmem>>, vector<1x1xf32>
    %get3A_83 = vector.extract %get3A_82[0, 0] : f32 from vector<1x1xf32>
    %jit3A_84 = arith.constant 0.000000e+00 : f32
    %broadcast_in_dim3A_85 = vector.broadcast %get3A_83 : f32 to vector<1000x1xf32>
    %broadcast_in_dim3A_86 = vector.broadcast %jit3A_84 : f32 to vector<1000x1xf32>
    %select_n3A_87 = arith.select %eq3A_79, %broadcast_in_dim3A_85, %broadcast_in_dim3A_86 : vector<1000x1xi1>, vector<1000x1xf32>
    %add3A_88 = arith.addf %add3A_76, %select_n3A_87 : vector<1000x1xf32>
    %mul3A = vector.broadcast %add3A_50 : vector<1000x1xf32> to vector<1000x128xf32>
    %mul3A_89 = arith.mulf %mul3A, %dot_general3A_10 : vector<1000x128xf32>
    %mul3A_90 = vector.broadcast %add3A_88 : vector<1000x1xf32> to vector<1000x128xf32>
    %mul3A_91 = arith.mulf %mul3A_90, %dot_general3A_17 : vector<1000x128xf32>
    %add3A_92 = arith.addf %mul3A_89, %mul3A_91 : vector<1000x128xf32>
    %get3A_93 = arith.constant 0 : index
    %get3A_94 = arith.constant 0 : index
    %get3A_95 = arith.constant 0 : index
    %get3A_96 = vector.load %arg7[%get3A_93, %get3A_94, %get3A_95] : memref<2x128x128xf32, #tpu.memory_space<vmem>>, vector<1x128x128xf32>
    %get3A_97 = vector.shape_cast %get3A_96 : vector<1x128x128xf32> to vector<128x128xf32>
    %dot_general3A_98 = arith.constant dense<0.000000e+00> : vector<1000x128xf32>
    %dot_general3A_99 = tpu.matmul %get3A_1, %get3A_97, %dot_general3A_98 {dimension_numbers = #tpu.dot_dimension_numbers<[1], [0], [0], [1], [0, 0, 1, 1], [], []>, transpose_lhs_hint = false} : vector<1000x128xf32>, vector<128x128xf32>, vector<1000x128xf32> -> vector<1000x128xf32>
    %get3A_100 = arith.constant 1 : index
    %get3A_101 = arith.constant 0 : index
    %get3A_102 = arith.constant 0 : index
    %get3A_103 = vector.load %arg7[%get3A_100, %get3A_101, %get3A_102] : memref<2x128x128xf32, #tpu.memory_space<vmem>>, vector<1x128x128xf32>
    %get3A_104 = vector.shape_cast %get3A_103 : vector<1x128x128xf32> to vector<128x128xf32>
    %dot_general3A_105 = arith.constant dense<0.000000e+00> : vector<1000x128xf32>
    %dot_general3A_106 = tpu.matmul %get3A_1, %get3A_104, %dot_general3A_105 {dimension_numbers = #tpu.dot_dimension_numbers<[1], [0], [0], [1], [0, 0, 1, 1], [], []>, transpose_lhs_hint = false} : vector<1000x128xf32>, vector<128x128xf32>, vector<1000x128xf32> -> vector<1000x128xf32>
    %eq3A_107 = arith.constant 0 : i32
    %eq3A_108 = vector.broadcast %eq3A_107 : i32 to vector<1000x1xi32>
    %eq3A_109 = arith.cmpi eq, %get3A_4, %eq3A_108 : vector<1000x1xi32>
    %get3A_110 = arith.constant 0 : index
    %get3A_111 = arith.constant 0 : index
    %get3A_112 = vector.load %arg8[%get3A_110, %get3A_111] : memref<3x2xf32, #tpu.memory_space<vmem>>, vector<1x1xf32>
    %get3A_113 = vector.extract %get3A_112[0, 0] : f32 from vector<1x1xf32>
    %jit3A_114 = arith.constant 0.000000e+00 : f32
    %broadcast_in_dim3A_115 = vector.broadcast %get3A_113 : f32 to vector<1000x1xf32>
    %broadcast_in_dim3A_116 = vector.broadcast %jit3A_114 : f32 to vector<1000x1xf32>
    %select_n3A_117 = arith.select %eq3A_109, %broadcast_in_dim3A_115, %broadcast_in_dim3A_116 : vector<1000x1xi1>, vector<1000x1xf32>
    %add3A_118 = arith.constant 0.000000e+00 : f32
    %add3A_119 = vector.broadcast %add3A_118 : f32 to vector<1000x1xf32>
    %add3A_120 = arith.addf %add3A_119, %select_n3A_117 : vector<1000x1xf32>
    %eq3A_121 = arith.constant 1 : i32
    %eq3A_122 = vector.broadcast %eq3A_121 : i32 to vector<1000x1xi32>
    %eq3A_123 = arith.cmpi eq, %get3A_4, %eq3A_122 : vector<1000x1xi32>
    %get3A_124 = arith.constant 1 : index
    %get3A_125 = arith.constant 0 : index
    %get3A_126 = vector.load %arg8[%get3A_124, %get3A_125] : memref<3x2xf32, #tpu.memory_space<vmem>>, vector<1x1xf32>
    %get3A_127 = vector.extract %get3A_126[0, 0] : f32 from vector<1x1xf32>
    %jit3A_128 = arith.constant 0.000000e+00 : f32
    %broadcast_in_dim3A_129 = vector.broadcast %get3A_127 : f32 to vector<1000x1xf32>
    %broadcast_in_dim3A_130 = vector.broadcast %jit3A_128 : f32 to vector<1000x1xf32>
    %select_n3A_131 = arith.select %eq3A_123, %broadcast_in_dim3A_129, %broadcast_in_dim3A_130 : vector<1000x1xi1>, vector<1000x1xf32>
    %add3A_132 = arith.addf %add3A_120, %select_n3A_131 : vector<1000x1xf32>
    %eq3A_133 = arith.constant 2 : i32
    %eq3A_134 = vector.broadcast %eq3A_133 : i32 to vector<1000x1xi32>
    %eq3A_135 = arith.cmpi eq, %get3A_4, %eq3A_134 : vector<1000x1xi32>
    %get3A_136 = arith.constant 2 : index
    %get3A_137 = arith.constant 0 : index
    %get3A_138 = vector.load %arg8[%get3A_136, %get3A_137] : memref<3x2xf32, #tpu.memory_space<vmem>>, vector<1x1xf32>
    %get3A_139 = vector.extract %get3A_138[0, 0] : f32 from vector<1x1xf32>
    %jit3A_140 = arith.constant 0.000000e+00 : f32
    %broadcast_in_dim3A_141 = vector.broadcast %get3A_139 : f32 to vector<1000x1xf32>
    %broadcast_in_dim3A_142 = vector.broadcast %jit3A_140 : f32 to vector<1000x1xf32>
    %select_n3A_143 = arith.select %eq3A_135, %broadcast_in_dim3A_141, %broadcast_in_dim3A_142 : vector<1000x1xi1>, vector<1000x1xf32>
    %add3A_144 = arith.addf %add3A_132, %select_n3A_143 : vector<1000x1xf32>
    %eq3A_145 = arith.constant 0 : i32
    %eq3A_146 = vector.broadcast %eq3A_145 : i32 to vector<1000x1xi32>
    %eq3A_147 = arith.cmpi eq, %get3A_4, %eq3A_146 : vector<1000x1xi32>
    %get3A_148 = arith.constant 0 : index
    %get3A_149 = arith.constant 1 : index
    %get3A_150 = vector.load %arg8[%get3A_148, %get3A_149] : memref<3x2xf32, #tpu.memory_space<vmem>>, vector<1x1xf32>
    %get3A_151 = vector.extract %get3A_150[0, 0] : f32 from vector<1x1xf32>
    %jit3A_152 = arith.constant 0.000000e+00 : f32
    %broadcast_in_dim3A_153 = vector.broadcast %get3A_151 : f32 to vector<1000x1xf32>
    %broadcast_in_dim3A_154 = vector.broadcast %jit3A_152 : f32 to vector<1000x1xf32>
    %select_n3A_155 = arith.select %eq3A_147, %broadcast_in_dim3A_153, %broadcast_in_dim3A_154 : vector<1000x1xi1>, vector<1000x1xf32>
    %add3A_156 = arith.constant 0.000000e+00 : f32
    %add3A_157 = vector.broadcast %add3A_156 : f32 to vector<1000x1xf32>
    %add3A_158 = arith.addf %add3A_157, %select_n3A_155 : vector<1000x1xf32>
    %eq3A_159 = arith.constant 1 : i32
    %eq3A_160 = vector.broadcast %eq3A_159 : i32 to vector<1000x1xi32>
    %eq3A_161 = arith.cmpi eq, %get3A_4, %eq3A_160 : vector<1000x1xi32>
    %get3A_162 = arith.constant 1 : index
    %get3A_163 = arith.constant 1 : index
    %get3A_164 = vector.load %arg8[%get3A_162, %get3A_163] : memref<3x2xf32, #tpu.memory_space<vmem>>, vector<1x1xf32>
    %get3A_165 = vector.extract %get3A_164[0, 0] : f32 from vector<1x1xf32>
    %jit3A_166 = arith.constant 0.000000e+00 : f32
    %broadcast_in_dim3A_167 = vector.broadcast %get3A_165 : f32 to vector<1000x1xf32>
    %broadcast_in_dim3A_168 = vector.broadcast %jit3A_166 : f32 to vector<1000x1xf32>
    %select_n3A_169 = arith.select %eq3A_161, %broadcast_in_dim3A_167, %broadcast_in_dim3A_168 : vector<1000x1xi1>, vector<1000x1xf32>
    %add3A_170 = arith.addf %add3A_158, %select_n3A_169 : vector<1000x1xf32>
    %eq3A_171 = arith.constant 2 : i32
    %eq3A_172 = vector.broadcast %eq3A_171 : i32 to vector<1000x1xi32>
    %eq3A_173 = arith.cmpi eq, %get3A_4, %eq3A_172 : vector<1000x1xi32>
    %get3A_174 = arith.constant 2 : index
    %get3A_175 = arith.constant 1 : index
    %get3A_176 = vector.load %arg8[%get3A_174, %get3A_175] : memref<3x2xf32, #tpu.memory_space<vmem>>, vector<1x1xf32>
    %get3A_177 = vector.extract %get3A_176[0, 0] : f32 from vector<1x1xf32>
    %jit3A_178 = arith.constant 0.000000e+00 : f32
    %broadcast_in_dim3A_179 = vector.broadcast %get3A_177 : f32 to vector<1000x1xf32>
    %broadcast_in_dim3A_180 = vector.broadcast %jit3A_178 : f32 to vector<1000x1xf32>
    %select_n3A_181 = arith.select %eq3A_173, %broadcast_in_dim3A_179, %broadcast_in_dim3A_180 : vector<1000x1xi1>, vector<1000x1xf32>
    %add3A_182 = arith.addf %add3A_170, %select_n3A_181 : vector<1000x1xf32>
    %mul3A_183 = vector.broadcast %add3A_144 : vector<1000x1xf32> to vector<1000x128xf32>
    %mul3A_184 = arith.mulf %mul3A_183, %dot_general3A_99 : vector<1000x128xf32>
    %mul3A_185 = vector.broadcast %add3A_182 : vector<1000x1xf32> to vector<1000x128xf32>
    %mul3A_186 = arith.mulf %mul3A_185, %dot_general3A_106 : vector<1000x128xf32>
    %add3A_187 = arith.addf %mul3A_184, %mul3A_186 : vector<1000x128xf32>
    %get3A_188 = arith.constant 0 : index
    %get3A_189 = arith.constant 0 : index
    %get3A_190 = arith.constant 0 : index
    %get3A_191 = vector.load %arg5[%get3A_188, %get3A_189, %get3A_190] : memref<2x128x128xf32, #tpu.memory_space<vmem>>, vector<1x128x128xf32>
    %get3A_192 = vector.shape_cast %get3A_191 : vector<1x128x128xf32> to vector<128x128xf32>
    %dot_general3A_193 = arith.constant dense<0.000000e+00> : vector<1000x128xf32>
    %dot_general3A_194 = tpu.matmul %get3A_1, %get3A_192, %dot_general3A_193 {dimension_numbers = #tpu.dot_dimension_numbers<[1], [0], [0], [1], [0, 0, 1, 1], [], []>, transpose_lhs_hint = false} : vector<1000x128xf32>, vector<128x128xf32>, vector<1000x128xf32> -> vector<1000x128xf32>
    %get3A_195 = arith.constant 1 : index
    %get3A_196 = arith.constant 0 : index
    %get3A_197 = arith.constant 0 : index
    %get3A_198 = vector.load %arg5[%get3A_195, %get3A_196, %get3A_197] : memref<2x128x128xf32, #tpu.memory_space<vmem>>, vector<1x128x128xf32>
    %get3A_199 = vector.shape_cast %get3A_198 : vector<1x128x128xf32> to vector<128x128xf32>
    %dot_general3A_200 = arith.constant dense<0.000000e+00> : vector<1000x128xf32>
    %dot_general3A_201 = tpu.matmul %get3A_1, %get3A_199, %dot_general3A_200 {dimension_numbers = #tpu.dot_dimension_numbers<[1], [0], [0], [1], [0, 0, 1, 1], [], []>, transpose_lhs_hint = false} : vector<1000x128xf32>, vector<128x128xf32>, vector<1000x128xf32> -> vector<1000x128xf32>
    %eq3A_202 = arith.constant 0 : i32
    %eq3A_203 = vector.broadcast %eq3A_202 : i32 to vector<1000x1xi32>
    %eq3A_204 = arith.cmpi eq, %get3A_4, %eq3A_203 : vector<1000x1xi32>
    %get3A_205 = arith.constant 0 : index
    %get3A_206 = arith.constant 0 : index
    %get3A_207 = vector.load %arg6[%get3A_205, %get3A_206] : memref<3x2xf32, #tpu.memory_space<vmem>>, vector<1x1xf32>
    %get3A_208 = vector.extract %get3A_207[0, 0] : f32 from vector<1x1xf32>
    %jit3A_209 = arith.constant 0.000000e+00 : f32
    %broadcast_in_dim3A_210 = vector.broadcast %get3A_208 : f32 to vector<1000x1xf32>
    %broadcast_in_dim3A_211 = vector.broadcast %jit3A_209 : f32 to vector<1000x1xf32>
    %select_n3A_212 = arith.select %eq3A_204, %broadcast_in_dim3A_210, %broadcast_in_dim3A_211 : vector<1000x1xi1>, vector<1000x1xf32>
    %add3A_213 = arith.constant 0.000000e+00 : f32
    %add3A_214 = vector.broadcast %add3A_213 : f32 to vector<1000x1xf32>
    %add3A_215 = arith.addf %add3A_214, %select_n3A_212 : vector<1000x1xf32>
    %eq3A_216 = arith.constant 1 : i32
    %eq3A_217 = vector.broadcast %eq3A_216 : i32 to vector<1000x1xi32>
    %eq3A_218 = arith.cmpi eq, %get3A_4, %eq3A_217 : vector<1000x1xi32>
    %get3A_219 = arith.constant 1 : index
    %get3A_220 = arith.constant 0 : index
    %get3A_221 = vector.load %arg6[%get3A_219, %get3A_220] : memref<3x2xf32, #tpu.memory_space<vmem>>, vector<1x1xf32>
    %get3A_222 = vector.extract %get3A_221[0, 0] : f32 from vector<1x1xf32>
    %jit3A_223 = arith.constant 0.000000e+00 : f32
    %broadcast_in_dim3A_224 = vector.broadcast %get3A_222 : f32 to vector<1000x1xf32>
    %broadcast_in_dim3A_225 = vector.broadcast %jit3A_223 : f32 to vector<1000x1xf32>
    %select_n3A_226 = arith.select %eq3A_218, %broadcast_in_dim3A_224, %broadcast_in_dim3A_225 : vector<1000x1xi1>, vector<1000x1xf32>
    %add3A_227 = arith.addf %add3A_215, %select_n3A_226 : vector<1000x1xf32>
    %eq3A_228 = arith.constant 2 : i32
    %eq3A_229 = vector.broadcast %eq3A_228 : i32 to vector<1000x1xi32>
    %eq3A_230 = arith.cmpi eq, %get3A_4, %eq3A_229 : vector<1000x1xi32>
    %get3A_231 = arith.constant 2 : index
    %get3A_232 = arith.constant 0 : index
    %get3A_233 = vector.load %arg6[%get3A_231, %get3A_232] : memref<3x2xf32, #tpu.memory_space<vmem>>, vector<1x1xf32>
    %get3A_234 = vector.extract %get3A_233[0, 0] : f32 from vector<1x1xf32>
    %jit3A_235 = arith.constant 0.000000e+00 : f32
    %broadcast_in_dim3A_236 = vector.broadcast %get3A_234 : f32 to vector<1000x1xf32>
    %broadcast_in_dim3A_237 = vector.broadcast %jit3A_235 : f32 to vector<1000x1xf32>
    %select_n3A_238 = arith.select %eq3A_230, %broadcast_in_dim3A_236, %broadcast_in_dim3A_237 : vector<1000x1xi1>, vector<1000x1xf32>
    %add3A_239 = arith.addf %add3A_227, %select_n3A_238 : vector<1000x1xf32>
    %eq3A_240 = arith.constant 0 : i32
    %eq3A_241 = vector.broadcast %eq3A_240 : i32 to vector<1000x1xi32>
    %eq3A_242 = arith.cmpi eq, %get3A_4, %eq3A_241 : vector<1000x1xi32>
    %get3A_243 = arith.constant 0 : index
    %get3A_244 = arith.constant 1 : index
    %get3A_245 = vector.load %arg6[%get3A_243, %get3A_244] : memref<3x2xf32, #tpu.memory_space<vmem>>, vector<1x1xf32>
    %get3A_246 = vector.extract %get3A_245[0, 0] : f32 from vector<1x1xf32>
    %jit3A_247 = arith.constant 0.000000e+00 : f32
    %broadcast_in_dim3A_248 = vector.broadcast %get3A_246 : f32 to vector<1000x1xf32>
    %broadcast_in_dim3A_249 = vector.broadcast %jit3A_247 : f32 to vector<1000x1xf32>
    %select_n3A_250 = arith.select %eq3A_242, %broadcast_in_dim3A_248, %broadcast_in_dim3A_249 : vector<1000x1xi1>, vector<1000x1xf32>
    %add3A_251 = arith.constant 0.000000e+00 : f32
    %add3A_252 = vector.broadcast %add3A_251 : f32 to vector<1000x1xf32>
    %add3A_253 = arith.addf %add3A_252, %select_n3A_250 : vector<1000x1xf32>
    %eq3A_254 = arith.constant 1 : i32
    %eq3A_255 = vector.broadcast %eq3A_254 : i32 to vector<1000x1xi32>
    %eq3A_256 = arith.cmpi eq, %get3A_4, %eq3A_255 : vector<1000x1xi32>
    %get3A_257 = arith.constant 1 : index
    %get3A_258 = arith.constant 1 : index
    %get3A_259 = vector.load %arg6[%get3A_257, %get3A_258] : memref<3x2xf32, #tpu.memory_space<vmem>>, vector<1x1xf32>
    %get3A_260 = vector.extract %get3A_259[0, 0] : f32 from vector<1x1xf32>
    %jit3A_261 = arith.constant 0.000000e+00 : f32
    %broadcast_in_dim3A_262 = vector.broadcast %get3A_260 : f32 to vector<1000x1xf32>
    %broadcast_in_dim3A_263 = vector.broadcast %jit3A_261 : f32 to vector<1000x1xf32>
    %select_n3A_264 = arith.select %eq3A_256, %broadcast_in_dim3A_262, %broadcast_in_dim3A_263 : vector<1000x1xi1>, vector<1000x1xf32>
    %add3A_265 = arith.addf %add3A_253, %select_n3A_264 : vector<1000x1xf32>
    %eq3A_266 = arith.constant 2 : i32
    %eq3A_267 = vector.broadcast %eq3A_266 : i32 to vector<1000x1xi32>
    %eq3A_268 = arith.cmpi eq, %get3A_4, %eq3A_267 : vector<1000x1xi32>
    %get3A_269 = arith.constant 2 : index
    %get3A_270 = arith.constant 1 : index
    %get3A_271 = vector.load %arg6[%get3A_269, %get3A_270] : memref<3x2xf32, #tpu.memory_space<vmem>>, vector<1x1xf32>
    %get3A_272 = vector.extract %get3A_271[0, 0] : f32 from vector<1x1xf32>
    %jit3A_273 = arith.constant 0.000000e+00 : f32
    %broadcast_in_dim3A_274 = vector.broadcast %get3A_272 : f32 to vector<1000x1xf32>
    %broadcast_in_dim3A_275 = vector.broadcast %jit3A_273 : f32 to vector<1000x1xf32>
    %select_n3A_276 = arith.select %eq3A_268, %broadcast_in_dim3A_274, %broadcast_in_dim3A_275 : vector<1000x1xi1>, vector<1000x1xf32>
    %add3A_277 = arith.addf %add3A_265, %select_n3A_276 : vector<1000x1xf32>
    %mul3A_278 = vector.broadcast %add3A_239 : vector<1000x1xf32> to vector<1000x128xf32>
    %mul3A_279 = arith.mulf %mul3A_278, %dot_general3A_194 : vector<1000x128xf32>
    %mul3A_280 = vector.broadcast %add3A_277 : vector<1000x1xf32> to vector<1000x128xf32>
    %mul3A_281 = arith.mulf %mul3A_280, %dot_general3A_201 : vector<1000x128xf32>
    %add3A_282 = arith.addf %mul3A_279, %mul3A_281 : vector<1000x128xf32>
    %swap3A = arith.constant 0 : index
    %swap3A_283 = arith.constant 0 : index
    %swap3A_284 = vector.load %arg13[%swap3A, %swap3A_283] : memref<1000x128xf32, #tpu.memory_space<vmem>>, vector<1000x128xf32>
    tpu.vector_store %arg13[%swap3A, %swap3A_283], %add3A_282 {strides = array<i32>} : memref<1000x128xf32, #tpu.memory_space<vmem>>, vector<1000x128xf32>,
    %get3A_285 = arith.constant 0 : index
    %get3A_286 = arith.constant 0 : index
    %get3A_287 = vector.load %arg11[%get3A_285, %get3A_286] : memref<5x4xf32, #tpu.memory_space<vmem>>, vector<1x1xf32>
    %get3A_288 = vector.extract %get3A_287[0, 0] : f32 from vector<1x1xf32>
    %mul3A_289 = arith.constant 0.176776692 : f32
    %mul3A_290 = arith.mulf %get3A_288, %mul3A_289 : f32
    %slice3A = vector.extract_strided_slice %add3A_92 {offsets = [0, 0], sizes = [1000, 32], strides = [1, 1]} : vector<1000x128xf32> to vector<1000x32xf32>
    %get3A_291 = arith.constant 0 : index
    %get3A_292 = arith.constant 0 : index
    %get3A_293 = arith.constant 0 : index
    %get3A_294 = arith.constant 0 : index
    %get3A_295 = vector.load %arg9[%get3A_291, %get3A_292, %get3A_293, %get3A_294] : memref<5x4x32x32xf32, #tpu.memory_space<vmem>>, vector<1x1x32x32xf32>
    %get3A_296 = vector.shape_cast %get3A_295 : vector<1x1x32x32xf32> to vector<32x32xf32>
    %dot_general3A_297 = arith.constant dense<0.000000e+00> : vector<1000x32xf32>
    %dot_general3A_298 = tpu.matmul %slice3A, %get3A_296, %dot_general3A_297 {dimension_numbers = #tpu.dot_dimension_numbers<[1], [0], [0], [1], [0, 0, 1, 1], [], []>, transpose_lhs_hint = false} : vector<1000x32xf32>, vector<32x32xf32>, vector<1000x32xf32> -> vector<1000x32xf32>
    %mul3A_299 = vector.broadcast %mul3A_290 : f32 to vector<1000x32xf32>
    %mul3A_300 = arith.mulf %dot_general3A_298, %mul3A_299 : vector<1000x32xf32>
    %slice3A_301 = vector.extract_strided_slice %add3A_187 {offsets = [0, 0], sizes = [1000, 32], strides = [1, 1]} : vector<1000x128xf32> to vector<1000x32xf32>
    %get3A_302 = arith.constant 0 : index
    %get3A_303 = arith.constant 0 : index
    %get3A_304 = arith.constant 0 : index
    %get3A_305 = arith.constant 0 : index
    %get3A_306 = vector.load %arg10[%get3A_302, %get3A_303, %get3A_304, %get3A_305] : memref<5x4x32x32xf32, #tpu.memory_space<vmem>>, vector<1x1x32x32xf32>
    %get3A_307 = vector.shape_cast %get3A_306 : vector<1x1x32x32xf32> to vector<32x32xf32>
    %dot_general3A_308 = arith.constant dense<0.000000e+00> : vector<1000x32xf32>
    %dot_general3A_309 = tpu.matmul %slice3A_301, %get3A_307, %dot_general3A_308 {dimension_numbers = #tpu.dot_dimension_numbers<[1], [0], [0], [1], [0, 0, 1, 1], [], []>, transpose_lhs_hint = false} : vector<1000x32xf32>, vector<32x32xf32>, vector<1000x32xf32> -> vector<1000x32xf32>
    %get3A_310 = arith.constant 0 : index
    %get3A_311 = arith.constant 1 : index
    %get3A_312 = vector.load %arg11[%get3A_310, %get3A_311] : memref<5x4xf32, #tpu.memory_space<vmem>>, vector<1x1xf32>
    %get3A_313 = vector.extract %get3A_312[0, 0] : f32 from vector<1x1xf32>
    %mul3A_314 = arith.constant 0.176776692 : f32
    %mul3A_315 = arith.mulf %get3A_313, %mul3A_314 : f32
    %slice3A_316 = vector.extract_strided_slice %add3A_92 {offsets = [0, 32], sizes = [1000, 32], strides = [1, 1]} : vector<1000x128xf32> to vector<1000x32xf32>
    %get3A_317 = arith.constant 0 : index
    %get3A_318 = arith.constant 1 : index
    %get3A_319 = arith.constant 0 : index
    %get3A_320 = arith.constant 0 : index
    %get3A_321 = vector.load %arg9[%get3A_317, %get3A_318, %get3A_319, %get3A_320] : memref<5x4x32x32xf32, #tpu.memory_space<vmem>>, vector<1x1x32x32xf32>
    %get3A_322 = vector.shape_cast %get3A_321 : vector<1x1x32x32xf32> to vector<32x32xf32>
    %dot_general3A_323 = arith.constant dense<0.000000e+00> : vector<1000x32xf32>
    %dot_general3A_324 = tpu.matmul %slice3A_316, %get3A_322, %dot_general3A_323 {dimension_numbers = #tpu.dot_dimension_numbers<[1], [0], [0], [1], [0, 0, 1, 1], [], []>, transpose_lhs_hint = false} : vector<1000x32xf32>, vector<32x32xf32>, vector<1000x32xf32> -> vector<1000x32xf32>
    %mul3A_325 = vector.broadcast %mul3A_315 : f32 to vector<1000x32xf32>
    %mul3A_326 = arith.mulf %dot_general3A_324, %mul3A_325 : vector<1000x32xf32>
    %slice3A_327 = vector.extract_strided_slice %add3A_187 {offsets = [0, 32], sizes = [1000, 32], strides = [1, 1]} : vector<1000x128xf32> to vector<1000x32xf32>
    %get3A_328 = arith.constant 0 : index
    %get3A_329 = arith.constant 1 : index
    %get3A_330 = arith.constant 0 : index
    %get3A_331 = arith.constant 0 : index
    %get3A_332 = vector.load %arg10[%get3A_328, %get3A_329, %get3A_330, %get3A_331] : memref<5x4x32x32xf32, #tpu.memory_space<vmem>>, vector<1x1x32x32xf32>
    %get3A_333 = vector.shape_cast %get3A_332 : vector<1x1x32x32xf32> to vector<32x32xf32>
    %dot_general3A_334 = arith.constant dense<0.000000e+00> : vector<1000x32xf32>
    %dot_general3A_335 = tpu.matmul %slice3A_327, %get3A_333, %dot_general3A_334 {dimension_numbers = #tpu.dot_dimension_numbers<[1], [0], [0], [1], [0, 0, 1, 1], [], []>, transpose_lhs_hint = false} : vector<1000x32xf32>, vector<32x32xf32>, vector<1000x32xf32> -> vector<1000x32xf32>
    %get3A_336 = arith.constant 0 : index
    %get3A_337 = arith.constant 2 : index
    %get3A_338 = vector.load %arg11[%get3A_336, %get3A_337] : memref<5x4xf32, #tpu.memory_space<vmem>>, vector<1x1xf32>
    %get3A_339 = vector.extract %get3A_338[0, 0] : f32 from vector<1x1xf32>
    %mul3A_340 = arith.constant 0.176776692 : f32
    %mul3A_341 = arith.mulf %get3A_339, %mul3A_340 : f32
    %slice3A_342 = vector.extract_strided_slice %add3A_92 {offsets = [0, 64], sizes = [1000, 32], strides = [1, 1]} : vector<1000x128xf32> to vector<1000x32xf32>
    %get3A_343 = arith.constant 0 : index
    %get3A_344 = arith.constant 2 : index
    %get3A_345 = arith.constant 0 : index
    %get3A_346 = arith.constant 0 : index
    %get3A_347 = vector.load %arg9[%get3A_343, %get3A_344, %get3A_345, %get3A_346] : memref<5x4x32x32xf32, #tpu.memory_space<vmem>>, vector<1x1x32x32xf32>
    %get3A_348 = vector.shape_cast %get3A_347 : vector<1x1x32x32xf32> to vector<32x32xf32>
    %dot_general3A_349 = arith.constant dense<0.000000e+00> : vector<1000x32xf32>
    %dot_general3A_350 = tpu.matmul %slice3A_342, %get3A_348, %dot_general3A_349 {dimension_numbers = #tpu.dot_dimension_numbers<[1], [0], [0], [1], [0, 0, 1, 1], [], []>, transpose_lhs_hint = false} : vector<1000x32xf32>, vector<32x32xf32>, vector<1000x32xf32> -> vector<1000x32xf32>
    %mul3A_351 = vector.broadcast %mul3A_341 : f32 to vector<1000x32xf32>
    %mul3A_352 = arith.mulf %dot_general3A_350, %mul3A_351 : vector<1000x32xf32>
    %slice3A_353 = vector.extract_strided_slice %add3A_187 {offsets = [0, 64], sizes = [1000, 32], strides = [1, 1]} : vector<1000x128xf32> to vector<1000x32xf32>
    %get3A_354 = arith.constant 0 : index
    %get3A_355 = arith.constant 2 : index
    %get3A_356 = arith.constant 0 : index
    %get3A_357 = arith.constant 0 : index
    %get3A_358 = vector.load %arg10[%get3A_354, %get3A_355, %get3A_356, %get3A_357] : memref<5x4x32x32xf32, #tpu.memory_space<vmem>>, vector<1x1x32x32xf32>
    %get3A_359 = vector.shape_cast %get3A_358 : vector<1x1x32x32xf32> to vector<32x32xf32>
    %dot_general3A_360 = arith.constant dense<0.000000e+00> : vector<1000x32xf32>
    %dot_general3A_361 = tpu.matmul %slice3A_353, %get3A_359, %dot_general3A_360 {dimension_numbers = #tpu.dot_dimension_numbers<[1], [0], [0], [1], [0, 0, 1, 1], [], []>, transpose_lhs_hint = false} : vector<1000x32xf32>, vector<32x32xf32>, vector<1000x32xf32> -> vector<1000x32xf32>
    %get3A_362 = arith.constant 0 : index
    %get3A_363 = arith.constant 3 : index
    %get3A_364 = vector.load %arg11[%get3A_362, %get3A_363] : memref<5x4xf32, #tpu.memory_space<vmem>>, vector<1x1xf32>
    %get3A_365 = vector.extract %get3A_364[0, 0] : f32 from vector<1x1xf32>
    %mul3A_366 = arith.constant 0.176776692 : f32
    %mul3A_367 = arith.mulf %get3A_365, %mul3A_366 : f32
    %slice3A_368 = vector.extract_strided_slice %add3A_92 {offsets = [0, 96], sizes = [1000, 32], strides = [1, 1]} : vector<1000x128xf32> to vector<1000x32xf32>
    %get3A_369 = arith.constant 0 : index
    %get3A_370 = arith.constant 3 : index
    %get3A_371 = arith.constant 0 : index
    %get3A_372 = arith.constant 0 : index
    %get3A_373 = vector.load %arg9[%get3A_369, %get3A_370, %get3A_371, %get3A_372] : memref<5x4x32x32xf32, #tpu.memory_space<vmem>>, vector<1x1x32x32xf32>
    %get3A_374 = vector.shape_cast %get3A_373 : vector<1x1x32x32xf32> to vector<32x32xf32>
    %dot_general3A_375 = arith.constant dense<0.000000e+00> : vector<1000x32xf32>
    %dot_general3A_376 = tpu.matmul %slice3A_368, %get3A_374, %dot_general3A_375 {dimension_numbers = #tpu.dot_dimension_numbers<[1], [0], [0], [1], [0, 0, 1, 1], [], []>, transpose_lhs_hint = false} : vector<1000x32xf32>, vector<32x32xf32>, vector<1000x32xf32> -> vector<1000x32xf32>
    %mul3A_377 = vector.broadcast %mul3A_367 : f32 to vector<1000x32xf32>
    %mul3A_378 = arith.mulf %dot_general3A_376, %mul3A_377 : vector<1000x32xf32>
    %slice3A_379 = vector.extract_strided_slice %add3A_187 {offsets = [0, 96], sizes = [1000, 32], strides = [1, 1]} : vector<1000x128xf32> to vector<1000x32xf32>
    %get3A_380 = arith.constant 0 : index
    %get3A_381 = arith.constant 3 : index
    %get3A_382 = arith.constant 0 : index
    %get3A_383 = arith.constant 0 : index
    %get3A_384 = vector.load %arg10[%get3A_380, %get3A_381, %get3A_382, %get3A_383] : memref<5x4x32x32xf32, #tpu.memory_space<vmem>>, vector<1x1x32x32xf32>
    %get3A_385 = vector.shape_cast %get3A_384 : vector<1x1x32x32xf32> to vector<32x32xf32>
    %dot_general3A_386 = arith.constant dense<0.000000e+00> : vector<1000x32xf32>
    %dot_general3A_387 = tpu.matmul %slice3A_379, %get3A_385, %dot_general3A_386 {dimension_numbers = #tpu.dot_dimension_numbers<[1], [0], [0], [1], [0, 0, 1, 1], [], []>, transpose_lhs_hint = false} : vector<1000x32xf32>, vector<32x32xf32>, vector<1000x32xf32> -> vector<1000x32xf32>
    %concatenate3A = tpu.concatenate %mul3A_300, %mul3A_326, %mul3A_352, %mul3A_378 in 1 : vector<1000x32xf32>, vector<1000x32xf32>, vector<1000x32xf32>, vector<1000x32xf32> -> vector<1000x128xf32>
    %bitcast_convert_type3A = tpu.bitcast %concatenate3A : vector<1000x128xf32> -> vector<1000x128xi32>
    %concatenate3A_388 = tpu.concatenate %dot_general3A_309, %dot_general3A_335, %dot_general3A_361, %dot_general3A_387 in 1 : vector<1000x32xf32>, vector<1000x32xf32>, vector<1000x32xf32>, vector<1000x32xf32> -> vector<1000x128xf32>
    %bitcast_convert_type3A_389 = tpu.bitcast %concatenate3A_388 : vector<1000x128xf32> -> vector<1000x128xi32>
    %add3A_390 = arith.constant 32768 : i32
    %add3A_391 = vector.broadcast %add3A_390 : i32 to vector<1000x128xi32>
    %add3A_392 = arith.addi %bitcast_convert_type3A, %add3A_391 : vector<1000x128xi32>
    %and3A = arith.constant -65536 : i32
    %and3A_393 = vector.broadcast %and3A : i32 to vector<1000x128xi32>
    %and3A_394 = arith.andi %add3A_392, %and3A_393 : vector<1000x128xi32>
    %add3A_395 = arith.constant 32768 : i32
    %add3A_396 = vector.broadcast %add3A_395 : i32 to vector<1000x128xi32>
    %add3A_397 = arith.addi %bitcast_convert_type3A_389, %add3A_396 : vector<1000x128xi32>
    %shift_right_logical3A = arith.constant 16 : i32
    %shift_right_logical3A_398 = vector.broadcast %shift_right_logical3A : i32 to vector<1000x128xi32>
    %shift_right_logical3A_399 = arith.shrui %add3A_397, %shift_right_logical3A_398 : vector<1000x128xi32>
    %or3A = arith.ori %and3A_394, %shift_right_logical3A_399 : vector<1000x128xi32>
    %bitcast_convert_type3A_400 = tpu.bitcast %or3A : vector<1000x128xi32> -> vector<1000x128xf32>
    %swap3A_401 = arith.constant 0 : index
    %swap3A_402 = arith.constant 0 : index
    %swap3A_403 = arith.constant 0 : index
    %swap3A_404 = vector.load %arg12[%swap3A_401, %swap3A_402, %swap3A_403] : memref<5x1000x128xf32, #tpu.memory_space<vmem>>, vector<1x1000x128xf32>
    %swap3A_405 = vector.shape_cast %swap3A_404 : vector<1x1000x128xf32> to vector<1000x128xf32>
    %swap3A_406 = vector.shape_cast %bitcast_convert_type3A_400 : vector<1000x128xf32> to vector<1x1000x128xf32>
    tpu.vector_store %arg12[%swap3A_401, %swap3A_402, %swap3A_403], %swap3A_406 {strides = array<i32>} : memref<5x1000x128xf32, #tpu.memory_space<vmem>>, vector<1x1000x128xf32>,
    %get3A_407 = arith.constant 1 : index
    %get3A_408 = arith.constant 0 : index
    %get3A_409 = vector.load %arg11[%get3A_407, %get3A_408] : memref<5x4xf32, #tpu.memory_space<vmem>>, vector<1x1xf32>
    %get3A_410 = vector.extract %get3A_409[0, 0] : f32 from vector<1x1xf32>
    %mul3A_411 = arith.constant 0.176776692 : f32
    %mul3A_412 = arith.mulf %get3A_410, %mul3A_411 : f32
    %slice3A_413 = vector.extract_strided_slice %add3A_92 {offsets = [0, 0], sizes = [1000, 32], strides = [1, 1]} : vector<1000x128xf32> to vector<1000x32xf32>
    %get3A_414 = arith.constant 1 : index
    %get3A_415 = arith.constant 0 : index
    %get3A_416 = arith.constant 0 : index
    %get3A_417 = arith.constant 0 : index
    %get3A_418 = vector.load %arg9[%get3A_414, %get3A_415, %get3A_416, %get3A_417] : memref<5x4x32x32xf32, #tpu.memory_space<vmem>>, vector<1x1x32x32xf32>
    %get3A_419 = vector.shape_cast %get3A_418 : vector<1x1x32x32xf32> to vector<32x32xf32>
    %dot_general3A_420 = arith.constant dense<0.000000e+00> : vector<1000x32xf32>
    %dot_general3A_421 = tpu.matmul %slice3A_413, %get3A_419, %dot_general3A_420 {dimension_numbers = #tpu.dot_dimension_numbers<[1], [0], [0], [1], [0, 0, 1, 1], [], []>, transpose_lhs_hint = false} : vector<1000x32xf32>, vector<32x32xf32>, vector<1000x32xf32> -> vector<1000x32xf32>
    %mul3A_422 = vector.broadcast %mul3A_412 : f32 to vector<1000x32xf32>
    %mul3A_423 = arith.mulf %dot_general3A_421, %mul3A_422 : vector<1000x32xf32>
    %slice3A_424 = vector.extract_strided_slice %add3A_187 {offsets = [0, 0], sizes = [1000, 32], strides = [1, 1]} : vector<1000x128xf32> to vector<1000x32xf32>
    %get3A_425 = arith.constant 1 : index
    %get3A_426 = arith.constant 0 : index
    %get3A_427 = arith.constant 0 : index
    %get3A_428 = arith.constant 0 : index
    %get3A_429 = vector.load %arg10[%get3A_425, %get3A_426, %get3A_427, %get3A_428] : memref<5x4x32x32xf32, #tpu.memory_space<vmem>>, vector<1x1x32x32xf32>
    %get3A_430 = vector.shape_cast %get3A_429 : vector<1x1x32x32xf32> to vector<32x32xf32>
    %dot_general3A_431 = arith.constant dense<0.000000e+00> : vector<1000x32xf32>
    %dot_general3A_432 = tpu.matmul %slice3A_424, %get3A_430, %dot_general3A_431 {dimension_numbers = #tpu.dot_dimension_numbers<[1], [0], [0], [1], [0, 0, 1, 1], [], []>, transpose_lhs_hint = false} : vector<1000x32xf32>, vector<32x32xf32>, vector<1000x32xf32> -> vector<1000x32xf32>
    %get3A_433 = arith.constant 1 : index
    %get3A_434 = arith.constant 1 : index
    %get3A_435 = vector.load %arg11[%get3A_433, %get3A_434] : memref<5x4xf32, #tpu.memory_space<vmem>>, vector<1x1xf32>
    %get3A_436 = vector.extract %get3A_435[0, 0] : f32 from vector<1x1xf32>
    %mul3A_437 = arith.constant 0.176776692 : f32
    %mul3A_438 = arith.mulf %get3A_436, %mul3A_437 : f32
    %slice3A_439 = vector.extract_strided_slice %add3A_92 {offsets = [0, 32], sizes = [1000, 32], strides = [1, 1]} : vector<1000x128xf32> to vector<1000x32xf32>
    %get3A_440 = arith.constant 1 : index
    %get3A_441 = arith.constant 1 : index
    %get3A_442 = arith.constant 0 : index
    %get3A_443 = arith.constant 0 : index
    %get3A_444 = vector.load %arg9[%get3A_440, %get3A_441, %get3A_442, %get3A_443] : memref<5x4x32x32xf32, #tpu.memory_space<vmem>>, vector<1x1x32x32xf32>
    %get3A_445 = vector.shape_cast %get3A_444 : vector<1x1x32x32xf32> to vector<32x32xf32>
    %dot_general3A_446 = arith.constant dense<0.000000e+00> : vector<1000x32xf32>
    %dot_general3A_447 = tpu.matmul %slice3A_439, %get3A_445, %dot_general3A_446 {dimension_numbers = #tpu.dot_dimension_numbers<[1], [0], [0], [1], [0, 0, 1, 1], [], []>, transpose_lhs_hint = false} : vector<1000x32xf32>, vector<32x32xf32>, vector<1000x32xf32> -> vector<1000x32xf32>
    %mul3A_448 = vector.broadcast %mul3A_438 : f32 to vector<1000x32xf32>
    %mul3A_449 = arith.mulf %dot_general3A_447, %mul3A_448 : vector<1000x32xf32>
    %slice3A_450 = vector.extract_strided_slice %add3A_187 {offsets = [0, 32], sizes = [1000, 32], strides = [1, 1]} : vector<1000x128xf32> to vector<1000x32xf32>
    %get3A_451 = arith.constant 1 : index
    %get3A_452 = arith.constant 1 : index
    %get3A_453 = arith.constant 0 : index
    %get3A_454 = arith.constant 0 : index
    %get3A_455 = vector.load %arg10[%get3A_451, %get3A_452, %get3A_453, %get3A_454] : memref<5x4x32x32xf32, #tpu.memory_space<vmem>>, vector<1x1x32x32xf32>
    %get3A_456 = vector.shape_cast %get3A_455 : vector<1x1x32x32xf32> to vector<32x32xf32>
    %dot_general3A_457 = arith.constant dense<0.000000e+00> : vector<1000x32xf32>
    %dot_general3A_458 = tpu.matmul %slice3A_450, %get3A_456, %dot_general3A_457 {dimension_numbers = #tpu.dot_dimension_numbers<[1], [0], [0], [1], [0, 0, 1, 1], [], []>, transpose_lhs_hint = false} : vector<1000x32xf32>, vector<32x32xf32>, vector<1000x32xf32> -> vector<1000x32xf32>
    %get3A_459 = arith.constant 1 : index
    %get3A_460 = arith.constant 2 : index
    %get3A_461 = vector.load %arg11[%get3A_459, %get3A_460] : memref<5x4xf32, #tpu.memory_space<vmem>>, vector<1x1xf32>
    %get3A_462 = vector.extract %get3A_461[0, 0] : f32 from vector<1x1xf32>
    %mul3A_463 = arith.constant 0.176776692 : f32
    %mul3A_464 = arith.mulf %get3A_462, %mul3A_463 : f32
    %slice3A_465 = vector.extract_strided_slice %add3A_92 {offsets = [0, 64], sizes = [1000, 32], strides = [1, 1]} : vector<1000x128xf32> to vector<1000x32xf32>
    %get3A_466 = arith.constant 1 : index
    %get3A_467 = arith.constant 2 : index
    %get3A_468 = arith.constant 0 : index
    %get3A_469 = arith.constant 0 : index
    %get3A_470 = vector.load %arg9[%get3A_466, %get3A_467, %get3A_468, %get3A_469] : memref<5x4x32x32xf32, #tpu.memory_space<vmem>>, vector<1x1x32x32xf32>
    %get3A_471 = vector.shape_cast %get3A_470 : vector<1x1x32x32xf32> to vector<32x32xf32>
    %dot_general3A_472 = arith.constant dense<0.000000e+00> : vector<1000x32xf32>
    %dot_general3A_473 = tpu.matmul %slice3A_465, %get3A_471, %dot_general3A_472 {dimension_numbers = #tpu.dot_dimension_numbers<[1], [0], [0], [1], [0, 0, 1, 1], [], []>, transpose_lhs_hint = false} : vector<1000x32xf32>, vector<32x32xf32>, vector<1000x32xf32> -> vector<1000x32xf32>
    %mul3A_474 = vector.broadcast %mul3A_464 : f32 to vector<1000x32xf32>
    %mul3A_475 = arith.mulf %dot_general3A_473, %mul3A_474 : vector<1000x32xf32>
    %slice3A_476 = vector.extract_strided_slice %add3A_187 {offsets = [0, 64], sizes = [1000, 32], strides = [1, 1]} : vector<1000x128xf32> to vector<1000x32xf32>
    %get3A_477 = arith.constant 1 : index
    %get3A_478 = arith.constant 2 : index
    %get3A_479 = arith.constant 0 : index
    %get3A_480 = arith.constant 0 : index
    %get3A_481 = vector.load %arg10[%get3A_477, %get3A_478, %get3A_479, %get3A_480] : memref<5x4x32x32xf32, #tpu.memory_space<vmem>>, vector<1x1x32x32xf32>
    %get3A_482 = vector.shape_cast %get3A_481 : vector<1x1x32x32xf32> to vector<32x32xf32>
    %dot_general3A_483 = arith.constant dense<0.000000e+00> : vector<1000x32xf32>
    %dot_general3A_484 = tpu.matmul %slice3A_476, %get3A_482, %dot_general3A_483 {dimension_numbers = #tpu.dot_dimension_numbers<[1], [0], [0], [1], [0, 0, 1, 1], [], []>, transpose_lhs_hint = false} : vector<1000x32xf32>, vector<32x32xf32>, vector<1000x32xf32> -> vector<1000x32xf32>
    %get3A_485 = arith.constant 1 : index
    %get3A_486 = arith.constant 3 : index
    %get3A_487 = vector.load %arg11[%get3A_485, %get3A_486] : memref<5x4xf32, #tpu.memory_space<vmem>>, vector<1x1xf32>
    %get3A_488 = vector.extract %get3A_487[0, 0] : f32 from vector<1x1xf32>
    %mul3A_489 = arith.constant 0.176776692 : f32
    %mul3A_490 = arith.mulf %get3A_488, %mul3A_489 : f32
    %slice3A_491 = vector.extract_strided_slice %add3A_92 {offsets = [0, 96], sizes = [1000, 32], strides = [1, 1]} : vector<1000x128xf32> to vector<1000x32xf32>
    %get3A_492 = arith.constant 1 : index
    %get3A_493 = arith.constant 3 : index
    %get3A_494 = arith.constant 0 : index
    %get3A_495 = arith.constant 0 : index
    %get3A_496 = vector.load %arg9[%get3A_492, %get3A_493, %get3A_494, %get3A_495] : memref<5x4x32x32xf32, #tpu.memory_space<vmem>>, vector<1x1x32x32xf32>
    %get3A_497 = vector.shape_cast %get3A_496 : vector<1x1x32x32xf32> to vector<32x32xf32>
    %dot_general3A_498 = arith.constant dense<0.000000e+00> : vector<1000x32xf32>
    %dot_general3A_499 = tpu.matmul %slice3A_491, %get3A_497, %dot_general3A_498 {dimension_numbers = #tpu.dot_dimension_numbers<[1], [0], [0], [1], [0, 0, 1, 1], [], []>, transpose_lhs_hint = false} : vector<1000x32xf32>, vector<32x32xf32>, vector<1000x32xf32> -> vector<1000x32xf32>
    %mul3A_500 = vector.broadcast %mul3A_490 : f32 to vector<1000x32xf32>
    %mul3A_501 = arith.mulf %dot_general3A_499, %mul3A_500 : vector<1000x32xf32>
    %slice3A_502 = vector.extract_strided_slice %add3A_187 {offsets = [0, 96], sizes = [1000, 32], strides = [1, 1]} : vector<1000x128xf32> to vector<1000x32xf32>
    %get3A_503 = arith.constant 1 : index
    %get3A_504 = arith.constant 3 : index
    %get3A_505 = arith.constant 0 : index
    %get3A_506 = arith.constant 0 : index
    %get3A_507 = vector.load %arg10[%get3A_503, %get3A_504, %get3A_505, %get3A_506] : memref<5x4x32x32xf32, #tpu.memory_space<vmem>>, vector<1x1x32x32xf32>
    %get3A_508 = vector.shape_cast %get3A_507 : vector<1x1x32x32xf32> to vector<32x32xf32>
    %dot_general3A_509 = arith.constant dense<0.000000e+00> : vector<1000x32xf32>
    %dot_general3A_510 = tpu.matmul %slice3A_502, %get3A_508, %dot_general3A_509 {dimension_numbers = #tpu.dot_dimension_numbers<[1], [0], [0], [1], [0, 0, 1, 1], [], []>, transpose_lhs_hint = false} : vector<1000x32xf32>, vector<32x32xf32>, vector<1000x32xf32> -> vector<1000x32xf32>
    %concatenate3A_511 = tpu.concatenate %mul3A_423, %mul3A_449, %mul3A_475, %mul3A_501 in 1 : vector<1000x32xf32>, vector<1000x32xf32>, vector<1000x32xf32>, vector<1000x32xf32> -> vector<1000x128xf32>
    %bitcast_convert_type3A_512 = tpu.bitcast %concatenate3A_511 : vector<1000x128xf32> -> vector<1000x128xi32>
    %concatenate3A_513 = tpu.concatenate %dot_general3A_432, %dot_general3A_458, %dot_general3A_484, %dot_general3A_510 in 1 : vector<1000x32xf32>, vector<1000x32xf32>, vector<1000x32xf32>, vector<1000x32xf32> -> vector<1000x128xf32>
    %bitcast_convert_type3A_514 = tpu.bitcast %concatenate3A_513 : vector<1000x128xf32> -> vector<1000x128xi32>
    %add3A_515 = arith.constant 32768 : i32
    %add3A_516 = vector.broadcast %add3A_515 : i32 to vector<1000x128xi32>
    %add3A_517 = arith.addi %bitcast_convert_type3A_512, %add3A_516 : vector<1000x128xi32>
    %and3A_518 = arith.constant -65536 : i32
    %and3A_519 = vector.broadcast %and3A_518 : i32 to vector<1000x128xi32>
    %and3A_520 = arith.andi %add3A_517, %and3A_519 : vector<1000x128xi32>
    %add3A_521 = arith.constant 32768 : i32
    %add3A_522 = vector.broadcast %add3A_521 : i32 to vector<1000x128xi32>
    %add3A_523 = arith.addi %bitcast_convert_type3A_514, %add3A_522 : vector<1000x128xi32>
    %shift_right_logical3A_524 = arith.constant 16 : i32
    %shift_right_logical3A_525 = vector.broadcast %shift_right_logical3A_524 : i32 to vector<1000x128xi32>
    %shift_right_logical3A_526 = arith.shrui %add3A_523, %shift_right_logical3A_525 : vector<1000x128xi32>
    %or3A_527 = arith.ori %and3A_520, %shift_right_logical3A_526 : vector<1000x128xi32>
    %bitcast_convert_type3A_528 = tpu.bitcast %or3A_527 : vector<1000x128xi32> -> vector<1000x128xf32>
    %swap3A_529 = arith.constant 1 : index
    %swap3A_530 = arith.constant 0 : index
    %swap3A_531 = arith.constant 0 : index
    %swap3A_532 = vector.load %arg12[%swap3A_529, %swap3A_530, %swap3A_531] : memref<5x1000x128xf32, #tpu.memory_space<vmem>>, vector<1x1000x128xf32>
    %swap3A_533 = vector.shape_cast %swap3A_532 : vector<1x1000x128xf32> to vector<1000x128xf32>
    %swap3A_534 = vector.shape_cast %bitcast_convert_type3A_528 : vector<1000x128xf32> to vector<1x1000x128xf32>
    tpu.vector_store %arg12[%swap3A_529, %swap3A_530, %swap3A_531], %swap3A_534 {strides = array<i32>} : memref<5x1000x128xf32, #tpu.memory_space<vmem>>, vector<1x1000x128xf32>,
    %get3A_535 = arith.constant 2 : index
    %get3A_536 = arith.constant 0 : index
    %get3A_537 = vector.load %arg11[%get3A_535, %get3A_536] : memref<5x4xf32, #tpu.memory_space<vmem>>, vector<1x1xf32>
    %get3A_538 = vector.extract %get3A_537[0, 0] : f32 from vector<1x1xf32>
    %mul3A_539 = arith.constant 0.176776692 : f32
    %mul3A_540 = arith.mulf %get3A_538, %mul3A_539 : f32
    %slice3A_541 = vector.extract_strided_slice %add3A_92 {offsets = [0, 0], sizes = [1000, 32], strides = [1, 1]} : vector<1000x128xf32> to vector<1000x32xf32>
    %get3A_542 = arith.constant 2 : index
    %get3A_543 = arith.constant 0 : index
    %get3A_544 = arith.constant 0 : index
    %get3A_545 = arith.constant 0 : index
    %get3A_546 = vector.load %arg9[%get3A_542, %get3A_543, %get3A_544, %get3A_545] : memref<5x4x32x32xf32, #tpu.memory_space<vmem>>, vector<1x1x32x32xf32>
    %get3A_547 = vector.shape_cast %get3A_546 : vector<1x1x32x32xf32> to vector<32x32xf32>
    %dot_general3A_548 = arith.constant dense<0.000000e+00> : vector<1000x32xf32>
    %dot_general3A_549 = tpu.matmul %slice3A_541, %get3A_547, %dot_general3A_548 {dimension_numbers = #tpu.dot_dimension_numbers<[1], [0], [0], [1], [0, 0, 1, 1], [], []>, transpose_lhs_hint = false} : vector<1000x32xf32>, vector<32x32xf32>, vector<1000x32xf32> -> vector<1000x32xf32>
    %mul3A_550 = vector.broadcast %mul3A_540 : f32 to vector<1000x32xf32>
    %mul3A_551 = arith.mulf %dot_general3A_549, %mul3A_550 : vector<1000x32xf32>
    %slice3A_552 = vector.extract_strided_slice %add3A_187 {offsets = [0, 0], sizes = [1000, 32], strides = [1, 1]} : vector<1000x128xf32> to vector<1000x32xf32>
    %get3A_553 = arith.constant 2 : index
    %get3A_554 = arith.constant 0 : index
    %get3A_555 = arith.constant 0 : index
    %get3A_556 = arith.constant 0 : index
    %get3A_557 = vector.load %arg10[%get3A_553, %get3A_554, %get3A_555, %get3A_556] : memref<5x4x32x32xf32, #tpu.memory_space<vmem>>, vector<1x1x32x32xf32>
    %get3A_558 = vector.shape_cast %get3A_557 : vector<1x1x32x32xf32> to vector<32x32xf32>
    %dot_general3A_559 = arith.constant dense<0.000000e+00> : vector<1000x32xf32>
    %dot_general3A_560 = tpu.matmul %slice3A_552, %get3A_558, %dot_general3A_559 {dimension_numbers = #tpu.dot_dimension_numbers<[1], [0], [0], [1], [0, 0, 1, 1], [], []>, transpose_lhs_hint = false} : vector<1000x32xf32>, vector<32x32xf32>, vector<1000x32xf32> -> vector<1000x32xf32>
    %get3A_561 = arith.constant 2 : index
    %get3A_562 = arith.constant 1 : index
    %get3A_563 = vector.load %arg11[%get3A_561, %get3A_562] : memref<5x4xf32, #tpu.memory_space<vmem>>, vector<1x1xf32>
    %get3A_564 = vector.extract %get3A_563[0, 0] : f32 from vector<1x1xf32>
    %mul3A_565 = arith.constant 0.176776692 : f32
    %mul3A_566 = arith.mulf %get3A_564, %mul3A_565 : f32
    %slice3A_567 = vector.extract_strided_slice %add3A_92 {offsets = [0, 32], sizes = [1000, 32], strides = [1, 1]} : vector<1000x128xf32> to vector<1000x32xf32>
    %get3A_568 = arith.constant 2 : index
    %get3A_569 = arith.constant 1 : index
    %get3A_570 = arith.constant 0 : index
    %get3A_571 = arith.constant 0 : index
    %get3A_572 = vector.load %arg9[%get3A_568, %get3A_569, %get3A_570, %get3A_571] : memref<5x4x32x32xf32, #tpu.memory_space<vmem>>, vector<1x1x32x32xf32>
    %get3A_573 = vector.shape_cast %get3A_572 : vector<1x1x32x32xf32> to vector<32x32xf32>
    %dot_general3A_574 = arith.constant dense<0.000000e+00> : vector<1000x32xf32>
    %dot_general3A_575 = tpu.matmul %slice3A_567, %get3A_573, %dot_general3A_574 {dimension_numbers = #tpu.dot_dimension_numbers<[1], [0], [0], [1], [0, 0, 1, 1], [], []>, transpose_lhs_hint = false} : vector<1000x32xf32>, vector<32x32xf32>, vector<1000x32xf32> -> vector<1000x32xf32>
    %mul3A_576 = vector.broadcast %mul3A_566 : f32 to vector<1000x32xf32>
    %mul3A_577 = arith.mulf %dot_general3A_575, %mul3A_576 : vector<1000x32xf32>
    %slice3A_578 = vector.extract_strided_slice %add3A_187 {offsets = [0, 32], sizes = [1000, 32], strides = [1, 1]} : vector<1000x128xf32> to vector<1000x32xf32>
    %get3A_579 = arith.constant 2 : index
    %get3A_580 = arith.constant 1 : index
    %get3A_581 = arith.constant 0 : index
    %get3A_582 = arith.constant 0 : index
    %get3A_583 = vector.load %arg10[%get3A_579, %get3A_580, %get3A_581, %get3A_582] : memref<5x4x32x32xf32, #tpu.memory_space<vmem>>, vector<1x1x32x32xf32>
    %get3A_584 = vector.shape_cast %get3A_583 : vector<1x1x32x32xf32> to vector<32x32xf32>
    %dot_general3A_585 = arith.constant dense<0.000000e+00> : vector<1000x32xf32>
    %dot_general3A_586 = tpu.matmul %slice3A_578, %get3A_584, %dot_general3A_585 {dimension_numbers = #tpu.dot_dimension_numbers<[1], [0], [0], [1], [0, 0, 1, 1], [], []>, transpose_lhs_hint = false} : vector<1000x32xf32>, vector<32x32xf32>, vector<1000x32xf32> -> vector<1000x32xf32>
    %get3A_587 = arith.constant 2 : index
    %get3A_588 = arith.constant 2 : index
    %get3A_589 = vector.load %arg11[%get3A_587, %get3A_588] : memref<5x4xf32, #tpu.memory_space<vmem>>, vector<1x1xf32>
    %get3A_590 = vector.extract %get3A_589[0, 0] : f32 from vector<1x1xf32>
    %mul3A_591 = arith.constant 0.176776692 : f32
    %mul3A_592 = arith.mulf %get3A_590, %mul3A_591 : f32
    %slice3A_593 = vector.extract_strided_slice %add3A_92 {offsets = [0, 64], sizes = [1000, 32], strides = [1, 1]} : vector<1000x128xf32> to vector<1000x32xf32>
    %get3A_594 = arith.constant 2 : index
    %get3A_595 = arith.constant 2 : index
    %get3A_596 = arith.constant 0 : index
    %get3A_597 = arith.constant 0 : index
    %get3A_598 = vector.load %arg9[%get3A_594, %get3A_595, %get3A_596, %get3A_597] : memref<5x4x32x32xf32, #tpu.memory_space<vmem>>, vector<1x1x32x32xf32>
    %get3A_599 = vector.shape_cast %get3A_598 : vector<1x1x32x32xf32> to vector<32x32xf32>
    %dot_general3A_600 = arith.constant dense<0.000000e+00> : vector<1000x32xf32>
    %dot_general3A_601 = tpu.matmul %slice3A_593, %get3A_599, %dot_general3A_600 {dimension_numbers = #tpu.dot_dimension_numbers<[1], [0], [0], [1], [0, 0, 1, 1], [], []>, transpose_lhs_hint = false} : vector<1000x32xf32>, vector<32x32xf32>, vector<1000x32xf32> -> vector<1000x32xf32>
    %mul3A_602 = vector.broadcast %mul3A_592 : f32 to vector<1000x32xf32>
    %mul3A_603 = arith.mulf %dot_general3A_601, %mul3A_602 : vector<1000x32xf32>
    %slice3A_604 = vector.extract_strided_slice %add3A_187 {offsets = [0, 64], sizes = [1000, 32], strides = [1, 1]} : vector<1000x128xf32> to vector<1000x32xf32>
    %get3A_605 = arith.constant 2 : index
    %get3A_606 = arith.constant 2 : index
    %get3A_607 = arith.constant 0 : index
    %get3A_608 = arith.constant 0 : index
    %get3A_609 = vector.load %arg10[%get3A_605, %get3A_606, %get3A_607, %get3A_608] : memref<5x4x32x32xf32, #tpu.memory_space<vmem>>, vector<1x1x32x32xf32>
    %get3A_610 = vector.shape_cast %get3A_609 : vector<1x1x32x32xf32> to vector<32x32xf32>
    %dot_general3A_611 = arith.constant dense<0.000000e+00> : vector<1000x32xf32>
    %dot_general3A_612 = tpu.matmul %slice3A_604, %get3A_610, %dot_general3A_611 {dimension_numbers = #tpu.dot_dimension_numbers<[1], [0], [0], [1], [0, 0, 1, 1], [], []>, transpose_lhs_hint = false} : vector<1000x32xf32>, vector<32x32xf32>, vector<1000x32xf32> -> vector<1000x32xf32>
    %get3A_613 = arith.constant 2 : index
    %get3A_614 = arith.constant 3 : index
    %get3A_615 = vector.load %arg11[%get3A_613, %get3A_614] : memref<5x4xf32, #tpu.memory_space<vmem>>, vector<1x1xf32>
    %get3A_616 = vector.extract %get3A_615[0, 0] : f32 from vector<1x1xf32>
    %mul3A_617 = arith.constant 0.176776692 : f32
    %mul3A_618 = arith.mulf %get3A_616, %mul3A_617 : f32
    %slice3A_619 = vector.extract_strided_slice %add3A_92 {offsets = [0, 96], sizes = [1000, 32], strides = [1, 1]} : vector<1000x128xf32> to vector<1000x32xf32>
    %get3A_620 = arith.constant 2 : index
    %get3A_621 = arith.constant 3 : index
    %get3A_622 = arith.constant 0 : index
    %get3A_623 = arith.constant 0 : index
    %get3A_624 = vector.load %arg9[%get3A_620, %get3A_621, %get3A_622, %get3A_623] : memref<5x4x32x32xf32, #tpu.memory_space<vmem>>, vector<1x1x32x32xf32>
    %get3A_625 = vector.shape_cast %get3A_624 : vector<1x1x32x32xf32> to vector<32x32xf32>
    %dot_general3A_626 = arith.constant dense<0.000000e+00> : vector<1000x32xf32>
    %dot_general3A_627 = tpu.matmul %slice3A_619, %get3A_625, %dot_general3A_626 {dimension_numbers = #tpu.dot_dimension_numbers<[1], [0], [0], [1], [0, 0, 1, 1], [], []>, transpose_lhs_hint = false} : vector<1000x32xf32>, vector<32x32xf32>, vector<1000x32xf32> -> vector<1000x32xf32>
    %mul3A_628 = vector.broadcast %mul3A_618 : f32 to vector<1000x32xf32>
    %mul3A_629 = arith.mulf %dot_general3A_627, %mul3A_628 : vector<1000x32xf32>
    %slice3A_630 = vector.extract_strided_slice %add3A_187 {offsets = [0, 96], sizes = [1000, 32], strides = [1, 1]} : vector<1000x128xf32> to vector<1000x32xf32>
    %get3A_631 = arith.constant 2 : index
    %get3A_632 = arith.constant 3 : index
    %get3A_633 = arith.constant 0 : index
    %get3A_634 = arith.constant 0 : index
    %get3A_635 = vector.load %arg10[%get3A_631, %get3A_632, %get3A_633, %get3A_634] : memref<5x4x32x32xf32, #tpu.memory_space<vmem>>, vector<1x1x32x32xf32>
    %get3A_636 = vector.shape_cast %get3A_635 : vector<1x1x32x32xf32> to vector<32x32xf32>
    %dot_general3A_637 = arith.constant dense<0.000000e+00> : vector<1000x32xf32>
    %dot_general3A_638 = tpu.matmul %slice3A_630, %get3A_636, %dot_general3A_637 {dimension_numbers = #tpu.dot_dimension_numbers<[1], [0], [0], [1], [0, 0, 1, 1], [], []>, transpose_lhs_hint = false} : vector<1000x32xf32>, vector<32x32xf32>, vector<1000x32xf32> -> vector<1000x32xf32>
    %concatenate3A_639 = tpu.concatenate %mul3A_551, %mul3A_577, %mul3A_603, %mul3A_629 in 1 : vector<1000x32xf32>, vector<1000x32xf32>, vector<1000x32xf32>, vector<1000x32xf32> -> vector<1000x128xf32>
    %bitcast_convert_type3A_640 = tpu.bitcast %concatenate3A_639 : vector<1000x128xf32> -> vector<1000x128xi32>
    %concatenate3A_641 = tpu.concatenate %dot_general3A_560, %dot_general3A_586, %dot_general3A_612, %dot_general3A_638 in 1 : vector<1000x32xf32>, vector<1000x32xf32>, vector<1000x32xf32>, vector<1000x32xf32> -> vector<1000x128xf32>
    %bitcast_convert_type3A_642 = tpu.bitcast %concatenate3A_641 : vector<1000x128xf32> -> vector<1000x128xi32>
    %add3A_643 = arith.constant 32768 : i32
    %add3A_644 = vector.broadcast %add3A_643 : i32 to vector<1000x128xi32>
    %add3A_645 = arith.addi %bitcast_convert_type3A_640, %add3A_644 : vector<1000x128xi32>
    %and3A_646 = arith.constant -65536 : i32
    %and3A_647 = vector.broadcast %and3A_646 : i32 to vector<1000x128xi32>
    %and3A_648 = arith.andi %add3A_645, %and3A_647 : vector<1000x128xi32>
    %add3A_649 = arith.constant 32768 : i32
    %add3A_650 = vector.broadcast %add3A_649 : i32 to vector<1000x128xi32>
    %add3A_651 = arith.addi %bitcast_convert_type3A_642, %add3A_650 : vector<1000x128xi32>
    %shift_right_logical3A_652 = arith.constant 16 : i32
    %shift_right_logical3A_653 = vector.broadcast %shift_right_logical3A_652 : i32 to vector<1000x128xi32>
    %shift_right_logical3A_654 = arith.shrui %add3A_651, %shift_right_logical3A_653 : vector<1000x128xi32>
    %or3A_655 = arith.ori %and3A_648, %shift_right_logical3A_654 : vector<1000x128xi32>
    %bitcast_convert_type3A_656 = tpu.bitcast %or3A_655 : vector<1000x128xi32> -> vector<1000x128xf32>
    %swap3A_657 = arith.constant 2 : index
    %swap3A_658 = arith.constant 0 : index
    %swap3A_659 = arith.constant 0 : index
    %swap3A_660 = vector.load %arg12[%swap3A_657, %swap3A_658, %swap3A_659] : memref<5x1000x128xf32, #tpu.memory_space<vmem>>, vector<1x1000x128xf32>
    %swap3A_661 = vector.shape_cast %swap3A_660 : vector<1x1000x128xf32> to vector<1000x128xf32>
    %swap3A_662 = vector.shape_cast %bitcast_convert_type3A_656 : vector<1000x128xf32> to vector<1x1000x128xf32>
    tpu.vector_store %arg12[%swap3A_657, %swap3A_658, %swap3A_659], %swap3A_662 {strides = array<i32>} : memref<5x1000x128xf32, #tpu.memory_space<vmem>>, vector<1x1000x128xf32>,
    %get3A_663 = arith.constant 3 : index
    %get3A_664 = arith.constant 0 : index
    %get3A_665 = vector.load %arg11[%get3A_663, %get3A_664] : memref<5x4xf32, #tpu.memory_space<vmem>>, vector<1x1xf32>
    %get3A_666 = vector.extract %get3A_665[0, 0] : f32 from vector<1x1xf32>
    %mul3A_667 = arith.constant 0.176776692 : f32
    %mul3A_668 = arith.mulf %get3A_666, %mul3A_667 : f32
    %slice3A_669 = vector.extract_strided_slice %add3A_92 {offsets = [0, 0], sizes = [1000, 32], strides = [1, 1]} : vector<1000x128xf32> to vector<1000x32xf32>
    %get3A_670 = arith.constant 3 : index
    %get3A_671 = arith.constant 0 : index
    %get3A_672 = arith.constant 0 : index
    %get3A_673 = arith.constant 0 : index
    %get3A_674 = vector.load %arg9[%get3A_670, %get3A_671, %get3A_672, %get3A_673] : memref<5x4x32x32xf32, #tpu.memory_space<vmem>>, vector<1x1x32x32xf32>
    %get3A_675 = vector.shape_cast %get3A_674 : vector<1x1x32x32xf32> to vector<32x32xf32>
    %dot_general3A_676 = arith.constant dense<0.000000e+00> : vector<1000x32xf32>
    %dot_general3A_677 = tpu.matmul %slice3A_669, %get3A_675, %dot_general3A_676 {dimension_numbers = #tpu.dot_dimension_numbers<[1], [0], [0], [1], [0, 0, 1, 1], [], []>, transpose_lhs_hint = false} : vector<1000x32xf32>, vector<32x32xf32>, vector<1000x32xf32> -> vector<1000x32xf32>
    %mul3A_678 = vector.broadcast %mul3A_668 : f32 to vector<1000x32xf32>
    %mul3A_679 = arith.mulf %dot_general3A_677, %mul3A_678 : vector<1000x32xf32>
    %slice3A_680 = vector.extract_strided_slice %add3A_187 {offsets = [0, 0], sizes = [1000, 32], strides = [1, 1]} : vector<1000x128xf32> to vector<1000x32xf32>
    %get3A_681 = arith.constant 3 : index
    %get3A_682 = arith.constant 0 : index
    %get3A_683 = arith.constant 0 : index
    %get3A_684 = arith.constant 0 : index
    %get3A_685 = vector.load %arg10[%get3A_681, %get3A_682, %get3A_683, %get3A_684] : memref<5x4x32x32xf32, #tpu.memory_space<vmem>>, vector<1x1x32x32xf32>
    %get3A_686 = vector.shape_cast %get3A_685 : vector<1x1x32x32xf32> to vector<32x32xf32>
    %dot_general3A_687 = arith.constant dense<0.000000e+00> : vector<1000x32xf32>
    %dot_general3A_688 = tpu.matmul %slice3A_680, %get3A_686, %dot_general3A_687 {dimension_numbers = #tpu.dot_dimension_numbers<[1], [0], [0], [1], [0, 0, 1, 1], [], []>, transpose_lhs_hint = false} : vector<1000x32xf32>, vector<32x32xf32>, vector<1000x32xf32> -> vector<1000x32xf32>
    %get3A_689 = arith.constant 3 : index
    %get3A_690 = arith.constant 1 : index
    %get3A_691 = vector.load %arg11[%get3A_689, %get3A_690] : memref<5x4xf32, #tpu.memory_space<vmem>>, vector<1x1xf32>
    %get3A_692 = vector.extract %get3A_691[0, 0] : f32 from vector<1x1xf32>
    %mul3A_693 = arith.constant 0.176776692 : f32
    %mul3A_694 = arith.mulf %get3A_692, %mul3A_693 : f32
    %slice3A_695 = vector.extract_strided_slice %add3A_92 {offsets = [0, 32], sizes = [1000, 32], strides = [1, 1]} : vector<1000x128xf32> to vector<1000x32xf32>
    %get3A_696 = arith.constant 3 : index
    %get3A_697 = arith.constant 1 : index
    %get3A_698 = arith.constant 0 : index
    %get3A_699 = arith.constant 0 : index
    %get3A_700 = vector.load %arg9[%get3A_696, %get3A_697, %get3A_698, %get3A_699] : memref<5x4x32x32xf32, #tpu.memory_space<vmem>>, vector<1x1x32x32xf32>
    %get3A_701 = vector.shape_cast %get3A_700 : vector<1x1x32x32xf32> to vector<32x32xf32>
    %dot_general3A_702 = arith.constant dense<0.000000e+00> : vector<1000x32xf32>
    %dot_general3A_703 = tpu.matmul %slice3A_695, %get3A_701, %dot_general3A_702 {dimension_numbers = #tpu.dot_dimension_numbers<[1], [0], [0], [1], [0, 0, 1, 1], [], []>, transpose_lhs_hint = false} : vector<1000x32xf32>, vector<32x32xf32>, vector<1000x32xf32> -> vector<1000x32xf32>
    %mul3A_704 = vector.broadcast %mul3A_694 : f32 to vector<1000x32xf32>
    %mul3A_705 = arith.mulf %dot_general3A_703, %mul3A_704 : vector<1000x32xf32>
    %slice3A_706 = vector.extract_strided_slice %add3A_187 {offsets = [0, 32], sizes = [1000, 32], strides = [1, 1]} : vector<1000x128xf32> to vector<1000x32xf32>
    %get3A_707 = arith.constant 3 : index
    %get3A_708 = arith.constant 1 : index
    %get3A_709 = arith.constant 0 : index
    %get3A_710 = arith.constant 0 : index
    %get3A_711 = vector.load %arg10[%get3A_707, %get3A_708, %get3A_709, %get3A_710] : memref<5x4x32x32xf32, #tpu.memory_space<vmem>>, vector<1x1x32x32xf32>
    %get3A_712 = vector.shape_cast %get3A_711 : vector<1x1x32x32xf32> to vector<32x32xf32>
    %dot_general3A_713 = arith.constant dense<0.000000e+00> : vector<1000x32xf32>
    %dot_general3A_714 = tpu.matmul %slice3A_706, %get3A_712, %dot_general3A_713 {dimension_numbers = #tpu.dot_dimension_numbers<[1], [0], [0], [1], [0, 0, 1, 1], [], []>, transpose_lhs_hint = false} : vector<1000x32xf32>, vector<32x32xf32>, vector<1000x32xf32> -> vector<1000x32xf32>
    %get3A_715 = arith.constant 3 : index
    %get3A_716 = arith.constant 2 : index
    %get3A_717 = vector.load %arg11[%get3A_715, %get3A_716] : memref<5x4xf32, #tpu.memory_space<vmem>>, vector<1x1xf32>
    %get3A_718 = vector.extract %get3A_717[0, 0] : f32 from vector<1x1xf32>
    %mul3A_719 = arith.constant 0.176776692 : f32
    %mul3A_720 = arith.mulf %get3A_718, %mul3A_719 : f32
    %slice3A_721 = vector.extract_strided_slice %add3A_92 {offsets = [0, 64], sizes = [1000, 32], strides = [1, 1]} : vector<1000x128xf32> to vector<1000x32xf32>
    %get3A_722 = arith.constant 3 : index
    %get3A_723 = arith.constant 2 : index
    %get3A_724 = arith.constant 0 : index
    %get3A_725 = arith.constant 0 : index
    %get3A_726 = vector.load %arg9[%get3A_722, %get3A_723, %get3A_724, %get3A_725] : memref<5x4x32x32xf32, #tpu.memory_space<vmem>>, vector<1x1x32x32xf32>
    %get3A_727 = vector.shape_cast %get3A_726 : vector<1x1x32x32xf32> to vector<32x32xf32>
    %dot_general3A_728 = arith.constant dense<0.000000e+00> : vector<1000x32xf32>
    %dot_general3A_729 = tpu.matmul %slice3A_721, %get3A_727, %dot_general3A_728 {dimension_numbers = #tpu.dot_dimension_numbers<[1], [0], [0], [1], [0, 0, 1, 1], [], []>, transpose_lhs_hint = false} : vector<1000x32xf32>, vector<32x32xf32>, vector<1000x32xf32> -> vector<1000x32xf32>
    %mul3A_730 = vector.broadcast %mul3A_720 : f32 to vector<1000x32xf32>
    %mul3A_731 = arith.mulf %dot_general3A_729, %mul3A_730 : vector<1000x32xf32>
    %slice3A_732 = vector.extract_strided_slice %add3A_187 {offsets = [0, 64], sizes = [1000, 32], strides = [1, 1]} : vector<1000x128xf32> to vector<1000x32xf32>
    %get3A_733 = arith.constant 3 : index
    %get3A_734 = arith.constant 2 : index
    %get3A_735 = arith.constant 0 : index
    %get3A_736 = arith.constant 0 : index
    %get3A_737 = vector.load %arg10[%get3A_733, %get3A_734, %get3A_735, %get3A_736] : memref<5x4x32x32xf32, #tpu.memory_space<vmem>>, vector<1x1x32x32xf32>
    %get3A_738 = vector.shape_cast %get3A_737 : vector<1x1x32x32xf32> to vector<32x32xf32>
    %dot_general3A_739 = arith.constant dense<0.000000e+00> : vector<1000x32xf32>
    %dot_general3A_740 = tpu.matmul %slice3A_732, %get3A_738, %dot_general3A_739 {dimension_numbers = #tpu.dot_dimension_numbers<[1], [0], [0], [1], [0, 0, 1, 1], [], []>, transpose_lhs_hint = false} : vector<1000x32xf32>, vector<32x32xf32>, vector<1000x32xf32> -> vector<1000x32xf32>
    %get3A_741 = arith.constant 3 : index
    %get3A_742 = arith.constant 3 : index
    %get3A_743 = vector.load %arg11[%get3A_741, %get3A_742] : memref<5x4xf32, #tpu.memory_space<vmem>>, vector<1x1xf32>
    %get3A_744 = vector.extract %get3A_743[0, 0] : f32 from vector<1x1xf32>
    %mul3A_745 = arith.constant 0.176776692 : f32
    %mul3A_746 = arith.mulf %get3A_744, %mul3A_745 : f32
    %slice3A_747 = vector.extract_strided_slice %add3A_92 {offsets = [0, 96], sizes = [1000, 32], strides = [1, 1]} : vector<1000x128xf32> to vector<1000x32xf32>
    %get3A_748 = arith.constant 3 : index
    %get3A_749 = arith.constant 3 : index
    %get3A_750 = arith.constant 0 : index
    %get3A_751 = arith.constant 0 : index
    %get3A_752 = vector.load %arg9[%get3A_748, %get3A_749, %get3A_750, %get3A_751] : memref<5x4x32x32xf32, #tpu.memory_space<vmem>>, vector<1x1x32x32xf32>
    %get3A_753 = vector.shape_cast %get3A_752 : vector<1x1x32x32xf32> to vector<32x32xf32>
    %dot_general3A_754 = arith.constant dense<0.000000e+00> : vector<1000x32xf32>
    %dot_general3A_755 = tpu.matmul %slice3A_747, %get3A_753, %dot_general3A_754 {dimension_numbers = #tpu.dot_dimension_numbers<[1], [0], [0], [1], [0, 0, 1, 1], [], []>, transpose_lhs_hint = false} : vector<1000x32xf32>, vector<32x32xf32>, vector<1000x32xf32> -> vector<1000x32xf32>
    %mul3A_756 = vector.broadcast %mul3A_746 : f32 to vector<1000x32xf32>
    %mul3A_757 = arith.mulf %dot_general3A_755, %mul3A_756 : vector<1000x32xf32>
    %slice3A_758 = vector.extract_strided_slice %add3A_187 {offsets = [0, 96], sizes = [1000, 32], strides = [1, 1]} : vector<1000x128xf32> to vector<1000x32xf32>
    %get3A_759 = arith.constant 3 : index
    %get3A_760 = arith.constant 3 : index
    %get3A_761 = arith.constant 0 : index
    %get3A_762 = arith.constant 0 : index
    %get3A_763 = vector.load %arg10[%get3A_759, %get3A_760, %get3A_761, %get3A_762] : memref<5x4x32x32xf32, #tpu.memory_space<vmem>>, vector<1x1x32x32xf32>
    %get3A_764 = vector.shape_cast %get3A_763 : vector<1x1x32x32xf32> to vector<32x32xf32>
    %dot_general3A_765 = arith.constant dense<0.000000e+00> : vector<1000x32xf32>
    %dot_general3A_766 = tpu.matmul %slice3A_758, %get3A_764, %dot_general3A_765 {dimension_numbers = #tpu.dot_dimension_numbers<[1], [0], [0], [1], [0, 0, 1, 1], [], []>, transpose_lhs_hint = false} : vector<1000x32xf32>, vector<32x32xf32>, vector<1000x32xf32> -> vector<1000x32xf32>
    %concatenate3A_767 = tpu.concatenate %mul3A_679, %mul3A_705, %mul3A_731, %mul3A_757 in 1 : vector<1000x32xf32>, vector<1000x32xf32>, vector<1000x32xf32>, vector<1000x32xf32> -> vector<1000x128xf32>
    %bitcast_convert_type3A_768 = tpu.bitcast %concatenate3A_767 : vector<1000x128xf32> -> vector<1000x128xi32>
    %concatenate3A_769 = tpu.concatenate %dot_general3A_688, %dot_general3A_714, %dot_general3A_740, %dot_general3A_766 in 1 : vector<1000x32xf32>, vector<1000x32xf32>, vector<1000x32xf32>, vector<1000x32xf32> -> vector<1000x128xf32>
    %bitcast_convert_type3A_770 = tpu.bitcast %concatenate3A_769 : vector<1000x128xf32> -> vector<1000x128xi32>
    %add3A_771 = arith.constant 32768 : i32
    %add3A_772 = vector.broadcast %add3A_771 : i32 to vector<1000x128xi32>
    %add3A_773 = arith.addi %bitcast_convert_type3A_768, %add3A_772 : vector<1000x128xi32>
    %and3A_774 = arith.constant -65536 : i32
    %and3A_775 = vector.broadcast %and3A_774 : i32 to vector<1000x128xi32>
    %and3A_776 = arith.andi %add3A_773, %and3A_775 : vector<1000x128xi32>
    %add3A_777 = arith.constant 32768 : i32
    %add3A_778 = vector.broadcast %add3A_777 : i32 to vector<1000x128xi32>
    %add3A_779 = arith.addi %bitcast_convert_type3A_770, %add3A_778 : vector<1000x128xi32>
    %shift_right_logical3A_780 = arith.constant 16 : i32
    %shift_right_logical3A_781 = vector.broadcast %shift_right_logical3A_780 : i32 to vector<1000x128xi32>
    %shift_right_logical3A_782 = arith.shrui %add3A_779, %shift_right_logical3A_781 : vector<1000x128xi32>
    %or3A_783 = arith.ori %and3A_776, %shift_right_logical3A_782 : vector<1000x128xi32>
    %bitcast_convert_type3A_784 = tpu.bitcast %or3A_783 : vector<1000x128xi32> -> vector<1000x128xf32>
    %swap3A_785 = arith.constant 3 : index
    %swap3A_786 = arith.constant 0 : index
    %swap3A_787 = arith.constant 0 : index
    %swap3A_788 = vector.load %arg12[%swap3A_785, %swap3A_786, %swap3A_787] : memref<5x1000x128xf32, #tpu.memory_space<vmem>>, vector<1x1000x128xf32>
    %swap3A_789 = vector.shape_cast %swap3A_788 : vector<1x1000x128xf32> to vector<1000x128xf32>
    %swap3A_790 = vector.shape_cast %bitcast_convert_type3A_784 : vector<1000x128xf32> to vector<1x1000x128xf32>
    tpu.vector_store %arg12[%swap3A_785, %swap3A_786, %swap3A_787], %swap3A_790 {strides = array<i32>} : memref<5x1000x128xf32, #tpu.memory_space<vmem>>, vector<1x1000x128xf32>,
    %get3A_791 = arith.constant 4 : index
    %get3A_792 = arith.constant 0 : index
    %get3A_793 = vector.load %arg11[%get3A_791, %get3A_792] : memref<5x4xf32, #tpu.memory_space<vmem>>, vector<1x1xf32>
    %get3A_794 = vector.extract %get3A_793[0, 0] : f32 from vector<1x1xf32>
    %mul3A_795 = arith.constant 0.176776692 : f32
    %mul3A_796 = arith.mulf %get3A_794, %mul3A_795 : f32
    %slice3A_797 = vector.extract_strided_slice %add3A_92 {offsets = [0, 0], sizes = [1000, 32], strides = [1, 1]} : vector<1000x128xf32> to vector<1000x32xf32>
    %get3A_798 = arith.constant 4 : index
    %get3A_799 = arith.constant 0 : index
    %get3A_800 = arith.constant 0 : index
    %get3A_801 = arith.constant 0 : index
    %get3A_802 = vector.load %arg9[%get3A_798, %get3A_799, %get3A_800, %get3A_801] : memref<5x4x32x32xf32, #tpu.memory_space<vmem>>, vector<1x1x32x32xf32>
    %get3A_803 = vector.shape_cast %get3A_802 : vector<1x1x32x32xf32> to vector<32x32xf32>
    %dot_general3A_804 = arith.constant dense<0.000000e+00> : vector<1000x32xf32>
    %dot_general3A_805 = tpu.matmul %slice3A_797, %get3A_803, %dot_general3A_804 {dimension_numbers = #tpu.dot_dimension_numbers<[1], [0], [0], [1], [0, 0, 1, 1], [], []>, transpose_lhs_hint = false} : vector<1000x32xf32>, vector<32x32xf32>, vector<1000x32xf32> -> vector<1000x32xf32>
    %mul3A_806 = vector.broadcast %mul3A_796 : f32 to vector<1000x32xf32>
    %mul3A_807 = arith.mulf %dot_general3A_805, %mul3A_806 : vector<1000x32xf32>
    %slice3A_808 = vector.extract_strided_slice %add3A_187 {offsets = [0, 0], sizes = [1000, 32], strides = [1, 1]} : vector<1000x128xf32> to vector<1000x32xf32>
    %get3A_809 = arith.constant 4 : index
    %get3A_810 = arith.constant 0 : index
    %get3A_811 = arith.constant 0 : index
    %get3A_812 = arith.constant 0 : index
    %get3A_813 = vector.load %arg10[%get3A_809, %get3A_810, %get3A_811, %get3A_812] : memref<5x4x32x32xf32, #tpu.memory_space<vmem>>, vector<1x1x32x32xf32>
    %get3A_814 = vector.shape_cast %get3A_813 : vector<1x1x32x32xf32> to vector<32x32xf32>
    %dot_general3A_815 = arith.constant dense<0.000000e+00> : vector<1000x32xf32>
    %dot_general3A_816 = tpu.matmul %slice3A_808, %get3A_814, %dot_general3A_815 {dimension_numbers = #tpu.dot_dimension_numbers<[1], [0], [0], [1], [0, 0, 1, 1], [], []>, transpose_lhs_hint = false} : vector<1000x32xf32>, vector<32x32xf32>, vector<1000x32xf32> -> vector<1000x32xf32>
    %get3A_817 = arith.constant 4 : index
    %get3A_818 = arith.constant 1 : index
    %get3A_819 = vector.load %arg11[%get3A_817, %get3A_818] : memref<5x4xf32, #tpu.memory_space<vmem>>, vector<1x1xf32>
    %get3A_820 = vector.extract %get3A_819[0, 0] : f32 from vector<1x1xf32>
    %mul3A_821 = arith.constant 0.176776692 : f32
    %mul3A_822 = arith.mulf %get3A_820, %mul3A_821 : f32
    %slice3A_823 = vector.extract_strided_slice %add3A_92 {offsets = [0, 32], sizes = [1000, 32], strides = [1, 1]} : vector<1000x128xf32> to vector<1000x32xf32>
    %get3A_824 = arith.constant 4 : index
    %get3A_825 = arith.constant 1 : index
    %get3A_826 = arith.constant 0 : index
    %get3A_827 = arith.constant 0 : index
    %get3A_828 = vector.load %arg9[%get3A_824, %get3A_825, %get3A_826, %get3A_827] : memref<5x4x32x32xf32, #tpu.memory_space<vmem>>, vector<1x1x32x32xf32>
    %get3A_829 = vector.shape_cast %get3A_828 : vector<1x1x32x32xf32> to vector<32x32xf32>
    %dot_general3A_830 = arith.constant dense<0.000000e+00> : vector<1000x32xf32>
    %dot_general3A_831 = tpu.matmul %slice3A_823, %get3A_829, %dot_general3A_830 {dimension_numbers = #tpu.dot_dimension_numbers<[1], [0], [0], [1], [0, 0, 1, 1], [], []>, transpose_lhs_hint = false} : vector<1000x32xf32>, vector<32x32xf32>, vector<1000x32xf32> -> vector<1000x32xf32>
    %mul3A_832 = vector.broadcast %mul3A_822 : f32 to vector<1000x32xf32>
    %mul3A_833 = arith.mulf %dot_general3A_831, %mul3A_832 : vector<1000x32xf32>
    %slice3A_834 = vector.extract_strided_slice %add3A_187 {offsets = [0, 32], sizes = [1000, 32], strides = [1, 1]} : vector<1000x128xf32> to vector<1000x32xf32>
    %get3A_835 = arith.constant 4 : index
    %get3A_836 = arith.constant 1 : index
    %get3A_837 = arith.constant 0 : index
    %get3A_838 = arith.constant 0 : index
    %get3A_839 = vector.load %arg10[%get3A_835, %get3A_836, %get3A_837, %get3A_838] : memref<5x4x32x32xf32, #tpu.memory_space<vmem>>, vector<1x1x32x32xf32>
    %get3A_840 = vector.shape_cast %get3A_839 : vector<1x1x32x32xf32> to vector<32x32xf32>
    %dot_general3A_841 = arith.constant dense<0.000000e+00> : vector<1000x32xf32>
    %dot_general3A_842 = tpu.matmul %slice3A_834, %get3A_840, %dot_general3A_841 {dimension_numbers = #tpu.dot_dimension_numbers<[1], [0], [0], [1], [0, 0, 1, 1], [], []>, transpose_lhs_hint = false} : vector<1000x32xf32>, vector<32x32xf32>, vector<1000x32xf32> -> vector<1000x32xf32>
    %get3A_843 = arith.constant 4 : index
    %get3A_844 = arith.constant 2 : index
    %get3A_845 = vector.load %arg11[%get3A_843, %get3A_844] : memref<5x4xf32, #tpu.memory_space<vmem>>, vector<1x1xf32>
    %get3A_846 = vector.extract %get3A_845[0, 0] : f32 from vector<1x1xf32>
    %mul3A_847 = arith.constant 0.176776692 : f32
    %mul3A_848 = arith.mulf %get3A_846, %mul3A_847 : f32
    %slice3A_849 = vector.extract_strided_slice %add3A_92 {offsets = [0, 64], sizes = [1000, 32], strides = [1, 1]} : vector<1000x128xf32> to vector<1000x32xf32>
    %get3A_850 = arith.constant 4 : index
    %get3A_851 = arith.constant 2 : index
    %get3A_852 = arith.constant 0 : index
    %get3A_853 = arith.constant 0 : index
    %get3A_854 = vector.load %arg9[%get3A_850, %get3A_851, %get3A_852, %get3A_853] : memref<5x4x32x32xf32, #tpu.memory_space<vmem>>, vector<1x1x32x32xf32>
    %get3A_855 = vector.shape_cast %get3A_854 : vector<1x1x32x32xf32> to vector<32x32xf32>
    %dot_general3A_856 = arith.constant dense<0.000000e+00> : vector<1000x32xf32>
    %dot_general3A_857 = tpu.matmul %slice3A_849, %get3A_855, %dot_general3A_856 {dimension_numbers = #tpu.dot_dimension_numbers<[1], [0], [0], [1], [0, 0, 1, 1], [], []>, transpose_lhs_hint = false} : vector<1000x32xf32>, vector<32x32xf32>, vector<1000x32xf32> -> vector<1000x32xf32>
    %mul3A_858 = vector.broadcast %mul3A_848 : f32 to vector<1000x32xf32>
    %mul3A_859 = arith.mulf %dot_general3A_857, %mul3A_858 : vector<1000x32xf32>
    %slice3A_860 = vector.extract_strided_slice %add3A_187 {offsets = [0, 64], sizes = [1000, 32], strides = [1, 1]} : vector<1000x128xf32> to vector<1000x32xf32>
    %get3A_861 = arith.constant 4 : index
    %get3A_862 = arith.constant 2 : index
    %get3A_863 = arith.constant 0 : index
    %get3A_864 = arith.constant 0 : index
    %get3A_865 = vector.load %arg10[%get3A_861, %get3A_862, %get3A_863, %get3A_864] : memref<5x4x32x32xf32, #tpu.memory_space<vmem>>, vector<1x1x32x32xf32>
    %get3A_866 = vector.shape_cast %get3A_865 : vector<1x1x32x32xf32> to vector<32x32xf32>
    %dot_general3A_867 = arith.constant dense<0.000000e+00> : vector<1000x32xf32>
    %dot_general3A_868 = tpu.matmul %slice3A_860, %get3A_866, %dot_general3A_867 {dimension_numbers = #tpu.dot_dimension_numbers<[1], [0], [0], [1], [0, 0, 1, 1], [], []>, transpose_lhs_hint = false} : vector<1000x32xf32>, vector<32x32xf32>, vector<1000x32xf32> -> vector<1000x32xf32>
    %get3A_869 = arith.constant 4 : index
    %get3A_870 = arith.constant 3 : index
    %get3A_871 = vector.load %arg11[%get3A_869, %get3A_870] : memref<5x4xf32, #tpu.memory_space<vmem>>, vector<1x1xf32>
    %get3A_872 = vector.extract %get3A_871[0, 0] : f32 from vector<1x1xf32>
    %mul3A_873 = arith.constant 0.176776692 : f32
    %mul3A_874 = arith.mulf %get3A_872, %mul3A_873 : f32
    %slice3A_875 = vector.extract_strided_slice %add3A_92 {offsets = [0, 96], sizes = [1000, 32], strides = [1, 1]} : vector<1000x128xf32> to vector<1000x32xf32>
    %get3A_876 = arith.constant 4 : index
    %get3A_877 = arith.constant 3 : index
    %get3A_878 = arith.constant 0 : index
    %get3A_879 = arith.constant 0 : index
    %get3A_880 = vector.load %arg9[%get3A_876, %get3A_877, %get3A_878, %get3A_879] : memref<5x4x32x32xf32, #tpu.memory_space<vmem>>, vector<1x1x32x32xf32>
    %get3A_881 = vector.shape_cast %get3A_880 : vector<1x1x32x32xf32> to vector<32x32xf32>
    %dot_general3A_882 = arith.constant dense<0.000000e+00> : vector<1000x32xf32>
    %dot_general3A_883 = tpu.matmul %slice3A_875, %get3A_881, %dot_general3A_882 {dimension_numbers = #tpu.dot_dimension_numbers<[1], [0], [0], [1], [0, 0, 1, 1], [], []>, transpose_lhs_hint = false} : vector<1000x32xf32>, vector<32x32xf32>, vector<1000x32xf32> -> vector<1000x32xf32>
    %mul3A_884 = vector.broadcast %mul3A_874 : f32 to vector<1000x32xf32>
    %mul3A_885 = arith.mulf %dot_general3A_883, %mul3A_884 : vector<1000x32xf32>
    %slice3A_886 = vector.extract_strided_slice %add3A_187 {offsets = [0, 96], sizes = [1000, 32], strides = [1, 1]} : vector<1000x128xf32> to vector<1000x32xf32>
    %get3A_887 = arith.constant 4 : index
    %get3A_888 = arith.constant 3 : index
    %get3A_889 = arith.constant 0 : index
    %get3A_890 = arith.constant 0 : index
    %get3A_891 = vector.load %arg10[%get3A_887, %get3A_888, %get3A_889, %get3A_890] : memref<5x4x32x32xf32, #tpu.memory_space<vmem>>, vector<1x1x32x32xf32>
    %get3A_892 = vector.shape_cast %get3A_891 : vector<1x1x32x32xf32> to vector<32x32xf32>
    %dot_general3A_893 = arith.constant dense<0.000000e+00> : vector<1000x32xf32>
    %dot_general3A_894 = tpu.matmul %slice3A_886, %get3A_892, %dot_general3A_893 {dimension_numbers = #tpu.dot_dimension_numbers<[1], [0], [0], [1], [0, 0, 1, 1], [], []>, transpose_lhs_hint = false} : vector<1000x32xf32>, vector<32x32xf32>, vector<1000x32xf32> -> vector<1000x32xf32>
    %concatenate3A_895 = tpu.concatenate %mul3A_807, %mul3A_833, %mul3A_859, %mul3A_885 in 1 : vector<1000x32xf32>, vector<1000x32xf32>, vector<1000x32xf32>, vector<1000x32xf32> -> vector<1000x128xf32>
    %bitcast_convert_type3A_896 = tpu.bitcast %concatenate3A_895 : vector<1000x128xf32> -> vector<1000x128xi32>
    %concatenate3A_897 = tpu.concatenate %dot_general3A_816, %dot_general3A_842, %dot_general3A_868, %dot_general3A_894 in 1 : vector<1000x32xf32>, vector<1000x32xf32>, vector<1000x32xf32>, vector<1000x32xf32> -> vector<1000x128xf32>
    %bitcast_convert_type3A_898 = tpu.bitcast %concatenate3A_897 : vector<1000x128xf32> -> vector<1000x128xi32>
    %add3A_899 = arith.constant 32768 : i32
    %add3A_900 = vector.broadcast %add3A_899 : i32 to vector<1000x128xi32>
    %add3A_901 = arith.addi %bitcast_convert_type3A_896, %add3A_900 : vector<1000x128xi32>
    %and3A_902 = arith.constant -65536 : i32
    %and3A_903 = vector.broadcast %and3A_902 : i32 to vector<1000x128xi32>
    %and3A_904 = arith.andi %add3A_901, %and3A_903 : vector<1000x128xi32>
    %add3A_905 = arith.constant 32768 : i32
    %add3A_906 = vector.broadcast %add3A_905 : i32 to vector<1000x128xi32>
    %add3A_907 = arith.addi %bitcast_convert_type3A_898, %add3A_906 : vector<1000x128xi32>
    %shift_right_logical3A_908 = arith.constant 16 : i32
    %shift_right_logical3A_909 = vector.broadcast %shift_right_logical3A_908 : i32 to vector<1000x128xi32>
    %shift_right_logical3A_910 = arith.shrui %add3A_907, %shift_right_logical3A_909 : vector<1000x128xi32>
    %or3A_911 = arith.ori %and3A_904, %shift_right_logical3A_910 : vector<1000x128xi32>
    %bitcast_convert_type3A_912 = tpu.bitcast %or3A_911 : vector<1000x128xi32> -> vector<1000x128xf32>
    %swap3A_913 = arith.constant 4 : index
    %swap3A_914 = arith.constant 0 : index
    %swap3A_915 = arith.constant 0 : index
    %swap3A_916 = vector.load %arg12[%swap3A_913, %swap3A_914, %swap3A_915] : memref<5x1000x128xf32, #tpu.memory_space<vmem>>, vector<1x1000x128xf32>
    %swap3A_917 = vector.shape_cast %swap3A_916 : vector<1x1000x128xf32> to vector<1000x128xf32>
    %swap3A_918 = vector.shape_cast %bitcast_convert_type3A_912 : vector<1000x128xf32> to vector<1x1000x128xf32>
    tpu.vector_store %arg12[%swap3A_913, %swap3A_914, %swap3A_915], %swap3A_918 {strides = array<i32>} : memref<5x1000x128xf32, #tpu.memory_space<vmem>>, vector<1x1000x128xf32>,
    return
  }
  func.func @transform_0(%arg0: i32) -> (i32, i32) {
    %c0_i32 = arith.constant 0 : i32
    %c0_i32_0 = arith.constant 0 : i32
    return %arg0, %c0_i32 : i32, i32
  }
  func.func @transform_1(%arg0: i32) -> (i32, i32) {
    %c0_i32 = arith.constant 0 : i32
    %c0_i32_0 = arith.constant 0 : i32
    return %arg0, %c0_i32 : i32, i32
  }
  func.func @transform_2(%arg0: i32) -> (i32, i32, i32) {
    %c0_i32 = arith.constant 0 : i32
    %c0_i32_0 = arith.constant 0 : i32
    %c0_i32_1 = arith.constant 0 : i32
    %c0_i32_2 = arith.constant 0 : i32
    return %c0_i32, %c0_i32_0, %c0_i32_1 : i32, i32, i32
  }
  func.func @transform_3(%arg0: i32) -> (i32, i32) {
    %c0_i32 = arith.constant 0 : i32
    %c0_i32_0 = arith.constant 0 : i32
    %c0_i32_1 = arith.constant 0 : i32
    return %c0_i32, %c0_i32_0 : i32, i32
  }
  func.func @transform_4(%arg0: i32) -> (i32, i32, i32) {
    %c0_i32 = arith.constant 0 : i32
    %c0_i32_0 = arith.constant 0 : i32
    %c0_i32_1 = arith.constant 0 : i32
    %c0_i32_2 = arith.constant 0 : i32
    return %c0_i32, %c0_i32_0, %c0_i32_1 : i32, i32, i32
  }
  func.func @transform_5(%arg0: i32) -> (i32, i32) {
    %c0_i32 = arith.constant 0 : i32
    %c0_i32_0 = arith.constant 0 : i32
    %c0_i32_1 = arith.constant 0 : i32
    return %c0_i32, %c0_i32_0 : i32, i32
  }
  func.func @transform_6(%arg0: i32) -> (i32, i32, i32) {
    %c0_i32 = arith.constant 0 : i32
    %c0_i32_0 = arith.constant 0 : i32
    %c0_i32_1 = arith.constant 0 : i32
    %c0_i32_2 = arith.constant 0 : i32
    return %c0_i32, %c0_i32_0, %c0_i32_1 : i32, i32, i32
  }
  func.func @transform_7(%arg0: i32) -> (i32, i32) {
    %c0_i32 = arith.constant 0 : i32
    %c0_i32_0 = arith.constant 0 : i32
    %c0_i32_1 = arith.constant 0 : i32
    return %c0_i32, %c0_i32_0 : i32, i32
  }
  func.func @transform_8(%arg0: i32) -> (i32, i32, i32, i32) {
    %c0_i32 = arith.constant 0 : i32
    %c0_i32_0 = arith.constant 0 : i32
    %c0_i32_1 = arith.constant 0 : i32
    %c0_i32_2 = arith.constant 0 : i32
    %c0_i32_3 = arith.constant 0 : i32
    return %c0_i32, %c0_i32_0, %c0_i32_1, %c0_i32_2 : i32, i32, i32, i32
  }
  func.func @transform_9(%arg0: i32) -> (i32, i32, i32, i32) {
    %c0_i32 = arith.constant 0 : i32
    %c0_i32_0 = arith.constant 0 : i32
    %c0_i32_1 = arith.constant 0 : i32
    %c0_i32_2 = arith.constant 0 : i32
    %c0_i32_3 = arith.constant 0 : i32
    return %c0_i32, %c0_i32_0, %c0_i32_1, %c0_i32_2 : i32, i32, i32, i32
  }
  func.func @transform_10(%arg0: i32) -> (i32, i32) {
    %c0_i32 = arith.constant 0 : i32
    %c0_i32_0 = arith.constant 0 : i32
    %c0_i32_1 = arith.constant 0 : i32
    return %c0_i32, %c0_i32_0 : i32, i32
  }
  func.func @transform_11(%arg0: i32) -> (i32, i32, i32) {
    %c0_i32 = arith.constant 0 : i32
    %c0_i32_0 = arith.constant 0 : i32
    %c0_i32_1 = arith.constant 0 : i32
    return %c0_i32, %arg0, %c0_i32_0 : i32, i32, i32
  }
  func.func @transform_12(%arg0: i32) -> (i32, i32) {
    %c0_i32 = arith.constant 0 : i32
    %c0_i32_0 = arith.constant 0 : i32
    return %arg0, %c0_i32 : i32, i32
  }
}

module attributes {stable_mosaic.version = 14 : i64} {
  func.func @_e_body(%arg0: i32, %arg1: memref<2x1000x144xf32, #tpu.memory_space<vmem>>, %arg2: memref<1000x128xf32, #tpu.memory_space<vmem>>, %arg3: memref<1000x1xi32, #tpu.memory_space<vmem>>, %arg4: memref<2x128x128xf32, #tpu.memory_space<vmem>>, %arg5: memref<3x2xf32, #tpu.memory_space<vmem>>, %arg6: memref<128x128xf32, #tpu.memory_space<vmem>>, %arg7: memref<1x128xf32, #tpu.memory_space<vmem>>, %arg8: memref<1000x128xf32, #tpu.memory_space<vmem>>) attributes {dimension_semantics = [#tpu.dimension_semantics<arbitrary>], iteration_bounds = array<i64: 10>, scalar_prefetch = 0 : i64, scratch_operands = 0 : i64, tpu.core_type = #tpu.core_type<tc>, window_params = [{transform_indices = @transform_0, window_bounds = array<i64: 2, 1000, 144>}, {transform_indices = @transform_1, window_bounds = array<i64: 1000, 128>}, {transform_indices = @transform_2, window_bounds = array<i64: 1000, 1>}, {pipeline_mode = #tpu.pipeline_mode<synchronous>, transform_indices = @transform_3, window_bounds = array<i64: 2, 128, 128>}, {pipeline_mode = #tpu.pipeline_mode<synchronous>, transform_indices = @transform_4, window_bounds = array<i64: 3, 2>}, {pipeline_mode = #tpu.pipeline_mode<synchronous>, transform_indices = @transform_5, window_bounds = array<i64: 128, 128>}, {pipeline_mode = #tpu.pipeline_mode<synchronous>, transform_indices = @transform_6, window_bounds = array<i64: 1, 128>}, {transform_indices = @transform_7, window_bounds = array<i64: 1000, 128>}]} {
    %get3A = arith.constant 0 : index
    %get3A_0 = arith.constant 0 : index
    %get3A_1 = arith.constant 0 : index
    %get3A_2 = vector.load %arg1[%get3A, %get3A_0, %get3A_1] : memref<2x1000x144xf32, #tpu.memory_space<vmem>>, vector<1x1000x144xf32>
    %get3A_3 = vector.shape_cast %get3A_2 : vector<1x1000x144xf32> to vector<1000x144xf32>
    %get3A_4 = arith.constant 1 : index
    %get3A_5 = arith.constant 0 : index
    %get3A_6 = arith.constant 0 : index
    %get3A_7 = vector.load %arg1[%get3A_4, %get3A_5, %get3A_6] : memref<2x1000x144xf32, #tpu.memory_space<vmem>>, vector<1x1000x144xf32>
    %get3A_8 = vector.shape_cast %get3A_7 : vector<1x1000x144xf32> to vector<1000x144xf32>
    %add3A = arith.addf %get3A_3, %get3A_8 : vector<1000x144xf32>
    %slice3A = vector.extract_strided_slice %add3A {offsets = [0, 0], sizes = [1000, 128], strides = [1, 1]} : vector<1000x144xf32> to vector<1000x128xf32>
    %slice3A_9 = vector.extract_strided_slice %add3A {offsets = [0, 128], sizes = [1000, 1], strides = [1, 1]} : vector<1000x144xf32> to vector<1000x1xf32>
    %slice3A_10 = vector.extract_strided_slice %slice3A {offsets = [0, 0], sizes = [1000, 32], strides = [1, 1]} : vector<1000x128xf32> to vector<1000x32xf32>
    %add3A_11 = arith.constant 9.99999971E-10 : f32
    %add3A_12 = vector.broadcast %add3A_11 : f32 to vector<1000x1xf32>
    %add3A_13 = arith.addf %slice3A_9, %add3A_12 : vector<1000x1xf32>
    %div3A = vector.broadcast %add3A_13 : vector<1000x1xf32> to vector<1000x32xf32>
    %div3A_14 = arith.divf %slice3A_10, %div3A : vector<1000x32xf32>
    %slice3A_15 = vector.extract_strided_slice %add3A {offsets = [0, 129], sizes = [1000, 1], strides = [1, 1]} : vector<1000x144xf32> to vector<1000x1xf32>
    %slice3A_16 = vector.extract_strided_slice %slice3A {offsets = [0, 32], sizes = [1000, 32], strides = [1, 1]} : vector<1000x128xf32> to vector<1000x32xf32>
    %add3A_17 = arith.constant 9.99999971E-10 : f32
    %add3A_18 = vector.broadcast %add3A_17 : f32 to vector<1000x1xf32>
    %add3A_19 = arith.addf %slice3A_15, %add3A_18 : vector<1000x1xf32>
    %div3A_20 = vector.broadcast %add3A_19 : vector<1000x1xf32> to vector<1000x32xf32>
    %div3A_21 = arith.divf %slice3A_16, %div3A_20 : vector<1000x32xf32>
    %slice3A_22 = vector.extract_strided_slice %add3A {offsets = [0, 130], sizes = [1000, 1], strides = [1, 1]} : vector<1000x144xf32> to vector<1000x1xf32>
    %slice3A_23 = vector.extract_strided_slice %slice3A {offsets = [0, 64], sizes = [1000, 32], strides = [1, 1]} : vector<1000x128xf32> to vector<1000x32xf32>
    %add3A_24 = arith.constant 9.99999971E-10 : f32
    %add3A_25 = vector.broadcast %add3A_24 : f32 to vector<1000x1xf32>
    %add3A_26 = arith.addf %slice3A_22, %add3A_25 : vector<1000x1xf32>
    %div3A_27 = vector.broadcast %add3A_26 : vector<1000x1xf32> to vector<1000x32xf32>
    %div3A_28 = arith.divf %slice3A_23, %div3A_27 : vector<1000x32xf32>
    %slice3A_29 = vector.extract_strided_slice %add3A {offsets = [0, 131], sizes = [1000, 1], strides = [1, 1]} : vector<1000x144xf32> to vector<1000x1xf32>
    %slice3A_30 = vector.extract_strided_slice %slice3A {offsets = [0, 96], sizes = [1000, 32], strides = [1, 1]} : vector<1000x128xf32> to vector<1000x32xf32>
    %add3A_31 = arith.constant 9.99999971E-10 : f32
    %add3A_32 = vector.broadcast %add3A_31 : f32 to vector<1000x1xf32>
    %add3A_33 = arith.addf %slice3A_29, %add3A_32 : vector<1000x1xf32>
    %div3A_34 = vector.broadcast %add3A_33 : vector<1000x1xf32> to vector<1000x32xf32>
    %div3A_35 = arith.divf %slice3A_30, %div3A_34 : vector<1000x32xf32>
    %concatenate3A = tpu.concatenate %div3A_14, %div3A_21, %div3A_28, %div3A_35 in 1 : vector<1000x32xf32>, vector<1000x32xf32>, vector<1000x32xf32>, vector<1000x32xf32> -> vector<1000x128xf32>
    %get3A_36 = arith.constant 0 : index
    %get3A_37 = arith.constant 0 : index
    %get3A_38 = arith.constant 0 : index
    %get3A_39 = vector.load %arg4[%get3A_36, %get3A_37, %get3A_38] : memref<2x128x128xf32, #tpu.memory_space<vmem>>, vector<1x128x128xf32>
    %get3A_40 = vector.shape_cast %get3A_39 : vector<1x128x128xf32> to vector<128x128xf32>
    %dot_general3A = arith.constant dense<0.000000e+00> : vector<1000x128xf32>
    %dot_general3A_41 = tpu.matmul %concatenate3A, %get3A_40, %dot_general3A {dimension_numbers = #tpu.dot_dimension_numbers<[1], [0], [0], [1], [0, 0, 1, 1], [], []>, transpose_lhs_hint = false} : vector<1000x128xf32>, vector<128x128xf32>, vector<1000x128xf32> -> vector<1000x128xf32>
    %get3A_42 = arith.constant 1 : index
    %get3A_43 = arith.constant 0 : index
    %get3A_44 = arith.constant 0 : index
    %get3A_45 = vector.load %arg4[%get3A_42, %get3A_43, %get3A_44] : memref<2x128x128xf32, #tpu.memory_space<vmem>>, vector<1x128x128xf32>
    %get3A_46 = vector.shape_cast %get3A_45 : vector<1x128x128xf32> to vector<128x128xf32>
    %dot_general3A_47 = arith.constant dense<0.000000e+00> : vector<1000x128xf32>
    %dot_general3A_48 = tpu.matmul %concatenate3A, %get3A_46, %dot_general3A_47 {dimension_numbers = #tpu.dot_dimension_numbers<[1], [0], [0], [1], [0, 0, 1, 1], [], []>, transpose_lhs_hint = false} : vector<1000x128xf32>, vector<128x128xf32>, vector<1000x128xf32> -> vector<1000x128xf32>
    %get3A_49 = arith.constant 0 : index
    %get3A_50 = arith.constant 0 : index
    %get3A_51 = vector.load %arg3[%get3A_49, %get3A_50] : memref<1000x1xi32, #tpu.memory_space<vmem>>, vector<1000x1xi32>
    %eq3A = arith.constant 0 : i32
    %eq3A_52 = vector.broadcast %eq3A : i32 to vector<1000x1xi32>
    %eq3A_53 = arith.cmpi eq, %get3A_51, %eq3A_52 : vector<1000x1xi32>
    %get3A_54 = arith.constant 0 : index
    %get3A_55 = arith.constant 0 : index
    %get3A_56 = vector.load %arg5[%get3A_54, %get3A_55] : memref<3x2xf32, #tpu.memory_space<vmem>>, vector<1x1xf32>
    %get3A_57 = vector.extract %get3A_56[0, 0] : f32 from vector<1x1xf32>
    %jit3A = arith.constant 0.000000e+00 : f32
    %broadcast_in_dim3A = vector.broadcast %get3A_57 : f32 to vector<1000x1xf32>
    %broadcast_in_dim3A_58 = vector.broadcast %jit3A : f32 to vector<1000x1xf32>
    %select_n3A = arith.select %eq3A_53, %broadcast_in_dim3A, %broadcast_in_dim3A_58 : vector<1000x1xi1>, vector<1000x1xf32>
    %add3A_59 = arith.constant 0.000000e+00 : f32
    %add3A_60 = vector.broadcast %add3A_59 : f32 to vector<1000x1xf32>
    %add3A_61 = arith.addf %add3A_60, %select_n3A : vector<1000x1xf32>
    %eq3A_62 = arith.constant 1 : i32
    %eq3A_63 = vector.broadcast %eq3A_62 : i32 to vector<1000x1xi32>
    %eq3A_64 = arith.cmpi eq, %get3A_51, %eq3A_63 : vector<1000x1xi32>
    %get3A_65 = arith.constant 1 : index
    %get3A_66 = arith.constant 0 : index
    %get3A_67 = vector.load %arg5[%get3A_65, %get3A_66] : memref<3x2xf32, #tpu.memory_space<vmem>>, vector<1x1xf32>
    %get3A_68 = vector.extract %get3A_67[0, 0] : f32 from vector<1x1xf32>
    %jit3A_69 = arith.constant 0.000000e+00 : f32
    %broadcast_in_dim3A_70 = vector.broadcast %get3A_68 : f32 to vector<1000x1xf32>
    %broadcast_in_dim3A_71 = vector.broadcast %jit3A_69 : f32 to vector<1000x1xf32>
    %select_n3A_72 = arith.select %eq3A_64, %broadcast_in_dim3A_70, %broadcast_in_dim3A_71 : vector<1000x1xi1>, vector<1000x1xf32>
    %add3A_73 = arith.addf %add3A_61, %select_n3A_72 : vector<1000x1xf32>
    %eq3A_74 = arith.constant 2 : i32
    %eq3A_75 = vector.broadcast %eq3A_74 : i32 to vector<1000x1xi32>
    %eq3A_76 = arith.cmpi eq, %get3A_51, %eq3A_75 : vector<1000x1xi32>
    %get3A_77 = arith.constant 2 : index
    %get3A_78 = arith.constant 0 : index
    %get3A_79 = vector.load %arg5[%get3A_77, %get3A_78] : memref<3x2xf32, #tpu.memory_space<vmem>>, vector<1x1xf32>
    %get3A_80 = vector.extract %get3A_79[0, 0] : f32 from vector<1x1xf32>
    %jit3A_81 = arith.constant 0.000000e+00 : f32
    %broadcast_in_dim3A_82 = vector.broadcast %get3A_80 : f32 to vector<1000x1xf32>
    %broadcast_in_dim3A_83 = vector.broadcast %jit3A_81 : f32 to vector<1000x1xf32>
    %select_n3A_84 = arith.select %eq3A_76, %broadcast_in_dim3A_82, %broadcast_in_dim3A_83 : vector<1000x1xi1>, vector<1000x1xf32>
    %add3A_85 = arith.addf %add3A_73, %select_n3A_84 : vector<1000x1xf32>
    %eq3A_86 = arith.constant 0 : i32
    %eq3A_87 = vector.broadcast %eq3A_86 : i32 to vector<1000x1xi32>
    %eq3A_88 = arith.cmpi eq, %get3A_51, %eq3A_87 : vector<1000x1xi32>
    %get3A_89 = arith.constant 0 : index
    %get3A_90 = arith.constant 1 : index
    %get3A_91 = vector.load %arg5[%get3A_89, %get3A_90] : memref<3x2xf32, #tpu.memory_space<vmem>>, vector<1x1xf32>
    %get3A_92 = vector.extract %get3A_91[0, 0] : f32 from vector<1x1xf32>
    %jit3A_93 = arith.constant 0.000000e+00 : f32
    %broadcast_in_dim3A_94 = vector.broadcast %get3A_92 : f32 to vector<1000x1xf32>
    %broadcast_in_dim3A_95 = vector.broadcast %jit3A_93 : f32 to vector<1000x1xf32>
    %select_n3A_96 = arith.select %eq3A_88, %broadcast_in_dim3A_94, %broadcast_in_dim3A_95 : vector<1000x1xi1>, vector<1000x1xf32>
    %add3A_97 = arith.constant 0.000000e+00 : f32
    %add3A_98 = vector.broadcast %add3A_97 : f32 to vector<1000x1xf32>
    %add3A_99 = arith.addf %add3A_98, %select_n3A_96 : vector<1000x1xf32>
    %eq3A_100 = arith.constant 1 : i32
    %eq3A_101 = vector.broadcast %eq3A_100 : i32 to vector<1000x1xi32>
    %eq3A_102 = arith.cmpi eq, %get3A_51, %eq3A_101 : vector<1000x1xi32>
    %get3A_103 = arith.constant 1 : index
    %get3A_104 = arith.constant 1 : index
    %get3A_105 = vector.load %arg5[%get3A_103, %get3A_104] : memref<3x2xf32, #tpu.memory_space<vmem>>, vector<1x1xf32>
    %get3A_106 = vector.extract %get3A_105[0, 0] : f32 from vector<1x1xf32>
    %jit3A_107 = arith.constant 0.000000e+00 : f32
    %broadcast_in_dim3A_108 = vector.broadcast %get3A_106 : f32 to vector<1000x1xf32>
    %broadcast_in_dim3A_109 = vector.broadcast %jit3A_107 : f32 to vector<1000x1xf32>
    %select_n3A_110 = arith.select %eq3A_102, %broadcast_in_dim3A_108, %broadcast_in_dim3A_109 : vector<1000x1xi1>, vector<1000x1xf32>
    %add3A_111 = arith.addf %add3A_99, %select_n3A_110 : vector<1000x1xf32>
    %eq3A_112 = arith.constant 2 : i32
    %eq3A_113 = vector.broadcast %eq3A_112 : i32 to vector<1000x1xi32>
    %eq3A_114 = arith.cmpi eq, %get3A_51, %eq3A_113 : vector<1000x1xi32>
    %get3A_115 = arith.constant 2 : index
    %get3A_116 = arith.constant 1 : index
    %get3A_117 = vector.load %arg5[%get3A_115, %get3A_116] : memref<3x2xf32, #tpu.memory_space<vmem>>, vector<1x1xf32>
    %get3A_118 = vector.extract %get3A_117[0, 0] : f32 from vector<1x1xf32>
    %jit3A_119 = arith.constant 0.000000e+00 : f32
    %broadcast_in_dim3A_120 = vector.broadcast %get3A_118 : f32 to vector<1000x1xf32>
    %broadcast_in_dim3A_121 = vector.broadcast %jit3A_119 : f32 to vector<1000x1xf32>
    %select_n3A_122 = arith.select %eq3A_114, %broadcast_in_dim3A_120, %broadcast_in_dim3A_121 : vector<1000x1xi1>, vector<1000x1xf32>
    %add3A_123 = arith.addf %add3A_111, %select_n3A_122 : vector<1000x1xf32>
    %mul3A = vector.broadcast %add3A_85 : vector<1000x1xf32> to vector<1000x128xf32>
    %mul3A_124 = arith.mulf %mul3A, %dot_general3A_41 : vector<1000x128xf32>
    %mul3A_125 = vector.broadcast %add3A_123 : vector<1000x1xf32> to vector<1000x128xf32>
    %mul3A_126 = arith.mulf %mul3A_125, %dot_general3A_48 : vector<1000x128xf32>
    %add3A_127 = arith.addf %mul3A_124, %mul3A_126 : vector<1000x128xf32>
    %get3A_128 = arith.constant 0 : index
    %get3A_129 = arith.constant 0 : index
    %get3A_130 = vector.load %arg2[%get3A_128, %get3A_129] : memref<1000x128xf32, #tpu.memory_space<vmem>>, vector<1000x128xf32>
    %get3A_131 = arith.constant 0 : index
    %get3A_132 = arith.constant 0 : index
    %get3A_133 = vector.load %arg6[%get3A_131, %get3A_132] : memref<128x128xf32, #tpu.memory_space<vmem>>, vector<128x128xf32>
    %dot_general3A_134 = arith.constant dense<0.000000e+00> : vector<1000x128xf32>
    %dot_general3A_135 = tpu.matmul %get3A_130, %get3A_133, %dot_general3A_134 {dimension_numbers = #tpu.dot_dimension_numbers<[1], [0], [0], [1], [0, 0, 1, 1], [], []>, transpose_lhs_hint = false} : vector<1000x128xf32>, vector<128x128xf32>, vector<1000x128xf32> -> vector<1000x128xf32>
    %add3A_136 = arith.addf %add3A_127, %dot_general3A_135 : vector<1000x128xf32>
    %get3A_137 = arith.constant 0 : index
    %get3A_138 = arith.constant 0 : index
    %get3A_139 = vector.load %arg7[%get3A_137, %get3A_138] : memref<1x128xf32, #tpu.memory_space<vmem>>, vector<1x128xf32>
    %add3A_140 = vector.broadcast %get3A_139 : vector<1x128xf32> to vector<1000x128xf32>
    %add3A_141 = arith.addf %add3A_136, %add3A_140 : vector<1000x128xf32>
    %max3A = arith.constant 0.000000e+00 : f32
    %max3A_142 = vector.broadcast %max3A : f32 to vector<1000x128xf32>
    %max3A_143 = arith.maximumf %add3A_141, %max3A_142 : vector<1000x128xf32>
    %swap3A = arith.constant 0 : index
    %swap3A_144 = arith.constant 0 : index
    %swap3A_145 = vector.load %arg8[%swap3A, %swap3A_144] : memref<1000x128xf32, #tpu.memory_space<vmem>>, vector<1000x128xf32>
    tpu.vector_store %arg8[%swap3A, %swap3A_144], %max3A_143 {strides = array<i32>} : memref<1000x128xf32, #tpu.memory_space<vmem>>, vector<1000x128xf32>,
    return
  }
  func.func @transform_0(%arg0: i32) -> (i32, i32, i32) {
    %c0_i32 = arith.constant 0 : i32
    %c0_i32_0 = arith.constant 0 : i32
    %c0_i32_1 = arith.constant 0 : i32
    return %c0_i32, %arg0, %c0_i32_0 : i32, i32, i32
  }
  func.func @transform_1(%arg0: i32) -> (i32, i32) {
    %c0_i32 = arith.constant 0 : i32
    %c0_i32_0 = arith.constant 0 : i32
    return %arg0, %c0_i32 : i32, i32
  }
  func.func @transform_2(%arg0: i32) -> (i32, i32) {
    %c0_i32 = arith.constant 0 : i32
    %c0_i32_0 = arith.constant 0 : i32
    return %arg0, %c0_i32 : i32, i32
  }
  func.func @transform_3(%arg0: i32) -> (i32, i32, i32) {
    %c0_i32 = arith.constant 0 : i32
    %c0_i32_0 = arith.constant 0 : i32
    %c0_i32_1 = arith.constant 0 : i32
    %c0_i32_2 = arith.constant 0 : i32
    return %c0_i32, %c0_i32_0, %c0_i32_1 : i32, i32, i32
  }
  func.func @transform_4(%arg0: i32) -> (i32, i32) {
    %c0_i32 = arith.constant 0 : i32
    %c0_i32_0 = arith.constant 0 : i32
    %c0_i32_1 = arith.constant 0 : i32
    return %c0_i32, %c0_i32_0 : i32, i32
  }
  func.func @transform_5(%arg0: i32) -> (i32, i32) {
    %c0_i32 = arith.constant 0 : i32
    %c0_i32_0 = arith.constant 0 : i32
    %c0_i32_1 = arith.constant 0 : i32
    return %c0_i32, %c0_i32_0 : i32, i32
  }
  func.func @transform_6(%arg0: i32) -> (i32, i32) {
    %c0_i32 = arith.constant 0 : i32
    %c0_i32_0 = arith.constant 0 : i32
    %c0_i32_1 = arith.constant 0 : i32
    return %c0_i32, %c0_i32_0 : i32, i32
  }
  func.func @transform_7(%arg0: i32) -> (i32, i32) {
    %c0_i32 = arith.constant 0 : i32
    %c0_i32_0 = arith.constant 0 : i32
    return %arg0, %c0_i32 : i32, i32
  }
}

</mosaic_0001>

<sc_bundles>
// kernel: kernel.10.cloned.1.call-start
scs
__scs_entry_jumppad:
0x0: {  	(pc) =	sbr.rel $0x88, $3  }
0x1: {  	(tag) =	ssettag $0x0;
	lr =	simm.s32 $0x1  }
0x2: {  	[smem:$0x3F90] =	sst lr;
	_ =	strace $0xD0000000  }
0x3: {  	_ = 	snop  }
0x4: {  	_ = 	snop  }
0x5: {  	_ = 	snop  }
0x6: {  	_ = 	snop  }
0x7: {  	_ = 	snop  }
__scs_overlays_trampoline_lowered:
0x8: {  	[smem:$0x3F9F] =	sst s0  }
0x9: {  	[smem:$0x3FA0] =	sst s1  }
0xa: {  	[smem:$0x3FA1] =	sst s2  }
0xb: {  	[smem:$0x3FA2] =	sst s3  }
0xc: {  	[smem:$0x3FA3] =	sst s4  }
0xd: {  	[smem:$0x3FA4] =	sst s5  }
0xe: {  	[smem:$0x3FA5] =	sst s6  }
0xf: {  	[smem:$0x3FA6] =	sst s7  }
0x10: {  	[smem:$0x3FA7] =	sst s8  }
0x11: {  	[smem:$0x3FA8] =	sst s9;
	s0 =	simm.s32 @!p0 $0x0  }
0x12: {  	s1 =	sld [smem:$0x3F8E];
	s0 =	simm.s32 @p0 $0x1  }
0x13: {  	[smem:$0x3FA9] =	sst s0;
	s0 =	simm.s32 @!p1 $0x0  }
0x14: {  	s2 =	sld [smem:$0x3F8D];
	s0 =	simm.s32 @p1 $0x1  }
0x15: {  	[smem:$0x3FAA] =	sst s0;
	s0 =	simm.s32 @!p2 $0x0  }
0x16: {  	s3 =	sld [smem:$0x3FDB];
	s0 =	simm.s32 @p2 $0x1  }
0x17: {  	s4 =	simm.s32 $0x1BF5;
	[smem:$0x3FAC] =	sst s0  }
0x18: {  	s0 =	sld [smem:$0x3F8F];
	_ =	swait.ge [sflag:s4], $0x0  }
0x19: {  	s7 =	sld [smem:$0x3F90]  }
0x1a: {  	s8 =	sadd.s32 $0xFFFFE003, lr  }
0x1b: {  	s9 =	sadd.s32 $0xFFFFFEF7, lr;
	s5 =	simm.s32 $0xFFFFFFFF;
	p2 =	slt.u32 s8, $0xFFFFF086  }
0x1c: {  	p1 =	slt.u32 s9, $0xF7A;
	s5 =	simm.s32 @!p2 $0x0  }
0x1d: {  	s5 =	simm.s32 @p1 $0x1;
	p0 =	seq.s32 s7, s2  }
0x1e: {  	s7 =	smul.u32 @!p0 $0xF7A, s2;
	p2 =	seq.s32 @!p0 s5, $0x0  }
0x1f: {  	s9 =	smul.u32 $0xF7A, s1;
	s8 =	simm.s32 @!p0 $0x1BF5;
	p2 =	por !p2, p0  }
0x20: {  	[sflag:s8] =	ssyncset.s32 @!p0 $0xFFFFF086;
	s6 =	sadd.s32 @!p0 s3, s7;
	s7 =	simm.s32 @!p0 $0x108  }
0x21: {  	s3 =	sadd.s32 s3, s9;
	s6 =	sadd.s32 @!p0 $0x88, s6;
	s7 =	simm.s32 @p2 $0x1082  }
0x22: {  	[simem:s7], [sflag:s8] =	dma.local @!p0 [hbm:s6], $0xF7A  }
0x23: {  	s9 =	sor.u32 $0xD0000000, s2;
	s6 =	simm.s32 $0x108;
	_ =	swait.ge @!p0 [sflag:s8], $0x0  }
0x24: {  	s3 =	sadd.s32 $0x88, s3;
	s6 =	simm.s32 @!p1 $0x1082;
	[sflag:s4] =	ssyncset.s32 $0xFFFFF086  }
0x25: {  	[simem:s6], [sflag:s4] =	dma.local [hbm:s3], $0xF7A  }
0x26: {  	[smem:$0x3F90] =	sst s1;
	(tag) =	ssettag s2;
	_ =	strace s9  }
0x27: {  	s1 =	sld [smem:$0x3FA0]  }
0x28: {  	s2 =	sld [smem:$0x3FA1]  }
0x29: {  	s4 =	sld [smem:$0x3FA3]  }
0x2a: {  	p0 =	seq.s32 s5, $0x0;
	s5 =	sld [smem:$0x3FA4]  }
0x2b: {  	s6 =	sld [smem:$0x3FA5]  }
0x2c: {  	s7 =	sld [smem:$0x3FA6]  }
0x2d: {  	s3 =	simm.s32 $0x108;
	s8 =	sld [smem:$0x3FA7]  }
0x2e: {  	s3 =	simm.s32 @!p0 $0x1082;
	s9 =	sld [smem:$0x3FA8]  }
0x2f: {  	lr =	sadd.s32 s0, s3;
	s0 =	sld [smem:$0x3F9F]  }
0x30: {  	s3 =	sld [smem:$0x3FA2]  }
0x31: {  	[smem:$0x3FAB] =	sst s10  }
0x32: {  	s10 =	sld [smem:$0x3FA9];
	_ =	sdelay $0x3  }
0x33: {  	p0 =	seq.s32 s10, $0x1;
	s10 =	sld [smem:$0x3FAB];
	_ =	sdelay $0x3  }
0x34: {  	[smem:$0x3FAB] =	sst s10  }
0x35: {  	s10 =	sld [smem:$0x3FAA];
	_ =	sdelay $0x3  }
0x36: {  	p1 =	seq.s32 s10, $0x1;
	s10 =	sld [smem:$0x3FAB];
	_ =	sdelay $0x3  }
0x37: {  	[smem:$0x3FAB] =	sst s10  }
0x38: {  	s10 =	sld [smem:$0x3FAC]  }
0x39: {  	_ = 	snop;
	(pc) =	sbr.ind lr, $3  }
0x3a: {  	_ = 	snop  }
0x3b: {  	_ = 	snop  }
0x3c: {  	p2 =	seq.s32 s10, $0x1;
	s10 =	sld [smem:$0x3FAB]  }
0x3d: {  	_ =	shalt  }
0x3e: {  	_ =	shalt  }
0x3f: {  	_ =	shalt  }
0x40: {  	_ =	shalt  }
0x41: {  	_ =	shalt  }
0x42: {  	_ =	shalt  }
0x43: {  	_ =	shalt  }
0x44: {  	_ =	shalt  }
0x45: {  	_ =	shalt  }
0x46: {  	_ =	shalt  }
0x47: {  	_ =	shalt  }
0x48: {  	_ =	shalt  }
0x49: {  	_ =	shalt  }
0x4a: {  	_ =	shalt  }
0x4b: {  	_ =	shalt  }
0x4c: {  	_ =	shalt  }
0x4d: {  	_ =	shalt  }
0x4e: {  	_ =	shalt  }
0x4f: {  	_ =	shalt  }
0x50: {  	_ =	shalt  }
0x51: {  	_ =	shalt  }
0x52: {  	_ =	shalt  }
0x53: {  	_ =	shalt  }
0x54: {  	_ =	shalt  }
0x55: {  	_ =	shalt  }
0x56: {  	_ =	shalt  }
0x57: {  	_ =	shalt  }
0x58: {  	_ =	shalt  }
0x59: {  	_ =	shalt  }
0x5a: {  	_ =	shalt  }
0x5b: {  	_ =	shalt  }
0x5c: {  	_ =	shalt  }
0x5d: {  	_ =	shalt  }
0x5e: {  	_ =	shalt  }
0x5f: {  	_ =	shalt  }
0x60: {  	_ =	shalt  }
0x61: {  	_ =	shalt  }
0x62: {  	_ =	shalt  }
0x63: {  	_ =	shalt  }
0x64: {  	_ =	shalt  }
0x65: {  	_ =	shalt  }
0x66: {  	_ =	shalt  }
0x67: {  	_ =	shalt  }
0x68: {  	_ =	shalt  }
0x69: {  	_ =	shalt  }
0x6a: {  	_ =	shalt  }
0x6b: {  	_ =	shalt  }
0x6c: {  	_ =	shalt  }
0x6d: {  	_ =	shalt  }
0x6e: {  	_ =	shalt  }
0x6f: {  	_ =	shalt  }
0x70: {  	_ =	shalt  }
0x71: {  	_ =	shalt  }
0x72: {  	_ =	shalt  }
0x73: {  	_ =	shalt  }
0x74: {  	_ =	shalt  }
0x75: {  	_ =	shalt  }
0x76: {  	_ =	shalt  }
0x77: {  	_ =	shalt  }
0x78: {  	_ =	shalt  }
0x79: {  	_ =	shalt  }
0x7a: {  	_ =	shalt  }
0x7b: {  	_ =	shalt  }
0x7c: {  	_ =	shalt  }
0x7d: {  	_ =	shalt  }
0x7e: {  	_ =	shalt  }
0x7f: {  	_ =	shalt  }
0x80: {  	_ =	shalt  }
0x81: {  	_ =	shalt  }
0x82: {  	_ =	shalt  }
0x83: {  	_ =	shalt  }
0x84: {  	_ =	shalt  }
0x85: {  	_ =	shalt  }
0x86: {  	_ =	shalt  }
0x87: {  	_ =	shalt  }
.Lfunc_end0:
.L_simem_size_0:
called_computation.1_lowered:
.L_overlay_start_0:
0x88: {  	s2 =	sld [smem:$0x3FD9]  }
0x89: {  	s3 =	sld [smem:$0x3FFE];
	_ =	sdelay $0x1  }
0x8a: {  	s1 =	srdreg.scid  }
0x8b: {  	s0 =	sand.u32 $0x1, s1  }
0x8c: {  	s17 =	sshll.u32 s0, $0xA;
	s2 =	sadd.s32 s3, s2  }
0x8d: {  	s2 =	sadd.s32 s2, s17  }
0x8e: {  	[smem:$0x3FB7] =	sst s2  }
0x8f: {  	_ = 	snop  }
0x90: {  	s2 =	sld [smem:$0x3FD0];
	(tm) =	ssettm $0x1  }
0x91: {  	s18 =	sld [smem:$0x3FFB];
	_ =	sdelay $0x3  }
0x92: {  	_ =	strace s18  }
0x93: {  	s3 =	sld [smem:$0x3FFC];
	_ =	sdelay $0x3  }
0x94: {  	_ =	strace s3  }
0x95: {  	s3 =	sld [smem:$0x3FFD];
	_ =	sdelay $0x3  }
0x96: {  	_ =	strace s3  }
0x97: {  	_ =	strace $0x8FFFFFFF  }
0x98: {  	s19 =	sld [smem:$0x3FDB];
	_ =	sdelay $0x1  }
0x99: {  	s4 =	simm.s32 $_scs_section_size  }
0x9a: {  	s5 =	simm.s32 $_size__tile_overlayer_lowered;
	s6 =	simm.s32 $_tile_overlayer_lowered  }
0x9b: {  	s22 =	simm.s32 $0x1BFF;
	s21 =	sshll.u32 s6, $0x1;
	s3 =	sadd.s32 s4, s19  }
0x9c: {  	s7 =	simm.s32 $0x0;
	s20 =	sshll.u32 s5, $0x1;
	s5 =	sadd.s32 s21, s3  }
0x9d: {  	[timem:s7], [sflag:s22] =	dma.local [hbm:s5], s20  }
0x9e: {  	_ =	swait.ge [sflag:s22], s20  }
0x9f: {  	s4 =	ssub.s32 $0x0, s20;
	[sflag:s22] =	ssyncset.done $0x0  }
0xa0: {  	[sflag:s22] =	ssyncadd.s32 s4;
	_ =	sdelay $0x1  }
0xa1: {  	s23 =	simm.s32 $0x1B8B  }
0xa2: {  	_ =	swait.ge [sflag:s23], $0x1  }
0xa3: {  	[sflag:s23] =	ssyncset.done $0x0  }
0xa4: {  	s25 =	simm.s32 $0x1B8E;
	s24 =	sld [smem:$0x3FFE];
	[sflag:s23] =	ssyncadd.s32 $0xFFFFFFFF  }
0xa5: {  	s26 =	simm.s32 $execute0_lowered;
	[smem:$0x3FD2] =	sst s25  }
0xa6: {  	s5 =	sshll.u32 s26, $0x1;
	_ =	strace $0x80000049;
	[dreg:$0x1] =	wrdreg $0xFFFFFFFF  }
0xa7: {  	s28 =	simm.s32 $_size_execute0_lowered;
	s3 =	sadd.s32 s3, s5;
	[dreg:$0x0] =	wrdreg $0x0  }
0xa8: {  	s5 =	sshll.u32 s28, $0x1;
	[dreg:$0x2] =	wrdreg s3  }
0xa9: {  	[dreg:$0x3] =	wrdreg s5  }
0xaa: {  	[dreg:$0x4] =	wrdreg $0xC0  }
0xab: {  	_ =	task [dreg:s7], $0x5FFFF  }
0xac: {  	[dreg:$0x1] =	wrdreg $0xFFFFFFFF  }
0xad: {  	[dreg:$0x0] =	wrdreg $0x60  }
0xae: {  	[dreg:$0x2] =	wrdreg s24  }
0xaf: {  	[dreg:$0x3] =	wrdreg s2  }
0xb0: {  	[dreg:$0x4] =	wrdreg $0x91000  }
0xb1: {  	[dreg:$0x5] =	wrdreg $0x9  }
0xb2: {  	_ =	task.clear_ibuf [dreg:s7], $0x6FFFF;
	_ =	strace $0x90000049  }
0xb3: {  	s29 =	simm.s32 $0x9;
	_ =	strace $0x8000004B  }
0xb4: {  	_ =	swait.ge [sflag:s29], $0x1  }
0xb5: {  	[sflag:s29] =	ssyncadd.s32 $0xFFFFFFFF  }
0xb6: {  	_ =	strace $0x9000004B  }
0xb7: {  	_ =	sfence  }
0xb8: {  	s30 =	sld [smem:$0x0];
	_ =	sdelay $0x2  }
0xb9: {  	s31 =	sshll.u32 s1, $0xD;
	s1 =	sshrl.u32 s1, $0x2  }
0xba: {  	s3 =	sand.u32 $0x4000, s31;
	s1 =	sadd.s32 s1, s30  }
0xbb: {  	s0 =	sor.u32 s3, s0;
	s1 =	sshll.u32 s1, $0x11  }
0xbc: {  	s0 =	sor.u32 s1, s0  }
0xbd: {  	s0 =	sadd.s32 $0x8F2B, s0  }
0xbe: {  	[sflag:s0] =	ssyncadd.remote.s32 $0x1  }
0xbf: {  	_ =	sfence.sel $0xFFFF  }
0xc0: {  	[dreg:$0x0] =	wrdreg $0xFFFFFFFF;
	(pc) =	sbr.abs _section_cstart, $3  }
0xc1: {  	[dreg:$0x1] =	wrdreg $0xFFFFFFFF  }
0xc2: {  	_ =	task.clear_ibuf [dreg:s7], $0x2FFFF;
	_ =	strace $0x9FFFFFFF  }
0xc3: {  	(tm) =	ssettm $0x7FFFFFFF  }
tec
execute0_lowered:
.L_overlay_start_1:
0x0: {  	(tag) =	ssettag $0x1  }
0x1: {  	s0 =	rddreg [dreg:$0x0]  }
0x2: {  	s1 =	rddreg [dreg:$0x1]  }
0x3: {  	s2 =	rddreg [dreg:$0x2];
	s4 =	simm.s32 $0x0;
	s17 =	stileid.u32  }
0x4: {  	s3 =	srdreg.scid;
	s5 =	sadd.s32 $0x3F600, s0;
	s6 =	smul.u32 $0x280, s17  }
0x5: {  	s7 =	sadd.s32 $0x35600, s0;
	s10 =	sadd.s32 $0x5DF600, s0;
	s0 =	smul.u32 $0x16800, s17  }
0x6: {  	s30 =	simm.s32 $0x5;
	s3 =	sand.u32 $0x1, s3;
	s26 =	smul.u32 $0x2800, s17  }
0x7: {  	s31 =	simm.s32 $0x100;
	[smem:$0x7FF] =	sst s4;
	s9 =	smul.u32 $0x168000, s3  }
0x8: {  	s8 =	sshll.u32 s3, $0x4;
	s11 =	ssub.s32 $0x2, s3;
	s25 =	smul.u32 $0x2D0000, s3  }
0x9: {  	s3 =	smul.u32 $0x28000, s3;
	s8 =	sor.u32 s17, s8;
	s6 =	sadd.s32 $0x80, s6  }
0xa: {  	s13 =	sshrl.u32 s11, $0x1;
	s19 =	sadd.s32 $0x9000, s0;
	s12 =	smul.u32 $0x2800, s8  }
0xb: {  	s14 =	sadd.s32 s9, s0;
	s18 =	smul.u32 $0x90, s6;
	s11 =	ssub.s32 s11, s13  }
0xc: {  	s8 =	smul.u32 $0x2D000, s8;
	s15 =	sadd.s32 s9, s19;
	s3 =	sadd.s32 s26, s3  }
0xd: {  	s6 =	smul.u32 $0x240, s6;
	s20 =	sshrl.u32 s14, $0x3;
	s23 =	sshrl.u32 s15, $0x3  }
0xe: {  	s15 =	smul.u32 $0x2D000, s17;
	s26 =	smax.u32 s11, $0x1;
	s13 =	sadd.s32 s10, s20  }
0xf: {  	s21 =	sadd.s32 s9, s18;
	s22 =	sadd.s32 $0x2780, s12;
	s20 =	sadd.s32 $0xD800, s0  }
0x10: {  	s8 =	sadd.s32 s5, s8;
	s12 =	sshrl.u32 s12, $0x3;
	[dreg:$0x4] =	wrdreg s13  }
0x11: {  	s13 =	sshrl.u32 s21, $0x3;
	s16 =	smul.u32 $0x12, s22;
	s21 =	sadd.s32 $0x12000, s0  }
0x12: {  	s24 =	sadd.s32 s9, s20;
	[dreg:$0x9] =	wrdreg s8;
	s8 =	sadd.s32 s7, s12  }
0x13: {  	s22 =	sshrl.u32 s22, $0x3;
	s0 =	sadd.s32 s0, s2;
	s12 =	sadd.s32 s18, s2  }
0x14: {  	s13 =	sadd.s32 s10, s13;
	s9 =	sadd.s32 s9, s21;
	[dreg:$0xb] =	wrdreg s8  }
0x15: {  	s8 =	sadd.s32 s7, s22;
	s29 =	sadd.s32 s21, s2;
	[dreg:$0x5] =	wrdreg s13  }
0x16: {  	s13 =	sadd.s32 s10, s23;
	s9 =	sshrl.u32 s9, $0x3;
	s23 =	sor.u32 $0x100, s3  }
0x17: {  	[dreg:$0xc] =	wrdreg s8;
	s3 =	sor.u32 $0x80, s3;
	s29 =	sshrl.u32 s29, $0x3  }
0x18: {  	[dreg:$0x6] =	wrdreg s13;
	s13 =	sshrl.u32 s24, $0x3;
	s9 =	sadd.s32 s10, s9  }
0x19: {  	s24 =	sshrl.u32 s23, $0x3;
	s3 =	sshrl.u32 s3, $0x3;
	s13 =	sadd.s32 s10, s13  }
0x1a: {  	[dreg:$0x8] =	wrdreg s9;
	s14 =	sadd.s32 s24, s7;
	s24 =	sshrl.u32 s0, $0x3  }
0x1b: {  	s0 =	simm.s32 $0x4900;
	[dreg:$0x7] =	wrdreg s13;
	s13 =	sadd.s32 s5, s16  }
0x1c: {  	s5 =	sadd.s32 s25, s5;
	s16 =	sshll.u32 s17, $0x6;
	s25 =	smul.u32 $0x5A000, s17  }
0x1d: {  	s17 =	sadd.s32 s20, s2;
	[dreg:$0xa] =	wrdreg s13;
	s5 =	sadd.s32 s15, s5  }
0x1e: {  	s15 =	sadd.s32 s3, s7;
	s16 =	sor.u32 $0x1C05, s16;
	s7 =	sshrl.u32 s6, $0x2  }
0x1f: {  	s13 =	sadd.s32 s19, s2;
	s28 =	sshrl.u32 s17, $0x3;
	_ =	strace $0x8000004A  }
0x20: {  	[dreg:$0xd] =	wrdreg s26;
	s9 =	sshrl.u32 s25, $0x2;
	s3 =	sadd.s32 s7, s2  }
0x21: {  	s10 =	sadd.s32 $0x24000, s25;
	s11 =	sadd.s32 $0x36000, s25;
	s8 =	sadd.s32 $0x48000, s25  }
0x22: {  	s18 =	sadd.s32 $0x1200, s5;
	s25 =	sshrl.u32 s12, $0x3;
	s26 =	sshrl.u32 s13, $0x3  }
0x23: {  	s5 =	simm.s32 $0x1;
	s6 =	sadd.s32 s9, s2;
	s7 =	sshrl.u32 s10, $0x2  }
0x24: {  	s9 =	sshrl.u32 s11, $0x2;
	s8 =	sshrl.u32 s8, $0x2;
	s20 =	sshrl.u32 s3, $0x3  }
0x25: {  	s3 =	simm.s32 $0x80;
	s7 =	sadd.s32 s7, s2;
	s9 =	sadd.s32 s9, s2  }
0x26: {  	s8 =	sadd.s32 s8, s2;
	s19 =	sshrl.u32 s6, $0x3;
	s6 =	simm.s32 $0x3  }
0x27: {  	s21 =	sshrl.u32 s7, $0x3;
	s22 =	sshrl.u32 s9, $0x3;
	s23 =	sshrl.u32 s8, $0x3  }
0x28: {  	s7 =	simm.s32 $0x2;
	s8 =	simm.s32 $0x4;
	s9 =	simm.s32 $0x0  }
.LBB2_1:
0x29: {  	[spmem:s19], [sflag:s16] =	dma.local [hbm:s1], $0x900  }
0x2a: {  	_ =	swait.ge [sflag:s30], $0x900  }
0x2b: {  	[sflag:s30] =	ssyncset.done $0x0  }
0x2c: {  	[sflag:s30] =	ssyncadd.s32 $0xFFFFF700  }
0x2d: {  	[spmem:s20], [sflag:s16] =	dma.local [hbm:s1], $0x900  }
0x2e: {  	_ =	swait.ge [sflag:s30], $0x900  }
0x2f: {  	[sflag:s30] =	ssyncset.done $0x0  }
0x30: {  	[sflag:s30] =	ssyncadd.s32 $0xFFFFF700  }
0x31: {  	[spmem:s21], [sflag:s16] =	dma.local [hbm:s1], $0x900  }
0x32: {  	_ =	swait.ge [sflag:s30], $0x900  }
0x33: {  	[sflag:s30] =	ssyncset.done $0x0  }
0x34: {  	[sflag:s30] =	ssyncadd.s32 $0xFFFFF700  }
0x35: {  	[spmem:s22], [sflag:s16] =	dma.local [hbm:s1], $0x900  }
0x36: {  	_ =	swait.ge [sflag:s30], $0x900  }
0x37: {  	[sflag:s30] =	ssyncset.done $0x0  }
0x38: {  	[sflag:s30] =	ssyncadd.s32 $0xFFFFF700  }
0x39: {  	[spmem:s23], [sflag:s16] =	dma.local [hbm:s1], $0x900  }
0x3a: {  	_ =	swait.ge [sflag:s30], $0x900  }
0x3b: {  	[sflag:s30] =	ssyncset.done $0x0  }
0x3c: {  	[sflag:s30] =	ssyncadd.s32 $0xFFFFF700  }
0x3d: {  	[bflag:$0x0] =	sbarrier.arrive $0xFFFF  }
0x3e: {  	s10 =	rddreg [dreg:$0x9]  }
0x3f: {  	[tilespmem:s31], [sflag:$0x1] =	stream.linear.gather [hbm4b:s10+s4], $0x4800, $0x38;
	[tilespmem:$0x1F900] =	vst v63  }
0x40: {  	s11 =	rddreg [dreg:$0xb]  }
0x41: {  	[tilespmem:s4], [sflag:$0x3] =	stream.linear.gather [hbm4b:s11+s4], $0x80, $0x38;
	[tilespmem:$0x1F900] =	vst v63  }
0x42: {  	s12 =	sadd.s32 $0xFFFFF700, s18  }
0x43: {  	[tilespmem:s0], [sflag:$0x2] =	stream.linear.gather [hbm4b:s12+s4], $0x4800, $0x38;
	[tilespmem:$0x1F900] =	vst v63  }
0x44: {  	s13 =	sadd.s32 $0x0, s15  }
0x45: {  	[tilespmem:s3], [sflag:$0x4] =	stream.linear.gather [hbm4b:s13+s4], $0x80, $0x38;
	[tilespmem:$0x1F900] =	vst v63  }
0x46: {  	_ =	swait.ge [sflag:s5], $0x4800  }
0x47: {  	[sflag:s5] =	ssyncset.done $0x0  }
0x48: {  	[sflag:s5] =	ssyncadd.s32 $0xFFFFB800  }
0x49: {  	_ =	swait.ge [sflag:s6], $0x80  }
0x4a: {  	[sflag:s6] =	ssyncset.done $0x0  }
0x4b: {  	[sflag:s6] =	ssyncadd.s32 $0xFFFFFF80  }
0x4c: {  	[spmem:s2] =	stream.indirect.scatter.add.f32 [tilespmem:s31], [sflag:$0x5], $0x90, s4, s3, $0xb8;
	[tilespmem:$0x1F900] =	vst v63  }
0x4d: {  	_ =	swait.ge [sflag:s30], $0x4800  }
0x4e: {  	[sflag:s30] =	ssyncset.done $0x0  }
0x4f: {  	[sflag:s30] =	ssyncadd.s32 $0xFFFFB800  }
0x50: {  	[tilespmem:s31], [sflag:$0x1] =	stream.linear.gather [hbm4b:s18+s4], $0x4800, $0x38;
	[tilespmem:$0x1F900] =	vst v63  }
0x51: {  	s17 =	sadd.s32 $0x0, s14  }
0x52: {  	[tilespmem:s4], [sflag:$0x3] =	stream.linear.gather [hbm4b:s17+s4], $0x80, $0x38;
	[tilespmem:$0x1F900] =	vst v63  }
0x53: {  	_ =	swait.ge [sflag:s7], $0x4800  }
0x54: {  	[sflag:s7] =	ssyncset.done $0x0  }
0x55: {  	[sflag:s7] =	ssyncadd.s32 $0xFFFFB800  }
0x56: {  	_ =	swait.ge [sflag:s8], $0x80  }
0x57: {  	[sflag:s8] =	ssyncset.done $0x0  }
0x58: {  	[sflag:s8] =	ssyncadd.s32 $0xFFFFFF80  }
0x59: {  	[spmem:s2] =	stream.indirect.scatter.add.f32 [tilespmem:s0], [sflag:$0x5], $0x90, s3, s3, $0xb8;
	[tilespmem:$0x1F900] =	vst v63  }
0x5a: {  	s10 =	simm.s32 $0x20;
	_ =	swait.ge [sflag:s30], $0x4800  }
0x5b: {  	s11 =	sadd.s32 $0x1200, s18;
	s12 =	simm.s32 $0x40;
	[sflag:s30] =	ssyncset.done $0x0  }
.LBB2_2:
0x5c: {  	p0 =	sne.s32 s12, $0x4C0;
	s13 =	sadd.s32 $0xFFFFF700, s11;
	[sflag:s30] =	ssyncadd.s32 $0xFFFFB800  }
0x5d: {  	[tilespmem:s0], [sflag:$0x2] =	stream.linear.gather [hbm4b:s13+s4], $0x4800, $0x38;
	[tilespmem:$0x1F900] =	vst v63  }
0x5e: {  	s17 =	smov.u32 s12;
	s12 =	sadd.s32 $0x20, s12;
	s13 =	sadd.s32 s10, s15  }
0x5f: {  	[tilespmem:s3], [sflag:$0x4] =	stream.linear.gather [hbm4b:s13+s4], $0x80, $0x38;
	[tilespmem:$0x1F900] =	vst v63  }
0x60: {  	_ =	swait.ge [sflag:s5], $0x4800  }
0x61: {  	[sflag:s5] =	ssyncset.done $0x0  }
0x62: {  	[sflag:s5] =	ssyncadd.s32 $0xFFFFB800  }
0x63: {  	_ =	swait.ge [sflag:s6], $0x80  }
0x64: {  	[sflag:s6] =	ssyncset.done $0x0  }
0x65: {  	[sflag:s6] =	ssyncadd.s32 $0xFFFFFF80  }
0x66: {  	[spmem:s2] =	stream.indirect.scatter.add.f32 [tilespmem:s31], [sflag:$0x5], $0x90, s4, s3, $0xb8;
	[tilespmem:$0x1F900] =	vst v63  }
0x67: {  	_ =	swait.ge [sflag:s30], $0x4800  }
0x68: {  	[sflag:s30] =	ssyncset.done $0x0  }
0x69: {  	[sflag:s30] =	ssyncadd.s32 $0xFFFFB800  }
0x6a: {  	[tilespmem:s31], [sflag:$0x1] =	stream.linear.gather [hbm4b:s11+s4], $0x4800, $0x38;
	[tilespmem:$0x1F900] =	vst v63  }
0x6b: {  	s13 =	sadd.s32 s10, s14;
	s10 =	smov.u32 s17  }
0x6c: {  	[tilespmem:s4], [sflag:$0x3] =	stream.linear.gather [hbm4b:s13+s4], $0x80, $0x38;
	[tilespmem:$0x1F900] =	vst v63  }
0x6d: {  	_ =	swait.ge [sflag:s7], $0x4800  }
0x6e: {  	[sflag:s7] =	ssyncset.done $0x0  }
0x6f: {  	[sflag:s7] =	ssyncadd.s32 $0xFFFFB800  }
0x70: {  	_ =	swait.ge [sflag:s8], $0x80  }
.Ltmp0:
0x71: {  	[sflag:s8] =	ssyncset.done $0x0;
	(pc) =	sbr.rel @p0 .LBB2_2-.Ltmp0, $4  }
0x72: {  	[sflag:s8] =	ssyncadd.s32 $0xFFFFFF80  }
0x73: {  	[spmem:s2] =	stream.indirect.scatter.add.f32 [tilespmem:s0], [sflag:$0x5], $0x90, s3, s3, $0xb8;
	[tilespmem:$0x1F900] =	vst v63  }
0x74: {  	_ =	swait.ge [sflag:s30], $0x4800  }
0x75: {  	s11 =	sadd.s32 $0x1200, s11;
	[sflag:s30] =	ssyncset.done $0x0  }
0x76: {  	s12 =	sadd.s32 $0xFFFFF700, s11;
	[sflag:s30] =	ssyncadd.s32 $0xFFFFB800  }
0x77: {  	[tilespmem:s0], [sflag:$0x2] =	stream.linear.gather [hbm4b:s12+s4], $0x4800, $0x38;
	[tilespmem:$0x1F900] =	vst v63  }
0x78: {  	s13 =	sadd.s32 s10, s15  }
0x79: {  	[tilespmem:s3], [sflag:$0x4] =	stream.linear.gather [hbm4b:s13+s4], $0x80, $0x38;
	[tilespmem:$0x1F900] =	vst v63  }
0x7a: {  	_ =	swait.ge [sflag:s5], $0x4800  }
0x7b: {  	[sflag:s5] =	ssyncset.done $0x0  }
0x7c: {  	[sflag:s5] =	ssyncadd.s32 $0xFFFFB800  }
0x7d: {  	_ =	swait.ge [sflag:s6], $0x80  }
0x7e: {  	[sflag:s6] =	ssyncset.done $0x0  }
0x7f: {  	[sflag:s6] =	ssyncadd.s32 $0xFFFFFF80  }
0x80: {  	[spmem:s2] =	stream.indirect.scatter.add.f32 [tilespmem:s31], [sflag:$0x5], $0x90, s4, s3, $0xb8;
	[tilespmem:$0x1F900] =	vst v63  }
0x81: {  	_ =	swait.ge [sflag:s30], $0x4800  }
0x82: {  	[sflag:s30] =	ssyncset.done $0x0  }
0x83: {  	[sflag:s30] =	ssyncadd.s32 $0xFFFFB800  }
0x84: {  	[tilespmem:s31], [sflag:$0x1] =	stream.linear.gather [hbm4b:s11+s4], $0x4800, $0x38;
	[tilespmem:$0x1F900] =	vst v63  }
0x85: {  	s17 =	sadd.s32 s10, s14  }
0x86: {  	[tilespmem:s4], [sflag:$0x3] =	stream.linear.gather [hbm4b:s17+s4], $0x80, $0x38;
	[tilespmem:$0x1F900] =	vst v63  }
0x87: {  	_ =	swait.ge [sflag:s7], $0x4800  }
0x88: {  	[sflag:s7] =	ssyncset.done $0x0  }
0x89: {  	[sflag:s7] =	ssyncadd.s32 $0xFFFFB800  }
0x8a: {  	_ =	swait.ge [sflag:s8], $0x80  }
0x8b: {  	[sflag:s8] =	ssyncset.done $0x0  }
0x8c: {  	[sflag:s8] =	ssyncadd.s32 $0xFFFFFF80  }
0x8d: {  	[spmem:s2] =	stream.indirect.scatter.add.f32 [tilespmem:s0], [sflag:$0x5], $0x90, s3, s3, $0xb8;
	[tilespmem:$0x1F900] =	vst v63  }
0x8e: {  	_ =	swait.ge [sflag:s30], $0x4800  }
0x8f: {  	[sflag:s30] =	ssyncset.done $0x0  }
0x90: {  	s11 =	rddreg [dreg:$0xa];
	[sflag:s30] =	ssyncadd.s32 $0xFFFFB800  }
0x91: {  	[tilespmem:s0], [sflag:$0x2] =	stream.linear.gather [hbm4b:s11+s4], $0x4800, $0x38;
	[tilespmem:$0x1F900] =	vst v63  }
0x92: {  	s12 =	rddreg [dreg:$0xc]  }
0x93: {  	[tilespmem:s3], [sflag:$0x4] =	stream.linear.gather [hbm4b:s12+s4], $0x80, $0x38;
	[tilespmem:$0x1F900] =	vst v63  }
0x94: {  	_ =	swait.ge [sflag:s5], $0x4800  }
0x95: {  	[sflag:s5] =	ssyncset.done $0x0  }
0x96: {  	[sflag:s5] =	ssyncadd.s32 $0xFFFFB800  }
0x97: {  	_ =	swait.ge [sflag:s6], $0x80  }
0x98: {  	[sflag:s6] =	ssyncset.done $0x0  }
0x99: {  	[sflag:s6] =	ssyncadd.s32 $0xFFFFFF80  }
0x9a: {  	[spmem:s2] =	stream.indirect.scatter.add.f32 [tilespmem:s31], [sflag:$0x5], $0x90, s4, s3, $0xb8;
	[tilespmem:$0x1F900] =	vst v63  }
0x9b: {  	_ =	swait.ge [sflag:s30], $0x4800  }
0x9c: {  	[sflag:s30] =	ssyncset.done $0x0  }
0x9d: {  	[sflag:s30] =	ssyncadd.s32 $0xFFFFB800  }
0x9e: {  	_ =	swait.ge [sflag:s7], $0x4800  }
0x9f: {  	[sflag:s7] =	ssyncset.done $0x0  }
0xa0: {  	[sflag:s7] =	ssyncadd.s32 $0xFFFFB800  }
0xa1: {  	_ =	swait.ge [sflag:s8], $0x80  }
0xa2: {  	[sflag:s8] =	ssyncset.done $0x0  }
0xa3: {  	[sflag:s8] =	ssyncadd.s32 $0xFFFFFF80  }
0xa4: {  	[spmem:s2] =	stream.indirect.scatter.add.f32 [tilespmem:s0], [sflag:$0x5], $0x90, s3, s3, $0xb8;
	[tilespmem:$0x1F900] =	vst v63  }
0xa5: {  	_ =	swait.ge [sflag:s30], $0x4800  }
0xa6: {  	[sflag:s30] =	ssyncset.done $0x0  }
0xa7: {  	[sflag:s30] =	ssyncadd.s32 $0xFFFFB800  }
0xa8: {  	[bflag:$0x0] =	sbarrier.arrive $0xFFFF  }
0xa9: {  	s13 =	rddreg [dreg:$0x4]  }
0xaa: {  	[hbm:s13], [sflag:s16] =	dma.local [spmem:s24], $0x900  }
0xab: {  	_ =	swait.ge [sflag:s30], $0x900  }
0xac: {  	[sflag:s30] =	ssyncset.done $0x0  }
0xad: {  	s17 =	rddreg [dreg:$0x5];
	[sflag:s30] =	ssyncadd.s32 $0xFFFFF700  }
0xae: {  	[hbm:s17], [sflag:s16] =	dma.local [spmem:s25], $0x900  }
0xaf: {  	_ =	swait.ge [sflag:s30], $0x900  }
0xb0: {  	[sflag:s30] =	ssyncset.done $0x0  }
0xb1: {  	s11 =	rddreg [dreg:$0x6];
	[sflag:s30] =	ssyncadd.s32 $0xFFFFF700  }
0xb2: {  	[hbm:s11], [sflag:s16] =	dma.local [spmem:s26], $0x900  }
0xb3: {  	_ =	swait.ge [sflag:s30], $0x900  }
0xb4: {  	[sflag:s30] =	ssyncset.done $0x0  }
0xb5: {  	s12 =	rddreg [dreg:$0x7];
	[sflag:s30] =	ssyncadd.s32 $0xFFFFF700  }
0xb6: {  	[hbm:s12], [sflag:s16] =	dma.local [spmem:s28], $0x900  }
0xb7: {  	_ =	swait.ge [sflag:s30], $0x900  }
0xb8: {  	[sflag:s30] =	ssyncset.done $0x0  }
0xb9: {  	s13 =	rddreg [dreg:$0x8];
	[sflag:s30] =	ssyncadd.s32 $0xFFFFF700  }
0xba: {  	[hbm:s13], [sflag:s16] =	dma.local [spmem:s29], $0x900  }
0xbb: {  	_ =	swait.ge [sflag:s30], $0x900  }
0xbc: {  	s9 =	sadd.s32 $0x1, s9;
	s17 =	rddreg [dreg:$0xd]  }
0xbd: {  	p0 =	sne.s32 s9, s17  }
.Ltmp1:
0xbe: {  	_ = 	snop;
	(pc) =	sbr.rel @p0 .LBB2_1-.Ltmp1, $3  }
0xbf: {  	_ =	sdelay $0x1  }
0xc0: {  	[sflag:s30] =	ssyncset.done $0x0  }
0xc1: {  	[sflag:s30] =	ssyncadd.s32 $0xFFFFF700  }
0xc2: {  	_ =	sfence.sel $0x180000  }
0xc3: {  	[bflag:$0x0] =	sbarrier.arrive $0xFFFF  }
0xc4: {  	_ =	strace $0x9000004A  }
0xc5: {  	s0 =	stileid.u32;
	[bflag:$0x2] =	sbarrier.arrive $0xFFFF  }
0xc6: {  	p0 =	sne.s32 s0, $0x0;
	s0 =	rddreg [dreg:$0x3]  }
0xc7: {  	s0 =	sadd.s32 @!p0 $0x100000, s0  }
0xc8: {  	[sflag:s0] =	ssyncadd.tile.s32 @!p0 $0x1;
	_ =	shalt  }
.Lfunc_end2:
_tile_overlayer_lowered:
.L_overlay_start_2:
0xc9: {  	(tag) =	ssettag $0x2  }
0xca: {  	s0 =	rddreg [dreg:$0x0];
	s2 =	stileid.u32  }
0xcb: {  	s1 =	rddreg [dreg:$0x1];
	p0 =	sne.s32 s2, $0x0  }
0xcc: {  	s3 =	rddreg [dreg:$0x2];
	[bflag:$0x3] =	sbarrier.arrive $0xFFFF;
	s2 =	simm.s32 @!p0 $0x1C05  }
0xcd: {  	[timem:s3], [sflag:s2] =	dma.local @!p0 [hbm:s0], s1  }
0xce: {  	s0 =	simm.s32 @!p0 $0x5  }
0xcf: {  	_ =	swait.ge @!p0 [sflag:s0], s1  }
0xd0: {  	s1 =	ssub.s32 @!p0 $0x0, s1;
	[sflag:s0] =	ssyncset.done @!p0 $0x0  }
0xd1: {  	[sflag:s0] =	ssyncadd.s32 @!p0 s1  }
0xd2: {  	[bflag:$0x3] =	sbarrier.arrive $0xFFFF  }
0xd3: {  	_ =	shalt  }

// kernel: kernel.7.cloned.1.call-start
scs
__scs_entry_jumppad:
0x0: {  	(pc) =	sbr.rel $0x88, $3  }
0x1: {  	(tag) =	ssettag $0x0;
	lr =	simm.s32 $0x1  }
0x2: {  	[smem:$0x3F90] =	sst lr;
	_ =	strace $0xD0000000  }
0x3: {  	_ = 	snop  }
0x4: {  	_ = 	snop  }
0x5: {  	_ = 	snop  }
0x6: {  	_ = 	snop  }
0x7: {  	_ = 	snop  }
__scs_overlays_trampoline_lowered:
0x8: {  	[smem:$0x3F9F] =	sst s0  }
0x9: {  	[smem:$0x3FA0] =	sst s1  }
0xa: {  	[smem:$0x3FA1] =	sst s2  }
0xb: {  	[smem:$0x3FA2] =	sst s3  }
0xc: {  	[smem:$0x3FA3] =	sst s4  }
0xd: {  	[smem:$0x3FA4] =	sst s5  }
0xe: {  	[smem:$0x3FA5] =	sst s6  }
0xf: {  	[smem:$0x3FA6] =	sst s7  }
0x10: {  	[smem:$0x3FA7] =	sst s8  }
0x11: {  	[smem:$0x3FA8] =	sst s9;
	s0 =	simm.s32 @!p0 $0x0  }
0x12: {  	s1 =	sld [smem:$0x3F8E];
	s0 =	simm.s32 @p0 $0x1  }
0x13: {  	[smem:$0x3FA9] =	sst s0;
	s0 =	simm.s32 @!p1 $0x0  }
0x14: {  	s2 =	sld [smem:$0x3F8D];
	s0 =	simm.s32 @p1 $0x1  }
0x15: {  	[smem:$0x3FAA] =	sst s0;
	s0 =	simm.s32 @!p2 $0x0  }
0x16: {  	s3 =	sld [smem:$0x3FDB];
	s0 =	simm.s32 @p2 $0x1  }
0x17: {  	s4 =	simm.s32 $0x1BF5;
	[smem:$0x3FAC] =	sst s0  }
0x18: {  	s0 =	sld [smem:$0x3F8F];
	_ =	swait.ge [sflag:s4], $0x0  }
0x19: {  	s7 =	sld [smem:$0x3F90]  }
0x1a: {  	s8 =	sadd.s32 $0xFFFFE003, lr  }
0x1b: {  	s9 =	sadd.s32 $0xFFFFFEF7, lr;
	s5 =	simm.s32 $0xFFFFFFFF;
	p2 =	slt.u32 s8, $0xFFFFF086  }
0x1c: {  	p1 =	slt.u32 s9, $0xF7A;
	s5 =	simm.s32 @!p2 $0x0  }
0x1d: {  	s5 =	simm.s32 @p1 $0x1;
	p0 =	seq.s32 s7, s2  }
0x1e: {  	s7 =	smul.u32 @!p0 $0xF7A, s2;
	p2 =	seq.s32 @!p0 s5, $0x0  }
0x1f: {  	s9 =	smul.u32 $0xF7A, s1;
	s8 =	simm.s32 @!p0 $0x1BF5;
	p2 =	por !p2, p0  }
0x20: {  	[sflag:s8] =	ssyncset.s32 @!p0 $0xFFFFF086;
	s6 =	sadd.s32 @!p0 s3, s7;
	s7 =	simm.s32 @!p0 $0x108  }
0x21: {  	s3 =	sadd.s32 s3, s9;
	s6 =	sadd.s32 @!p0 $0x88, s6;
	s7 =	simm.s32 @p2 $0x1082  }
0x22: {  	[simem:s7], [sflag:s8] =	dma.local @!p0 [hbm:s6], $0xF7A  }
0x23: {  	s9 =	sor.u32 $0xD0000000, s2;
	s6 =	simm.s32 $0x108;
	_ =	swait.ge @!p0 [sflag:s8], $0x0  }
0x24: {  	s3 =	sadd.s32 $0x88, s3;
	s6 =	simm.s32 @!p1 $0x1082;
	[sflag:s4] =	ssyncset.s32 $0xFFFFF086  }
0x25: {  	[simem:s6], [sflag:s4] =	dma.local [hbm:s3], $0xF7A  }
0x26: {  	[smem:$0x3F90] =	sst s1;
	(tag) =	ssettag s2;
	_ =	strace s9  }
0x27: {  	s1 =	sld [smem:$0x3FA0]  }
0x28: {  	s2 =	sld [smem:$0x3FA1]  }
0x29: {  	s4 =	sld [smem:$0x3FA3]  }
0x2a: {  	p0 =	seq.s32 s5, $0x0;
	s5 =	sld [smem:$0x3FA4]  }
0x2b: {  	s6 =	sld [smem:$0x3FA5]  }
0x2c: {  	s7 =	sld [smem:$0x3FA6]  }
0x2d: {  	s3 =	simm.s32 $0x108;
	s8 =	sld [smem:$0x3FA7]  }
0x2e: {  	s3 =	simm.s32 @!p0 $0x1082;
	s9 =	sld [smem:$0x3FA8]  }
0x2f: {  	lr =	sadd.s32 s0, s3;
	s0 =	sld [smem:$0x3F9F]  }
0x30: {  	s3 =	sld [smem:$0x3FA2]  }
0x31: {  	[smem:$0x3FAB] =	sst s10  }
0x32: {  	s10 =	sld [smem:$0x3FA9];
	_ =	sdelay $0x3  }
0x33: {  	p0 =	seq.s32 s10, $0x1;
	s10 =	sld [smem:$0x3FAB];
	_ =	sdelay $0x3  }
0x34: {  	[smem:$0x3FAB] =	sst s10  }
0x35: {  	s10 =	sld [smem:$0x3FAA];
	_ =	sdelay $0x3  }
0x36: {  	p1 =	seq.s32 s10, $0x1;
	s10 =	sld [smem:$0x3FAB];
	_ =	sdelay $0x3  }
0x37: {  	[smem:$0x3FAB] =	sst s10  }
0x38: {  	s10 =	sld [smem:$0x3FAC]  }
0x39: {  	_ = 	snop;
	(pc) =	sbr.ind lr, $3  }
0x3a: {  	_ = 	snop  }
0x3b: {  	_ = 	snop  }
0x3c: {  	p2 =	seq.s32 s10, $0x1;
	s10 =	sld [smem:$0x3FAB]  }
0x3d: {  	_ =	shalt  }
0x3e: {  	_ =	shalt  }
0x3f: {  	_ =	shalt  }
0x40: {  	_ =	shalt  }
0x41: {  	_ =	shalt  }
0x42: {  	_ =	shalt  }
0x43: {  	_ =	shalt  }
0x44: {  	_ =	shalt  }
0x45: {  	_ =	shalt  }
0x46: {  	_ =	shalt  }
0x47: {  	_ =	shalt  }
0x48: {  	_ =	shalt  }
0x49: {  	_ =	shalt  }
0x4a: {  	_ =	shalt  }
0x4b: {  	_ =	shalt  }
0x4c: {  	_ =	shalt  }
0x4d: {  	_ =	shalt  }
0x4e: {  	_ =	shalt  }
0x4f: {  	_ =	shalt  }
0x50: {  	_ =	shalt  }
0x51: {  	_ =	shalt  }
0x52: {  	_ =	shalt  }
0x53: {  	_ =	shalt  }
0x54: {  	_ =	shalt  }
0x55: {  	_ =	shalt  }
0x56: {  	_ =	shalt  }
0x57: {  	_ =	shalt  }
0x58: {  	_ =	shalt  }
0x59: {  	_ =	shalt  }
0x5a: {  	_ =	shalt  }
0x5b: {  	_ =	shalt  }
0x5c: {  	_ =	shalt  }
0x5d: {  	_ =	shalt  }
0x5e: {  	_ =	shalt  }
0x5f: {  	_ =	shalt  }
0x60: {  	_ =	shalt  }
0x61: {  	_ =	shalt  }
0x62: {  	_ =	shalt  }
0x63: {  	_ =	shalt  }
0x64: {  	_ =	shalt  }
0x65: {  	_ =	shalt  }
0x66: {  	_ =	shalt  }
0x67: {  	_ =	shalt  }
0x68: {  	_ =	shalt  }
0x69: {  	_ =	shalt  }
0x6a: {  	_ =	shalt  }
0x6b: {  	_ =	shalt  }
0x6c: {  	_ =	shalt  }
0x6d: {  	_ =	shalt  }
0x6e: {  	_ =	shalt  }
0x6f: {  	_ =	shalt  }
0x70: {  	_ =	shalt  }
0x71: {  	_ =	shalt  }
0x72: {  	_ =	shalt  }
0x73: {  	_ =	shalt  }
0x74: {  	_ =	shalt  }
0x75: {  	_ =	shalt  }
0x76: {  	_ =	shalt  }
0x77: {  	_ =	shalt  }
0x78: {  	_ =	shalt  }
0x79: {  	_ =	shalt  }
0x7a: {  	_ =	shalt  }
0x7b: {  	_ =	shalt  }
0x7c: {  	_ =	shalt  }
0x7d: {  	_ =	shalt  }
0x7e: {  	_ =	shalt  }
0x7f: {  	_ =	shalt  }
0x80: {  	_ =	shalt  }
0x81: {  	_ =	shalt  }
0x82: {  	_ =	shalt  }
0x83: {  	_ =	shalt  }
0x84: {  	_ =	shalt  }
0x85: {  	_ =	shalt  }
0x86: {  	_ =	shalt  }
0x87: {  	_ =	shalt  }
.Lfunc_end0:
.L_simem_size_0:
called_computation_lowered:
.L_overlay_start_0:
0x88: {  	s2 =	sld [smem:$0x3FD9]  }
0x89: {  	s3 =	sld [smem:$0x3FFE];
	_ =	sdelay $0x1  }
0x8a: {  	s1 =	srdreg.scid  }
0x8b: {  	s0 =	sand.u32 $0x1, s1  }
0x8c: {  	s17 =	sshll.u32 s0, $0xA;
	s2 =	sadd.s32 s3, s2  }
0x8d: {  	s2 =	sadd.s32 s2, s17  }
0x8e: {  	[smem:$0x3FB7] =	sst s2  }
0x8f: {  	_ = 	snop  }
0x90: {  	s2 =	sld [smem:$0x3FD0];
	(tm) =	ssettm $0x1  }
0x91: {  	s18 =	sld [smem:$0x3FFB];
	_ =	sdelay $0x3  }
0x92: {  	_ =	strace s18  }
0x93: {  	s3 =	sld [smem:$0x3FFC];
	_ =	sdelay $0x3  }
0x94: {  	_ =	strace s3  }
0x95: {  	s3 =	sld [smem:$0x3FFD];
	_ =	sdelay $0x3  }
0x96: {  	_ =	strace s3  }
0x97: {  	_ =	strace $0x8FFFFFFF  }
0x98: {  	s19 =	sld [smem:$0x3FDB];
	_ =	sdelay $0x1  }
0x99: {  	s4 =	simm.s32 $_scs_section_size  }
0x9a: {  	s5 =	simm.s32 $_size__tile_overlayer_lowered;
	s6 =	simm.s32 $_tile_overlayer_lowered  }
0x9b: {  	s22 =	simm.s32 $0x1BFF;
	s21 =	sshll.u32 s6, $0x1;
	s3 =	sadd.s32 s4, s19  }
0x9c: {  	s7 =	simm.s32 $0x0;
	s20 =	sshll.u32 s5, $0x1;
	s5 =	sadd.s32 s21, s3  }
0x9d: {  	[timem:s7], [sflag:s22] =	dma.local [hbm:s5], s20  }
0x9e: {  	_ =	swait.ge [sflag:s22], s20  }
0x9f: {  	s4 =	ssub.s32 $0x0, s20;
	[sflag:s22] =	ssyncset.done $0x0  }
0xa0: {  	[sflag:s22] =	ssyncadd.s32 s4;
	_ =	sdelay $0x1  }
0xa1: {  	s23 =	simm.s32 $0x1B8B  }
0xa2: {  	_ =	swait.ge [sflag:s23], $0x1  }
0xa3: {  	[sflag:s23] =	ssyncset.done $0x0  }
0xa4: {  	s25 =	simm.s32 $0x1B8E;
	s24 =	sld [smem:$0x3FFE];
	[sflag:s23] =	ssyncadd.s32 $0xFFFFFFFF  }
0xa5: {  	s26 =	simm.s32 $execute0_lowered;
	[smem:$0x3FD2] =	sst s25  }
0xa6: {  	s5 =	sshll.u32 s26, $0x1;
	_ =	strace $0x80000046;
	[dreg:$0x1] =	wrdreg $0xFFFFFFFF  }
0xa7: {  	s28 =	simm.s32 $_size_execute0_lowered;
	s3 =	sadd.s32 s3, s5;
	[dreg:$0x0] =	wrdreg $0x0  }
0xa8: {  	s5 =	sshll.u32 s28, $0x1;
	[dreg:$0x2] =	wrdreg s3  }
0xa9: {  	[dreg:$0x3] =	wrdreg s5  }
0xaa: {  	[dreg:$0x4] =	wrdreg $0xC0  }
0xab: {  	_ =	task [dreg:s7], $0x5FFFF  }
0xac: {  	[dreg:$0x1] =	wrdreg $0xFFFFFFFF  }
0xad: {  	[dreg:$0x0] =	wrdreg $0x60  }
0xae: {  	[dreg:$0x2] =	wrdreg s24  }
0xaf: {  	[dreg:$0x3] =	wrdreg s2  }
0xb0: {  	[dreg:$0x4] =	wrdreg $0x9  }
0xb1: {  	_ =	task.clear_ibuf [dreg:s7], $0x5FFFF;
	_ =	strace $0x90000046  }
0xb2: {  	s29 =	simm.s32 $0x9;
	_ =	strace $0x80000048  }
0xb3: {  	_ =	swait.ge [sflag:s29], $0x1  }
0xb4: {  	[sflag:s29] =	ssyncadd.s32 $0xFFFFFFFF  }
0xb5: {  	_ =	strace $0x90000048  }
0xb6: {  	_ =	sfence  }
0xb7: {  	s30 =	sld [smem:$0x0];
	_ =	sdelay $0x2  }
0xb8: {  	s31 =	sshll.u32 s1, $0xD;
	s1 =	sshrl.u32 s1, $0x2  }
0xb9: {  	s3 =	sand.u32 $0x4000, s31;
	s1 =	sadd.s32 s1, s30  }
0xba: {  	s0 =	sor.u32 s3, s0;
	s1 =	sshll.u32 s1, $0x11  }
0xbb: {  	s0 =	sor.u32 s1, s0  }
0xbc: {  	s0 =	sadd.s32 $0x8F2B, s0  }
0xbd: {  	[sflag:s0] =	ssyncadd.remote.s32 $0x1  }
0xbe: {  	_ =	sfence.sel $0xFFFF  }
0xbf: {  	[dreg:$0x0] =	wrdreg $0xFFFFFFFF;
	(pc) =	sbr.abs _section_cstart, $3  }
0xc0: {  	[dreg:$0x1] =	wrdreg $0xFFFFFFFF  }
0xc1: {  	_ =	task.clear_ibuf [dreg:s7], $0x2FFFF;
	_ =	strace $0x9FFFFFFF  }
0xc2: {  	(tm) =	ssettm $0x7FFFFFFF  }
0xc3: {  	_ =	shalt  }
tec
execute0_lowered:
.L_overlay_start_1:
0x0: {  	(tag) =	ssettag $0x1  }
0x1: {  	s0 =	srdreg.scid;
	s1 =	rddreg [dreg:$0x0]  }
0x2: {  	s11 =	stileid.u32;
	s2 =	rddreg [dreg:$0x1]  }
0x3: {  	s28 =	simm.s32 $0x1;
	s29 =	simm.s32 $0x3;
	s19 =	smul.u32 $0x140000, s11  }
0x4: {  	s30 =	simm.s32 $0x5;
	s0 =	sand.u32 $0x1, s0;
	s23 =	smul.u32 $0x28000, s11  }
0x5: {  	s31 =	simm.s32 $0x7;
	s3 =	sshll.u32 s0, $0x4;
	s17 =	smul.u32 $0x1400000, s0  }
0x6: {  	s8 =	ssub.s32 $0x2, s0;
	s0 =	smul.u32 $0x280000, s0;
	s5 =	sor.u32 s11, s3  }
0x7: {  	s4 =	sadd.s32 $0x49600, s1;
	s7 =	sadd.s32 $0x10CC00, s1;
	s6 =	smul.u32 $0x2800, s5  }
0x8: {  	s3 =	simm.s32 $0x0;
	s9 =	sshrl.u32 s8, $0x1;
	s10 =	smul.u32 $0x140000, s5  }
0x9: {  	[smem:$0x7FF] =	sst s3;
	s8 =	ssub.s32 s8, s9;
	s5 =	smul.u32 $0x28000, s5  }
0xa: {  	s21 =	sadd.s32 s19, s17;
	s25 =	sadd.s32 s0, s7;
	s19 =	simm.s32 $0x9  }
0xb: {  	_ =	strace $0x80000047;
	s13 =	smax.u32 s8, $0x1;
	s26 =	sadd.s32 s23, s25  }
0xc: {  	s25 =	simm.s32 $0x2;
	s6 =	sshrl.u32 s6, $0x3;
	[dreg:$0x6] =	wrdreg s13  }
0xd: {  	s14 =	sshrl.u32 s10, $0x3;
	s18 =	sor.u32 $0x800, s5;
	s5 =	sadd.s32 $0x27800, s5  }
0xe: {  	s17 =	sadd.s32 $0x1800, s26;
	s6 =	sadd.s32 s6, s1;
	s15 =	sadd.s32 s7, s14  }
0xf: {  	s26 =	simm.s32 $0x11000;
	s12 =	sadd.s32 $0x3F600, s6;
	[dreg:$0x7] =	wrdreg s15  }
0x10: {  	s1 =	sadd.s32 $0x60CC00, s1;
	s6 =	sadd.s32 $0x2B600, s6;
	[dreg:$0x4] =	wrdreg s12  }
0x11: {  	s16 =	sadd.s32 s1, s14;
	s9 =	sadd.s32 s1, s18;
	[dreg:$0x5] =	wrdreg s6  }
0x12: {  	s15 =	sadd.s32 s1, s5;
	s0 =	sadd.s32 s0, s1;
	[dreg:$0x8] =	wrdreg s16  }
0x13: {  	s6 =	sadd.s32 $0x27000, s14;
	s12 =	sadd.s32 s7, s18;
	[dreg:$0xa] =	wrdreg s9  }
0x14: {  	s14 =	sadd.s32 s7, s5;
	s0 =	sadd.s32 s23, s0;
	s23 =	simm.s32 $0xD000  }
0x15: {  	s5 =	simm.s32 $0x8;
	[dreg:$0x9] =	wrdreg s12;
	s20 =	sadd.s32 s7, s6  }
0x16: {  	s13 =	sadd.s32 s1, s6;
	s6 =	sor.u32 $0x8000, s21;
	s18 =	sadd.s32 $0x1800, s0  }
0x17: {  	s21 =	simm.s32 $0x80;
	s0 =	simm.s32 $0x6;
	[dreg:$0xb] =	wrdreg s20  }
0x18: {  	s22 =	sshrl.u32 s6, $0x3;
	s20 =	simm.s32 $0x2800;
	s6 =	simm.s32 $0x0  }
0x19: {  	s24 =	sadd.s32 s22, s1;
	s16 =	sadd.s32 s22, s7;
	s22 =	simm.s32 $0x5000  }
0x1a: {  	s1 =	simm.s32 $0x4;
	[dreg:$0x3] =	wrdreg s24;
	s24 =	simm.s32 $0x9000  }
.LBB2_1:
0x1b: {  	s7 =	rddreg [dreg:$0x4]  }
0x1c: {  	[tilespmem:s3], [sflag:$0x9] =	stream.linear.gather [hbm4b:s7+s3], $0x2800, $0x38;
	[tilespmem:$0x15000] =	vst v63  }
0x1d: {  	_ =	swait.ge [sflag:s19], $0x2800  }
0x1e: {  	[sflag:s19] =	ssyncset.done $0x0  }
0x1f: {  	s9 =	rddreg [dreg:$0x5];
	[sflag:s19] =	ssyncadd.s32 $0xFFFFD800  }
0x20: {  	[tilespmem:s20], [sflag:$0x9] =	stream.linear.gather [hbm4b:s9+s3], $0x2800, $0x38;
	[tilespmem:$0x15000] =	vst v63  }
0x21: {  	_ =	swait.ge [sflag:s19], $0x2800  }
0x22: {  	[sflag:s19] =	ssyncset.done $0x0  }
0x23: {  	[sflag:s19] =	ssyncadd.s32 $0xFFFFD800  }
0x24: {  	[tilespmem:s22], [sflag:$0x1] =	stream.indirect.gather [hbm4b:s4+s21], $0x80, s3, s21, $0xb8;
	[tilespmem:$0x15000] =	vst v63  }
0x25: {  	_ = 	snop  }
0x26: {  	[tilespmem:s23], [sflag:$0x3] =	stream.indirect.gather [hbm4b:s2+s21], $0x80, s20, s21, $0xb8;
	[tilespmem:$0x15000] =	vst v63  }
0x27: {  	_ = 	snop  }
0x28: {  	[tilespmem:s24], [sflag:$0x2] =	stream.indirect.gather [hbm4b:s4+s21], $0x80, s21, s21, $0xb8;
	[tilespmem:$0x15000] =	vst v63  }
0x29: {  	s10 =	simm.s32 $0x2880  }
0x2a: {  	[tilespmem:s26], [sflag:$0x4] =	stream.indirect.gather [hbm4b:s2+s21], $0x80, s10, s21, $0xb8;
	[tilespmem:$0x15000] =	vst v63  }
0x2b: {  	_ =	swait.ge [sflag:s28], $0x4000  }
0x2c: {  	[sflag:s28] =	ssyncset.done $0x0  }
0x2d: {  	[sflag:s28] =	ssyncadd.s32 $0xFFFFC000  }
0x2e: {  	_ =	swait.ge [sflag:s29], $0x4000  }
0x2f: {  	[sflag:s29] =	ssyncset.done $0x0  }
0x30: {  	s11 =	rddreg [dreg:$0x7];
	[sflag:s29] =	ssyncadd.s32 $0xFFFFC000  }
0x31: {  	[hbm4b:s11+s3] =	stream.linear.scatter [tilespmem:s22], [sflag:$0x5], $0x4000, $0x38;
	[tilespmem:$0x15000] =	vst v63  }
0x32: {  	s12 =	rddreg [dreg:$0x8]  }
0x33: {  	[hbm4b:s12+s3] =	stream.linear.scatter [tilespmem:s23], [sflag:$0x7], $0x4000, $0x38;
	[tilespmem:$0x15000] =	vst v63  }
0x34: {  	_ =	swait.ge [sflag:s30], $0x4000  }
0x35: {  	[sflag:s30] =	ssyncset.done $0x0  }
0x36: {  	[sflag:s30] =	ssyncadd.s32 $0xFFFFC000  }
0x37: {  	_ =	swait.ge [sflag:s31], $0x4000  }
0x38: {  	[sflag:s31] =	ssyncset.done $0x0  }
0x39: {  	s8 =	simm.s32 $0x100;
	[sflag:s31] =	ssyncadd.s32 $0xFFFFC000  }
0x3a: {  	[tilespmem:s22], [sflag:$0x1] =	stream.indirect.gather [hbm4b:s4+s21], $0x80, s8, s21, $0xb8;
	[tilespmem:$0x15000] =	vst v63  }
0x3b: {  	s9 =	simm.s32 $0x2900  }
0x3c: {  	[tilespmem:s23], [sflag:$0x3] =	stream.indirect.gather [hbm4b:s2+s21], $0x80, s9, s21, $0xb8;
	[tilespmem:$0x15000] =	vst v63  }
0x3d: {  	_ =	swait.ge [sflag:s25], $0x4000  }
0x3e: {  	[sflag:s25] =	ssyncset.done $0x0  }
0x3f: {  	[sflag:s25] =	ssyncadd.s32 $0xFFFFC000  }
0x40: {  	_ =	swait.ge [sflag:s1], $0x4000  }
0x41: {  	[sflag:s1] =	ssyncset.done $0x0  }
0x42: {  	s10 =	rddreg [dreg:$0x9];
	[sflag:s1] =	ssyncadd.s32 $0xFFFFC000  }
0x43: {  	[hbm4b:s10+s3] =	stream.linear.scatter [tilespmem:s24], [sflag:$0x6], $0x4000, $0x38;
	[tilespmem:$0x15000] =	vst v63  }
0x44: {  	s11 =	rddreg [dreg:$0xa]  }
0x45: {  	[hbm4b:s11+s3] =	stream.linear.scatter [tilespmem:s26], [sflag:$0x8], $0x4000, $0x38;
	[tilespmem:$0x15000] =	vst v63  }
0x46: {  	_ =	swait.ge [sflag:s0], $0x4000  }
0x47: {  	[sflag:s0] =	ssyncset.done $0x0  }
0x48: {  	[sflag:s0] =	ssyncadd.s32 $0xFFFFC000  }
0x49: {  	_ =	swait.ge [sflag:s5], $0x4000  }
0x4a: {  	[sflag:s5] =	ssyncset.done $0x0  }
0x4b: {  	s12 =	simm.s32 $0x180;
	[sflag:s5] =	ssyncadd.s32 $0xFFFFC000  }
0x4c: {  	[tilespmem:s24], [sflag:$0x2] =	stream.indirect.gather [hbm4b:s4+s21], $0x80, s12, s21, $0xb8;
	[tilespmem:$0x15000] =	vst v63  }
0x4d: {  	s8 =	simm.s32 $0x2980  }
0x4e: {  	[tilespmem:s26], [sflag:$0x4] =	stream.indirect.gather [hbm4b:s2+s21], $0x80, s8, s21, $0xb8;
	[tilespmem:$0x15000] =	vst v63  }
0x4f: {  	_ =	swait.ge [sflag:s28], $0x4000  }
0x50: {  	[sflag:s28] =	ssyncset.done $0x0  }
0x51: {  	[sflag:s28] =	ssyncadd.s32 $0xFFFFC000  }
0x52: {  	_ =	swait.ge [sflag:s29], $0x4000  }
0x53: {  	[sflag:s29] =	ssyncset.done $0x0  }
0x54: {  	s8 =	sadd.s32 $0x0, s16;
	s9 =	rddreg [dreg:$0x3];
	[sflag:s29] =	ssyncadd.s32 $0xFFFFC000  }
0x55: {  	[hbm4b:s8+s3] =	stream.linear.scatter [tilespmem:s22], [sflag:$0x5], $0x4000, $0x38;
	[tilespmem:$0x15000] =	vst v63  }
0x56: {  	s7 =	sadd.s32 $0x0, s9  }
0x57: {  	[hbm4b:s7+s3] =	stream.linear.scatter [tilespmem:s23], [sflag:$0x7], $0x4000, $0x38;
	[tilespmem:$0x15000] =	vst v63  }
0x58: {  	_ =	swait.ge [sflag:s30], $0x4000  }
0x59: {  	[sflag:s30] =	ssyncset.done $0x0  }
0x5a: {  	[sflag:s30] =	ssyncadd.s32 $0xFFFFC000  }
0x5b: {  	_ =	swait.ge [sflag:s31], $0x4000  }
0x5c: {  	[sflag:s31] =	ssyncset.done $0x0  }
0x5d: {  	s10 =	simm.s32 $0x200;
	[sflag:s31] =	ssyncadd.s32 $0xFFFFC000  }
0x5e: {  	[tilespmem:s22], [sflag:$0x1] =	stream.indirect.gather [hbm4b:s4+s21], $0x80, s10, s21, $0xb8;
	[tilespmem:$0x15000] =	vst v63  }
0x5f: {  	s11 =	simm.s32 $0x2A00  }
0x60: {  	[tilespmem:s23], [sflag:$0x3] =	stream.indirect.gather [hbm4b:s2+s21], $0x80, s11, s21, $0xb8;
	[tilespmem:$0x15000] =	vst v63  }
0x61: {  	_ =	swait.ge [sflag:s25], $0x4000  }
0x62: {  	[sflag:s25] =	ssyncset.done $0x0  }
0x63: {  	[sflag:s25] =	ssyncadd.s32 $0xFFFFC000  }
0x64: {  	s12 =	sadd.s32 $0x0, s17;
	_ =	swait.ge [sflag:s1], $0x4000  }
0x65: {  	s9 =	simm.s32 $0x280;
	s8 =	simm.s32 $0x2A80;
	[sflag:s1] =	ssyncset.done $0x0  }
0x66: {  	s7 =	simm.s32 $0x1000;
	s10 =	sadd.s32 $0x0, s18;
	[sflag:s1] =	ssyncadd.s32 $0xFFFFC000  }
0x67: {  	[hbm4b:s12+s3] =	stream.linear.scatter [tilespmem:s24], [sflag:$0x6], $0x4000, $0x38;
	[tilespmem:$0x15000] =	vst v63  }
.LBB2_2:
0x68: {  	[hbm4b:s10+s3] =	stream.linear.scatter [tilespmem:s26], [sflag:$0x8], $0x4000, $0x38;
	[tilespmem:$0x15000] =	vst v63  }
0x69: {  	_ =	swait.ge [sflag:s0], $0x4000  }
0x6a: {  	[sflag:s0] =	ssyncset.done $0x0  }
0x6b: {  	[sflag:s0] =	ssyncadd.s32 $0xFFFFC000  }
0x6c: {  	_ =	swait.ge [sflag:s5], $0x4000  }
0x6d: {  	[sflag:s5] =	ssyncset.done $0x0  }
0x6e: {  	[sflag:s5] =	ssyncadd.s32 $0xFFFFC000  }
0x6f: {  	[tilespmem:s24], [sflag:$0x2] =	stream.indirect.gather [hbm4b:s4+s21], $0x80, s9, s21, $0xb8;
	[tilespmem:$0x15000] =	vst v63  }
0x70: {  	_ = 	snop  }
0x71: {  	[tilespmem:s26], [sflag:$0x4] =	stream.indirect.gather [hbm4b:s2+s21], $0x80, s8, s21, $0xb8;
	[tilespmem:$0x15000] =	vst v63  }
0x72: {  	_ =	swait.ge [sflag:s28], $0x4000  }
0x73: {  	[sflag:s28] =	ssyncset.done $0x0  }
0x74: {  	[sflag:s28] =	ssyncadd.s32 $0xFFFFC000  }
0x75: {  	_ =	swait.ge [sflag:s29], $0x4000  }
0x76: {  	s10 =	smov.u32 s7;
	[sflag:s29] =	ssyncset.done $0x0  }
0x77: {  	s12 =	sadd.s32 s10, s16;
	s11 =	rddreg [dreg:$0x3];
	[sflag:s29] =	ssyncadd.s32 $0xFFFFC000  }
0x78: {  	[hbm4b:s12+s3] =	stream.linear.scatter [tilespmem:s22], [sflag:$0x5], $0x4000, $0x38;
	[tilespmem:$0x15000] =	vst v63  }
0x79: {  	s11 =	sadd.s32 s10, s11  }
0x7a: {  	[hbm4b:s11+s3] =	stream.linear.scatter [tilespmem:s23], [sflag:$0x7], $0x4000, $0x38;
	[tilespmem:$0x15000] =	vst v63  }
0x7b: {  	_ =	swait.ge [sflag:s30], $0x4000  }
0x7c: {  	[sflag:s30] =	ssyncset.done $0x0  }
0x7d: {  	[sflag:s30] =	ssyncadd.s32 $0xFFFFC000  }
0x7e: {  	_ =	swait.ge [sflag:s31], $0x4000  }
0x7f: {  	[sflag:s31] =	ssyncset.done $0x0  }
0x80: {  	s12 =	sadd.s32 $0x80, s9;
	[sflag:s31] =	ssyncadd.s32 $0xFFFFC000  }
0x81: {  	[tilespmem:s22], [sflag:$0x1] =	stream.indirect.gather [hbm4b:s4+s21], $0x80, s12, s21, $0xb8;
	[tilespmem:$0x15000] =	vst v63  }
0x82: {  	s12 =	sadd.s32 $0x80, s8  }
0x83: {  	[tilespmem:s23], [sflag:$0x3] =	stream.indirect.gather [hbm4b:s2+s21], $0x80, s12, s21, $0xb8;
	[tilespmem:$0x15000] =	vst v63  }
0x84: {  	_ =	swait.ge [sflag:s25], $0x4000  }
0x85: {  	p0 =	sne.s32 s7, $0x25000;
	[sflag:s25] =	ssyncset.done $0x0  }
.Ltmp0:
0x86: {  	[sflag:s25] =	ssyncadd.s32 $0xFFFFC000;
	(pc) =	sbr.rel @p0 .LBB2_2-.Ltmp0, $4  }
0x87: {  	s7 =	sadd.s32 $0x1000, s7;
	_ =	swait.ge [sflag:s1], $0x4000  }
0x88: {  	s9 =	sadd.s32 $0x100, s9;
	s8 =	sadd.s32 $0x100, s8;
	[sflag:s1] =	ssyncset.done $0x0  }
0x89: {  	s12 =	sadd.s32 s10, s17;
	s10 =	sadd.s32 s10, s18;
	[sflag:s1] =	ssyncadd.s32 $0xFFFFC000  }
0x8a: {  	[hbm4b:s12+s3] =	stream.linear.scatter [tilespmem:s24], [sflag:$0x6], $0x4000, $0x38;
	[tilespmem:$0x15000] =	vst v63  }
0x8b: {  	[hbm4b:s10+s3] =	stream.linear.scatter [tilespmem:s26], [sflag:$0x8], $0x4000, $0x38;
	[tilespmem:$0x15000] =	vst v63  }
0x8c: {  	_ =	swait.ge [sflag:s0], $0x4000  }
0x8d: {  	[sflag:s0] =	ssyncset.done $0x0  }
0x8e: {  	[sflag:s0] =	ssyncadd.s32 $0xFFFFC000  }
0x8f: {  	_ =	swait.ge [sflag:s5], $0x4000  }
0x90: {  	[sflag:s5] =	ssyncset.done $0x0  }
0x91: {  	s7 =	simm.s32 $0x2780;
	[sflag:s5] =	ssyncadd.s32 $0xFFFFC000  }
0x92: {  	[tilespmem:s24], [sflag:$0x2] =	stream.indirect.gather [hbm4b:s4+s21], $0x80, s7, s21, $0xb8;
	[tilespmem:$0x15000] =	vst v63  }
0x93: {  	s10 =	simm.s32 $0x4F80  }
0x94: {  	[tilespmem:s26], [sflag:$0x4] =	stream.indirect.gather [hbm4b:s2+s21], $0x80, s10, s21, $0xb8;
	[tilespmem:$0x15000] =	vst v63  }
0x95: {  	_ =	swait.ge [sflag:s28], $0x4000  }
0x96: {  	[sflag:s28] =	ssyncset.done $0x0  }
0x97: {  	[sflag:s28] =	ssyncadd.s32 $0xFFFFC000  }
0x98: {  	_ =	swait.ge [sflag:s29], $0x4000  }
0x99: {  	[sflag:s29] =	ssyncset.done $0x0  }
0x9a: {  	s11 =	rddreg [dreg:$0xb];
	[sflag:s29] =	ssyncadd.s32 $0xFFFFC000  }
0x9b: {  	[hbm4b:s11+s3] =	stream.linear.scatter [tilespmem:s22], [sflag:$0x5], $0x4000, $0x38;
	[tilespmem:$0x15000] =	vst v63  }
0x9c: {  	_ = 	snop  }
0x9d: {  	[hbm4b:s13+s3] =	stream.linear.scatter [tilespmem:s23], [sflag:$0x7], $0x4000, $0x38;
	[tilespmem:$0x15000] =	vst v63  }
0x9e: {  	_ =	swait.ge [sflag:s30], $0x4000  }
0x9f: {  	[sflag:s30] =	ssyncset.done $0x0  }
0xa0: {  	[sflag:s30] =	ssyncadd.s32 $0xFFFFC000  }
0xa1: {  	_ =	swait.ge [sflag:s31], $0x4000  }
0xa2: {  	[sflag:s31] =	ssyncset.done $0x0  }
0xa3: {  	[sflag:s31] =	ssyncadd.s32 $0xFFFFC000  }
0xa4: {  	_ =	swait.ge [sflag:s25], $0x4000  }
0xa5: {  	[sflag:s25] =	ssyncset.done $0x0  }
0xa6: {  	[sflag:s25] =	ssyncadd.s32 $0xFFFFC000  }
0xa7: {  	_ =	swait.ge [sflag:s1], $0x4000  }
0xa8: {  	[sflag:s1] =	ssyncset.done $0x0  }
0xa9: {  	[sflag:s1] =	ssyncadd.s32 $0xFFFFC000  }
0xaa: {  	[hbm4b:s14+s3] =	stream.linear.scatter [tilespmem:s24], [sflag:$0x6], $0x4000, $0x38;
	[tilespmem:$0x15000] =	vst v63  }
0xab: {  	_ = 	snop  }
0xac: {  	[hbm4b:s15+s3] =	stream.linear.scatter [tilespmem:s26], [sflag:$0x8], $0x4000, $0x38;
	[tilespmem:$0x15000] =	vst v63  }
0xad: {  	_ =	swait.ge [sflag:s0], $0x4000  }
0xae: {  	[sflag:s0] =	ssyncset.done $0x0  }
0xaf: {  	[sflag:s0] =	ssyncadd.s32 $0xFFFFC000  }
0xb0: {  	_ =	swait.ge [sflag:s5], $0x4000  }
0xb1: {  	s6 =	sadd.s32 $0x1, s6;
	s12 =	rddreg [dreg:$0x6]  }
0xb2: {  	p0 =	sne.s32 s6, s12  }
.Ltmp1:
0xb3: {  	_ = 	snop;
	(pc) =	sbr.rel @p0 .LBB2_1-.Ltmp1, $3  }
0xb4: {  	_ =	sdelay $0x1  }
0xb5: {  	[sflag:s5] =	ssyncset.done $0x0  }
0xb6: {  	[sflag:s5] =	ssyncadd.s32 $0xFFFFC000  }
0xb7: {  	_ =	sfence.sel $0x180000  }
0xb8: {  	[bflag:$0x0] =	sbarrier.arrive $0xFFFF  }
0xb9: {  	_ =	strace $0x90000047  }
0xba: {  	s0 =	stileid.u32;
	[bflag:$0x2] =	sbarrier.arrive $0xFFFF  }
0xbb: {  	p0 =	sne.s32 s0, $0x0;
	s0 =	rddreg [dreg:$0x2]  }
0xbc: {  	s0 =	sadd.s32 @!p0 $0x100000, s0  }
0xbd: {  	[sflag:s0] =	ssyncadd.tile.s32 @!p0 $0x1;
	_ =	shalt  }
.Lfunc_end2:
_tile_overlayer_lowered:
.L_overlay_start_2:
0xbe: {  	(tag) =	ssettag $0x2  }
0xbf: {  	s0 =	rddreg [dreg:$0x0];
	s2 =	stileid.u32  }
0xc0: {  	s1 =	rddreg [dreg:$0x1];
	p0 =	sne.s32 s2, $0x0  }
0xc1: {  	s3 =	rddreg [dreg:$0x2];
	[bflag:$0x3] =	sbarrier.arrive $0xFFFF;
	s2 =	simm.s32 @!p0 $0x1C09  }
0xc2: {  	[timem:s3], [sflag:s2] =	dma.local @!p0 [hbm:s0], s1  }
0xc3: {  	s0 =	simm.s32 @!p0 $0x9  }
0xc4: {  	_ =	swait.ge @!p0 [sflag:s0], s1  }
0xc5: {  	s1 =	ssub.s32 @!p0 $0x0, s1;
	[sflag:s0] =	ssyncset.done @!p0 $0x0  }
0xc6: {  	[sflag:s0] =	ssyncadd.s32 @!p0 s1  }
0xc7: {  	[bflag:$0x3] =	sbarrier.arrive $0xFFFF  }
0xc8: {  	_ =	shalt  }

</sc_bundles>
